<compile_context>
chip_gen: v7x
topology: tpu7x:2x2x1
jax: 0.10.2.dev20260603
libtpu: 0.0.44.dev20260713+nightly
codegen_flags: <defaults>
</compile_context>

<pallas_src>
import functools

import jax
import jax.numpy as jnp
from jax import lax
from jax.experimental import pallas as pl
from jax.experimental.pallas import tpu as pltpu
from jax.experimental.pallas import tpu_sc as plsc

N = 10000
D = 128
DW = 8
E = 320000
NC = 2
NS = 16
CH = 125
EPT = E // NS
NCH = EPT // CH
NR = 4
NP = 10240
RPT = NP // NS

_mesh = plsc.VectorSubcoreMesh(core_axis_name="c", subcore_axis_name="s")

_CONTRACT_LAST = (((1,), (1,)), ((), ()))


def _direction(table, edges, zrs, zrsd, ones, out, outd, cid, sid,
               src_v, dst_v, rows, ones_v, acc, accd,
               sem_g, sem_s, sem_d, deg):
    pltpu.sync_copy(edges.at[0, sid], src_v)
    pltpu.sync_copy(edges.at[1, sid], dst_v)
    r0 = sid * RPT
    pltpu.sync_copy(zrs.at[pl.ds(r0, RPT)], acc.at[pl.ds(r0, RPT)])
    if deg:
        pltpu.sync_copy(zrsd.at[pl.ds(r0, RPT)], accd.at[pl.ds(r0, RPT)])
        pltpu.sync_copy(ones, ones_v)
    plsc.subcore_barrier()

    def gather(c, u):
        pltpu.async_copy(table.at[src_v.at[c]], rows[u], sem_g[u])

    def drain_gather(u):
        pltpu.make_async_copy(table.at[src_v.at[0]], rows[u],
                              sem_g[u]).wait()

    def scatter(c, u):
        pltpu.async_copy(rows[u], acc.at[dst_v.at[c]], sem_s[u],
                         add=True)
        if deg:
            pltpu.async_copy(ones_v, accd.at[dst_v.at[c]], sem_d, add=True)

    def drain_scatter(u):
        pltpu.make_async_copy(rows[u], acc.at[dst_v.at[0]],
                              sem_s[u]).wait()

    for u in range(NR - 1):
        gather(u, u)

    def step(j, carry):
        for u in range(NR):
            c = j * NR + u
            v = (u + NR - 1) % NR
            drain_gather(u)
            scatter(c, u)

            @pl.when(c + NR - 1 < NCH)
            def _():
                @pl.when(c > 0)
                def _():
                    drain_scatter(v)
                gather(c + NR - 1, v)

        return carry

    lax.fori_loop(0, NCH // NR, step, 0)

    for u in range(NR):
        drain_scatter(u)
    if deg:
        def drain_deg(i, carry):
            pltpu.make_async_copy(ones_v, accd.at[dst_v.at[0]], sem_d).wait()
            return carry
        lax.fori_loop(0, NCH, drain_deg, 0)

    plsc.subcore_barrier()
    pltpu.sync_copy(acc.at[pl.ds(r0, RPT)], out.at[cid, pl.ds(r0, RPT)])
    if deg:
        pltpu.sync_copy(accd.at[pl.ds(r0, RPT)], outd.at[cid, pl.ds(r0, RPT)])


def _make_segsum(deg):
    def body(table_a, table_b, e0, e1, zrs, zrsd, ones, *refs):
        if deg:
            out, outd = refs[0], refs[1]
            rest = refs[2:]
        else:
            out, outd = refs[0], None
            rest = refs[1:]
        src_v, dst_v = rest[0], rest[1]
        rows = rest[2:2 + NR]
        ones_v, acc, accd = rest[2 + NR:5 + NR]
        sem_g = rest[5 + NR:5 + 2 * NR]
        sem_s = rest[5 + 2 * NR:5 + 3 * NR]
        sem_d = rest[5 + 3 * NR]
        cid = lax.axis_index("c")
        sid = lax.axis_index("s")
        args = (zrs, zrsd, ones, out, outd, cid, sid, src_v, dst_v,
                rows, ones_v, acc, accd, sem_g, sem_s, sem_d)

        @pl.when(cid == 0)
        def _():
            _direction(table_b, e0, *args, deg=deg)

        @pl.when(cid == 1)
        def _():
            _direction(table_a, e1, *args, deg=deg)

    out_type = [jax.ShapeDtypeStruct((NC, NP, D), jnp.bfloat16)]
    scratch = [
        pltpu.VMEM((NCH, CH), jnp.int32),
        pltpu.VMEM((NCH, CH), jnp.int32),
    ]
    scratch += [pltpu.VMEM((CH, D), jnp.bfloat16) for _ in range(NR)]
    scratch += [
        pltpu.VMEM((CH, DW), jnp.float32),
        pltpu.VMEM_SHARED((NP, D), jnp.bfloat16),
    ]
    if deg:
        out_type.append(jax.ShapeDtypeStruct((NC, NP, DW), jnp.float32))
        scratch.append(pltpu.VMEM_SHARED((NP, DW), jnp.float32))
    else:
        scratch.append(pltpu.VMEM((8, DW), jnp.float32))
    scratch += [pltpu.SemaphoreType.DMA] * (2 * NR + 1)

    return pl.kernel(
        body,
        mesh=_mesh,
        out_type=tuple(out_type),
        scratch_types=scratch,
        compiler_params=pltpu.CompilerParams(use_tc_tiling_on_sc=False),
    )


_segsum_deg = _make_segsum(deg=True)
_segsum = _make_segsum(deg=False)


_TCR = 1024
_FB = _TCR * D


def _sage_tc_body(p, dg, x, wl, wr, b, scale, beta, out, *, lrelu):
    inv = 1.0 / jnp.maximum(dg[0][:, :1], 1.0)
    agg = p[...].reshape(_TCR, D).astype(jnp.float32) * inv
    xb = x[...].reshape(_TCR, D).astype(jnp.float32)
    h = (lax.dot_general(agg, wl[...], _CONTRACT_LAST,
                         preferred_element_type=jnp.float32)
         + lax.dot_general(xb, wr[...], _CONTRACT_LAST,
                           preferred_element_type=jnp.float32)
         + b[...])
    h = h * scale[...] + beta[...]
    if lrelu:
        h = jnp.where(h >= 0.0, h, 0.01 * h)
    if out.dtype == jnp.bfloat16:
        out[...] = h.astype(jnp.bfloat16).reshape(_FB)
    else:
        out[...] = h


def _make_tc(side, lrelu, odtype):
    if odtype == jnp.bfloat16:
        out_spec = pl.BlockSpec((_FB,), lambda i: (i,))
        out_shape = jax.ShapeDtypeStruct((NP * D,), jnp.bfloat16)
    else:
        out_spec = pl.BlockSpec((_TCR, D), lambda i: (i, 0))
        out_shape = jax.ShapeDtypeStruct((NP, D), jnp.float32)
    return pl.pallas_call(
        functools.partial(_sage_tc_body, lrelu=lrelu),
        grid=(NP // _TCR,),
        in_specs=[
            pl.BlockSpec((_FB,), lambda i: (side * (NP // _TCR) + i,)),
            pl.BlockSpec((1, _TCR, DW), lambda i: (side, i, 0)),
            pl.BlockSpec((_FB,), lambda i: (i,)),
            pl.BlockSpec((D, D), lambda i: (0, 0)),
            pl.BlockSpec((D, D), lambda i: (0, 0)),
            pl.BlockSpec((1, D), lambda i: (0, 0)),
            pl.BlockSpec((1, D), lambda i: (0, 0)),
            pl.BlockSpec((1, D), lambda i: (0, 0)),
        ],
        out_specs=out_spec,
        out_shape=out_shape,
    )


_tc_user_l1 = _make_tc(0, True, jnp.bfloat16)
_tc_item_l1 = _make_tc(1, True, jnp.bfloat16)
_tc_user_l2 = _make_tc(0, False, jnp.float32)
_tc_item_l2 = _make_tc(1, False, jnp.float32)


def kernel(x_user, x_item, edge_index_rates, edge_index_rev_rates,
           W1l_ui, b1_ui, W1r_ui, W1l_iu, b1_iu, W1r_iu, gamma1, beta1,
           W2l_ui, b2_ui, W2r_ui, W2l_iu, b2_iu, W2r_iu, gamma2, beta2):
    e0 = edge_index_rev_rates.astype(jnp.int32).reshape(2, NS, NCH, CH)
    e1 = edge_index_rates.astype(jnp.int32).reshape(2, NS, NCH, CH)
    pad = ((0, NP - N), (0, 0))
    xu = jnp.pad(x_user, pad).astype(jnp.bfloat16)
    xi = jnp.pad(x_item, pad).astype(jnp.bfloat16)
    zrs = jnp.zeros((NP, D), jnp.bfloat16)
    zrsd = jnp.zeros((NP, DW), jnp.float32)
    ones = jnp.ones((CH, DW), jnp.float32)

    bn = 1.0 / jnp.sqrt(1.0 + 1e-5)
    s1 = (gamma1 * bn).reshape(1, D)
    s2 = (gamma2 * bn).reshape(1, D)
    be1 = beta1.reshape(1, D)
    be2 = beta2.reshape(1, D)

    p, dg = _segsum_deg(xu, xi, e0, e1, zrs, zrsd, ones)
    p1d = p.reshape(NC * NP * D)
    h_user = _tc_user_l1(p1d, dg, xu.reshape(NP * D), W1l_iu, W1r_iu,
                         b1_iu.reshape(1, D), s1, be1)
    h_item = _tc_item_l1(p1d, dg, xi.reshape(NP * D), W1l_ui, W1r_ui,
                         b1_ui.reshape(1, D), s1, be1)

    (q,) = _segsum(h_user.reshape(NP, D), h_item.reshape(NP, D),
                   e0, e1, zrs, zrsd, ones)
    q1d = q.reshape(NC * NP * D)
    o_user = _tc_user_l2(q1d, dg, h_user, W2l_iu, W2r_iu,
                         b2_iu.reshape(1, D), s2, be2)
    o_item = _tc_item_l2(q1d, dg, h_item, W2l_ui, W2r_ui,
                         b2_ui.reshape(1, D), s2, be2)
    return (o_user[:N], o_item[:N])

# --- scband reference (transcript-rebuilt; emitter-appended) ---
"""Pipeline reference for scband-hetero-graph-sage-31404800868870 (READ-ONLY COPY).

The authoritative reference and input builder live on the scoring server;
editing this copy changes nothing except your own understanding.
"""

import jax, jax.numpy as jnp
import numpy as np

N_USER = 10000
N_ITEM = 10000
D = 128
H = 128
E = 320000


def setup_inputs(seed: int = 0) -> dict:
    key = jax.random.key(seed)
    ks = jax.random.split(key, 24)
    inp = {}
    inp["x_user"] = jax.random.normal(ks[0], (N_USER, D), jnp.float32)
    inp["x_item"] = jax.random.normal(ks[1], (N_ITEM, D), jnp.float32)
    inp["edge_index_rates"] = jnp.stack([
        jax.random.randint(ks[2], (E,), 0, N_USER),
        jax.random.randint(ks[3], (E,), 0, N_ITEM),
    ])
    inp["edge_index_rev_rates"] = jnp.stack([
        jax.random.randint(ks[4], (E,), 0, N_ITEM),
        jax.random.randint(ks[5], (E,), 0, N_USER),
    ])
    s = 0.05
    # conv1 ('user','rates','item'): lin_l (neighbor/user side), lin_r (root/item side)
    inp["W1l_ui"] = jax.random.normal(ks[6], (H, D), jnp.float32) * s
    inp["b1_ui"] = jnp.zeros((H,), jnp.float32)
    inp["W1r_ui"] = jax.random.normal(ks[7], (H, D), jnp.float32) * s
    # conv1 ('item','rev_rates','user')
    inp["W1l_iu"] = jax.random.normal(ks[8], (H, D), jnp.float32) * s
    inp["b1_iu"] = jnp.zeros((H,), jnp.float32)
    inp["W1r_iu"] = jax.random.normal(ks[9], (H, D), jnp.float32) * s
    inp["gamma1"] = jnp.ones((H,), jnp.float32)
    inp["beta1"] = jnp.zeros((H,), jnp.float32)
    # conv2
    inp["W2l_ui"] = jax.random.normal(ks[10], (H, H), jnp.float32) * s
    inp["b2_ui"] = jnp.zeros((H,), jnp.float32)
    inp["W2r_ui"] = jax.random.normal(ks[11], (H, H), jnp.float32) * s
    inp["W2l_iu"] = jax.random.normal(ks[12], (H, H), jnp.float32) * s
    inp["b2_iu"] = jnp.zeros((H,), jnp.float32)
    inp["W2r_iu"] = jax.random.normal(ks[13], (H, H), jnp.float32) * s
    inp["gamma2"] = jnp.ones((H,), jnp.float32)
    inp["beta2"] = jnp.zeros((H,), jnp.float32)
    return inp


def _sage(x_src, x_dst, ei, Wl, bl, Wr):
    # PyG SAGEConv (aggr='mean'): out = lin_l(mean_j x_j) + lin_r(x_dst)
    src, dst = ei[0], ei[1]
    msg = jnp.take(x_src, src, axis=0)
    nd = x_dst.shape[0]
    agg_sum = jax.ops.segment_sum(msg, dst, num_segments=nd)
    deg = jax.ops.segment_sum(jnp.ones((msg.shape[0],), jnp.float32), dst, num_segments=nd)
    agg = agg_sum / jnp.clip(deg, 1.0)[:, None]
    return agg @ Wl.T + bl + x_dst @ Wr.T


def _bn_eval(x, g, b):
    # BatchNorm1d eval mode with fresh running stats (mean=0, var=1)
    return x * (g / jnp.sqrt(1.0 + 1e-5)) + b


def reference(x_user, x_item, edge_index_rates, edge_index_rev_rates,
              W1l_ui, b1_ui, W1r_ui, W1l_iu, b1_iu, W1r_iu, gamma1, beta1,
              W2l_ui, b2_ui, W2r_ui, W2l_iu, b2_iu, W2r_iu, gamma2, beta2):
    h_item = _sage(x_user, x_item, edge_index_rates, W1l_ui, b1_ui, W1r_ui)
    h_user = _sage(x_item, x_user, edge_index_rev_rates, W1l_iu, b1_iu, W1r_iu)
    h_item = jax.nn.leaky_relu(_bn_eval(h_item, gamma1, beta1), 0.01)
    h_user = jax.nn.leaky_relu(_bn_eval(h_user, gamma1, beta1), 0.01)
    # dropout is identity in eval mode
    o_item = _bn_eval(_sage(h_user, h_item, edge_index_rates, W2l_ui, b2_ui, W2r_ui), gamma2, beta2)
    o_user = _bn_eval(_sage(h_item, h_user, edge_index_rev_rates, W2l_iu, b2_iu, W2r_iu), gamma2, beta2)
    return (o_user, o_item)

if __name__ == "__main__":
    import jax
    _d = setup_inputs()
    print(jax.jit(kernel)(*tuple(_d.values())))

</pallas_src>

<mosaic_0001>
#map = affine_map<(d0, d1) -> (0, 0)>
#map1 = affine_map<(d0, d1) -> (0, 0, 0, 0)>
#map2 = affine_map<(d0, d1) -> (0, 0, 0)>
module attributes {stable_mosaic.version = 14 : i64} {
  func.func @body(%arg0: i32, %arg1: i32, %arg2: memref<10240x128xbf16, #tpu.memory_space<hbm>>, %arg3: memref<10240x128xbf16, #tpu.memory_space<hbm>>, %arg4: memref<2x16x160x125xi32, #tpu.memory_space<hbm>>, %arg5: memref<2x16x160x125xi32, #tpu.memory_space<hbm>>, %arg6: memref<10240x128xbf16, #tpu.memory_space<hbm>>, %arg7: memref<10240x8xf32, #tpu.memory_space<hbm>>, %arg8: memref<125x8xf32, #tpu.memory_space<hbm>>, %arg9: memref<2x10240x128xbf16, #tpu.memory_space<hbm>>, %arg10: memref<2x10240x8xf32, #tpu.memory_space<hbm>>, %arg11: memref<160x125xi32, #tpu.memory_space<vmem>>, %arg12: memref<160x125xi32, #tpu.memory_space<vmem>>, %arg13: memref<125x128xbf16, #tpu.memory_space<vmem>>, %arg14: memref<125x128xbf16, #tpu.memory_space<vmem>>, %arg15: memref<125x128xbf16, #tpu.memory_space<vmem>>, %arg16: memref<125x128xbf16, #tpu.memory_space<vmem>>, %arg17: memref<125x8xf32, #tpu.memory_space<vmem>>, %arg18: memref<10240x128xbf16, #tpu.memory_space<vmem_shared>>, %arg19: memref<10240x8xf32, #tpu.memory_space<vmem_shared>>, %arg20: memref<!tpu.dma_semaphore, #tpu.memory_space<semaphore_mem>>, %arg21: memref<!tpu.dma_semaphore, #tpu.memory_space<semaphore_mem>>, %arg22: memref<!tpu.dma_semaphore, #tpu.memory_space<semaphore_mem>>, %arg23: memref<!tpu.dma_semaphore, #tpu.memory_space<semaphore_mem>>, %arg24: memref<!tpu.dma_semaphore, #tpu.memory_space<semaphore_mem>>, %arg25: memref<!tpu.dma_semaphore, #tpu.memory_space<semaphore_mem>>, %arg26: memref<!tpu.dma_semaphore, #tpu.memory_space<semaphore_mem>>, %arg27: memref<!tpu.dma_semaphore, #tpu.memory_space<semaphore_mem>>, %arg28: memref<!tpu.dma_semaphore, #tpu.memory_space<semaphore_mem>>) attributes {dimension_semantics = [#tpu.dimension_semantics<core_parallel>, #tpu.dimension_semantics<subcore_parallel>], iteration_bounds = array<i64: 2, 16>, scalar_prefetch = 0 : i64, scratch_operands = 18 : i64, tpu.core_type = #tpu.core_type<sc_vector_subcore>, window_params = [{transform_indices = #map}, {transform_indices = #map}, {transform_indices = #map1}, {transform_indices = #map1}, {transform_indices = #map}, {transform_indices = #map}, {transform_indices = #map}, {transform_indices = #map2}, {transform_indices = #map2}]} {
    %eq3A = arith.constant 0 : i32
    %eq3A_0 = arith.cmpi eq, %arg0, %eq3A : i32
    %convert_element_type3A = arith.extui %eq3A_0 : i1 to i32
    %cond3A = arith.constant 0 : i32
    %cond3A_1 = arith.cmpi ne, %convert_element_type3A, %cond3A : i32
    scf.if %cond3A_1 {
      %run_scoped3A = arith.constant 0 : i32
      "tpu.region"() ({
        %run_scoped3A_68 = tpu.sem_alloc : memref<!tpu.dma_semaphore, #tpu.memory_space<semaphore_mem>>
        %dma_start3A_69 = arith.constant 0 : i32
        %dma_start3A_70 = arith.constant 0 : i32
        %dma_start3A_71 = tpu.memref_slice %arg4[%run_scoped3A, %arg1, %dma_start3A_69, %dma_start3A_70] : memref<2x16x160x125xi32, #tpu.memory_space<hbm>> -> memref<1x1x160x125xi32, #tpu.memory_space<hbm>>
        %dma_start3A_72 = tpu.memref_squeeze %dma_start3A_71 : memref<1x1x160x125xi32, #tpu.memory_space<hbm>> -> memref<160x125xi32, #tpu.memory_space<hbm>>
        %dma_start3A_73 = arith.constant 0 : i32
        %dma_start3A_74 = arith.constant 0 : i32
        %dma_start3A_75 = tpu.memref_slice %arg4[%run_scoped3A, %arg1, %dma_start3A_73, %dma_start3A_74] : memref<2x16x160x125xi32, #tpu.memory_space<hbm>> -> memref<1x1x160x125xi32, #tpu.memory_space<hbm>>
        %dma_start3A_76 = tpu.memref_squeeze %dma_start3A_75 : memref<1x1x160x125xi32, #tpu.memory_space<hbm>> -> memref<160x125xi32, #tpu.memory_space<hbm>>
        tpu.enqueue_dma source(%dma_start3A_76 : memref<160x125xi32, #tpu.memory_space<hbm>>) target(%arg11 : memref<160x125xi32, #tpu.memory_space<vmem>>) target_semaphore(%run_scoped3A_68 : memref<!tpu.dma_semaphore, #tpu.memory_space<semaphore_mem>>)
        %dma_wait3A_77 = arith.constant 0 : i32
        %dma_wait3A_78 = arith.constant 0 : i32
        %dma_wait3A_79 = tpu.memref_slice %arg4[%run_scoped3A, %arg1, %dma_wait3A_77, %dma_wait3A_78] : memref<2x16x160x125xi32, #tpu.memory_space<hbm>> -> memref<1x1x160x125xi32, #tpu.memory_space<hbm>>
        %dma_wait3A_80 = tpu.memref_squeeze %dma_wait3A_79 : memref<1x1x160x125xi32, #tpu.memory_space<hbm>> -> memref<160x125xi32, #tpu.memory_space<hbm>>
        %dma_wait3A_81 = arith.constant 0 : i32
        %dma_wait3A_82 = arith.constant 0 : i32
        %dma_wait3A_83 = tpu.memref_slice %arg4[%run_scoped3A, %arg1, %dma_wait3A_81, %dma_wait3A_82] : memref<2x16x160x125xi32, #tpu.memory_space<hbm>> -> memref<1x1x160x125xi32, #tpu.memory_space<hbm>>
        %dma_wait3A_84 = tpu.memref_squeeze %dma_wait3A_83 : memref<1x1x160x125xi32, #tpu.memory_space<hbm>> -> memref<160x125xi32, #tpu.memory_space<hbm>>
        tpu.wait_dma2 semaphore(%run_scoped3A_68 : memref<!tpu.dma_semaphore, #tpu.memory_space<semaphore_mem>>) src(%dma_wait3A_84 : memref<160x125xi32, #tpu.memory_space<hbm>>) dst(%arg11 : memref<160x125xi32, #tpu.memory_space<vmem>>)
        tpu.yield
      }) : () -> ()
      %run_scoped3A_7 = arith.constant 1 : i32
      "tpu.region"() ({
        %run_scoped3A_68 = tpu.sem_alloc : memref<!tpu.dma_semaphore, #tpu.memory_space<semaphore_mem>>
        %dma_start3A_69 = arith.constant 0 : i32
        %dma_start3A_70 = arith.constant 0 : i32
        %dma_start3A_71 = tpu.memref_slice %arg4[%run_scoped3A_7, %arg1, %dma_start3A_69, %dma_start3A_70] : memref<2x16x160x125xi32, #tpu.memory_space<hbm>> -> memref<1x1x160x125xi32, #tpu.memory_space<hbm>>
        %dma_start3A_72 = tpu.memref_squeeze %dma_start3A_71 : memref<1x1x160x125xi32, #tpu.memory_space<hbm>> -> memref<160x125xi32, #tpu.memory_space<hbm>>
        %dma_start3A_73 = arith.constant 0 : i32
        %dma_start3A_74 = arith.constant 0 : i32
        %dma_start3A_75 = tpu.memref_slice %arg4[%run_scoped3A_7, %arg1, %dma_start3A_73, %dma_start3A_74] : memref<2x16x160x125xi32, #tpu.memory_space<hbm>> -> memref<1x1x160x125xi32, #tpu.memory_space<hbm>>
        %dma_start3A_76 = tpu.memref_squeeze %dma_start3A_75 : memref<1x1x160x125xi32, #tpu.memory_space<hbm>> -> memref<160x125xi32, #tpu.memory_space<hbm>>
        tpu.enqueue_dma source(%dma_start3A_76 : memref<160x125xi32, #tpu.memory_space<hbm>>) target(%arg12 : memref<160x125xi32, #tpu.memory_space<vmem>>) target_semaphore(%run_scoped3A_68 : memref<!tpu.dma_semaphore, #tpu.memory_space<semaphore_mem>>)
        %dma_wait3A_77 = arith.constant 0 : i32
        %dma_wait3A_78 = arith.constant 0 : i32
        %dma_wait3A_79 = tpu.memref_slice %arg4[%run_scoped3A_7, %arg1, %dma_wait3A_77, %dma_wait3A_78] : memref<2x16x160x125xi32, #tpu.memory_space<hbm>> -> memref<1x1x160x125xi32, #tpu.memory_space<hbm>>
        %dma_wait3A_80 = tpu.memref_squeeze %dma_wait3A_79 : memref<1x1x160x125xi32, #tpu.memory_space<hbm>> -> memref<160x125xi32, #tpu.memory_space<hbm>>
        %dma_wait3A_81 = arith.constant 0 : i32
        %dma_wait3A_82 = arith.constant 0 : i32
        %dma_wait3A_83 = tpu.memref_slice %arg4[%run_scoped3A_7, %arg1, %dma_wait3A_81, %dma_wait3A_82] : memref<2x16x160x125xi32, #tpu.memory_space<hbm>> -> memref<1x1x160x125xi32, #tpu.memory_space<hbm>>
        %dma_wait3A_84 = tpu.memref_squeeze %dma_wait3A_83 : memref<1x1x160x125xi32, #tpu.memory_space<hbm>> -> memref<160x125xi32, #tpu.memory_space<hbm>>
        tpu.wait_dma2 semaphore(%run_scoped3A_68 : memref<!tpu.dma_semaphore, #tpu.memory_space<semaphore_mem>>) src(%dma_wait3A_84 : memref<160x125xi32, #tpu.memory_space<hbm>>) dst(%arg12 : memref<160x125xi32, #tpu.memory_space<vmem>>)
        tpu.yield
      }) : () -> ()
      %mul3A = arith.constant 640 : i32
      %mul3A_8 = arith.muli %arg1, %mul3A : i32
      "tpu.region"() ({
        %run_scoped3A_68 = tpu.sem_alloc : memref<!tpu.dma_semaphore, #tpu.memory_space<semaphore_mem>>
        %dma_start3A_69 = arith.constant 0 : i32
        %dma_start3A_70 = tpu.memref_slice %arg18[%mul3A_8, %dma_start3A_69] : memref<10240x128xbf16, #tpu.memory_space<vmem_shared>> -> memref<640x128xbf16, #tpu.memory_space<vmem_shared>>
        %dma_start3A_71 = arith.constant 0 : i32
        %dma_start3A_72 = tpu.memref_slice %arg6[%mul3A_8, %dma_start3A_71] : memref<10240x128xbf16, #tpu.memory_space<hbm>> -> memref<640x128xbf16, #tpu.memory_space<hbm>>
        tpu.enqueue_dma source(%dma_start3A_72 : memref<640x128xbf16, #tpu.memory_space<hbm>>) target(%dma_start3A_70 : memref<640x128xbf16, #tpu.memory_space<vmem_shared>>) target_semaphore(%run_scoped3A_68 : memref<!tpu.dma_semaphore, #tpu.memory_space<semaphore_mem>>)
        %dma_wait3A_73 = arith.constant 0 : i32
        %dma_wait3A_74 = tpu.memref_slice %arg18[%mul3A_8, %dma_wait3A_73] : memref<10240x128xbf16, #tpu.memory_space<vmem_shared>> -> memref<640x128xbf16, #tpu.memory_space<vmem_shared>>
        %dma_wait3A_75 = arith.constant 0 : i32
        %dma_wait3A_76 = tpu.memref_slice %arg6[%mul3A_8, %dma_wait3A_75] : memref<10240x128xbf16, #tpu.memory_space<hbm>> -> memref<640x128xbf16, #tpu.memory_space<hbm>>
        tpu.wait_dma2 semaphore(%run_scoped3A_68 : memref<!tpu.dma_semaphore, #tpu.memory_space<semaphore_mem>>) src(%dma_wait3A_76 : memref<640x128xbf16, #tpu.memory_space<hbm>>) dst(%dma_wait3A_74 : memref<640x128xbf16, #tpu.memory_space<vmem_shared>>)
        tpu.yield
      }) : () -> ()
      "tpu.region"() ({
        %run_scoped3A_68 = tpu.sem_alloc : memref<!tpu.dma_semaphore, #tpu.memory_space<semaphore_mem>>
        %dma_start3A_69 = arith.constant 0 : i32
        %dma_start3A_70 = tpu.memref_slice %arg19[%mul3A_8, %dma_start3A_69] : memref<10240x8xf32, #tpu.memory_space<vmem_shared>> -> memref<640x8xf32, #tpu.memory_space<vmem_shared>>
        %dma_start3A_71 = arith.constant 0 : i32
        %dma_start3A_72 = tpu.memref_slice %arg7[%mul3A_8, %dma_start3A_71] : memref<10240x8xf32, #tpu.memory_space<hbm>> -> memref<640x8xf32, #tpu.memory_space<hbm>>
        tpu.enqueue_dma source(%dma_start3A_72 : memref<640x8xf32, #tpu.memory_space<hbm>>) target(%dma_start3A_70 : memref<640x8xf32, #tpu.memory_space<vmem_shared>>) target_semaphore(%run_scoped3A_68 : memref<!tpu.dma_semaphore, #tpu.memory_space<semaphore_mem>>)
        %dma_wait3A_73 = arith.constant 0 : i32
        %dma_wait3A_74 = tpu.memref_slice %arg19[%mul3A_8, %dma_wait3A_73] : memref<10240x8xf32, #tpu.memory_space<vmem_shared>> -> memref<640x8xf32, #tpu.memory_space<vmem_shared>>
        %dma_wait3A_75 = arith.constant 0 : i32
        %dma_wait3A_76 = tpu.memref_slice %arg7[%mul3A_8, %dma_wait3A_75] : memref<10240x8xf32, #tpu.memory_space<hbm>> -> memref<640x8xf32, #tpu.memory_space<hbm>>
        tpu.wait_dma2 semaphore(%run_scoped3A_68 : memref<!tpu.dma_semaphore, #tpu.memory_space<semaphore_mem>>) src(%dma_wait3A_76 : memref<640x8xf32, #tpu.memory_space<hbm>>) dst(%dma_wait3A_74 : memref<640x8xf32, #tpu.memory_space<vmem_shared>>)
        tpu.yield
      }) : () -> ()
      "tpu.region"() ({
        %run_scoped3A_68 = tpu.sem_alloc : memref<!tpu.dma_semaphore, #tpu.memory_space<semaphore_mem>>
        tpu.enqueue_dma source(%arg8 : memref<125x8xf32, #tpu.memory_space<hbm>>) target(%arg17 : memref<125x8xf32, #tpu.memory_space<vmem>>) target_semaphore(%run_scoped3A_68 : memref<!tpu.dma_semaphore, #tpu.memory_space<semaphore_mem>>)
        tpu.wait_dma2 semaphore(%run_scoped3A_68 : memref<!tpu.dma_semaphore, #tpu.memory_space<semaphore_mem>>) src(%arg8 : memref<125x8xf32, #tpu.memory_space<hbm>>) dst(%arg17 : memref<125x8xf32, #tpu.memory_space<vmem>>)
        tpu.yield
      }) : () -> ()
      %barrier3A = arith.constant 0 : index
      tpu.barrier barrier_id(%barrier3A)
      %dma_start3A = arith.constant 0 : i32
      %dma_start3A_9 = arith.constant 0 : i32
      %dma_start3A_10 = tpu.memref_slice %arg11[%dma_start3A, %dma_start3A_9] : memref<160x125xi32, #tpu.memory_space<vmem>> -> memref<1x125xi32, #tpu.memory_space<vmem>>
      %dma_start3A_11 = tpu.memref_squeeze %dma_start3A_10 : memref<1x125xi32, #tpu.memory_space<vmem>> -> memref<125xi32, #tpu.memory_space<vmem>>
      %dma_start3A_12 = arith.constant 0 : i32
      %dma_start3A_13 = arith.constant 0 : i32
      %dma_start3A_14 = tpu.memref_slice %arg3[%dma_start3A_12, %dma_start3A_13] : memref<10240x128xbf16, #tpu.memory_space<hbm>> -> memref<10240x128xbf16, #tpu.memory_space<hbm>>
      tpu.enqueue_indirect_dma source(%dma_start3A_14 : memref<10240x128xbf16, #tpu.memory_space<hbm>>) target(%arg13 : memref<125x128xbf16, #tpu.memory_space<vmem>>) offsets(%dma_start3A_11 : memref<125xi32, #tpu.memory_space<vmem>>) semaphore(%arg20 : memref<!tpu.dma_semaphore, #tpu.memory_space<semaphore_mem>>)
      %dma_start3A_15 = arith.constant 1 : i32
      %dma_start3A_16 = arith.constant 0 : i32
      %dma_start3A_17 = tpu.memref_slice %arg11[%dma_start3A_15, %dma_start3A_16] : memref<160x125xi32, #tpu.memory_space<vmem>> -> memref<1x125xi32, #tpu.memory_space<vmem>>
      %dma_start3A_18 = tpu.memref_squeeze %dma_start3A_17 : memref<1x125xi32, #tpu.memory_space<vmem>> -> memref<125xi32, #tpu.memory_space<vmem>>
      %dma_start3A_19 = arith.constant 0 : i32
      %dma_start3A_20 = arith.constant 0 : i32
      %dma_start3A_21 = tpu.memref_slice %arg3[%dma_start3A_19, %dma_start3A_20] : memref<10240x128xbf16, #tpu.memory_space<hbm>> -> memref<10240x128xbf16, #tpu.memory_space<hbm>>
      tpu.enqueue_indirect_dma source(%dma_start3A_21 : memref<10240x128xbf16, #tpu.memory_space<hbm>>) target(%arg14 : memref<125x128xbf16, #tpu.memory_space<vmem>>) offsets(%dma_start3A_18 : memref<125xi32, #tpu.memory_space<vmem>>) semaphore(%arg21 : memref<!tpu.dma_semaphore, #tpu.memory_space<semaphore_mem>>)
      %dma_start3A_22 = arith.constant 2 : i32
      %dma_start3A_23 = arith.constant 0 : i32
      %dma_start3A_24 = tpu.memref_slice %arg11[%dma_start3A_22, %dma_start3A_23] : memref<160x125xi32, #tpu.memory_space<vmem>> -> memref<1x125xi32, #tpu.memory_space<vmem>>
      %dma_start3A_25 = tpu.memref_squeeze %dma_start3A_24 : memref<1x125xi32, #tpu.memory_space<vmem>> -> memref<125xi32, #tpu.memory_space<vmem>>
      %dma_start3A_26 = arith.constant 0 : i32
      %dma_start3A_27 = arith.constant 0 : i32
      %dma_start3A_28 = tpu.memref_slice %arg3[%dma_start3A_26, %dma_start3A_27] : memref<10240x128xbf16, #tpu.memory_space<hbm>> -> memref<10240x128xbf16, #tpu.memory_space<hbm>>
      tpu.enqueue_indirect_dma source(%dma_start3A_28 : memref<10240x128xbf16, #tpu.memory_space<hbm>>) target(%arg15 : memref<125x128xbf16, #tpu.memory_space<vmem>>) offsets(%dma_start3A_25 : memref<125xi32, #tpu.memory_space<vmem>>) semaphore(%arg22 : memref<!tpu.dma_semaphore, #tpu.memory_space<semaphore_mem>>)
      %scan3A = arith.constant 0 : i32
      %scan3A_29 = arith.constant 0 : i32
      %scan3A_30 = arith.constant 40 : i32
      %scan3A_31 = arith.addi %scan3A_29, %scan3A_30 : i32
      %scan3A_32 = arith.constant 1 : i32
      scf.for %scan3A_68 = %scan3A_29 to %scan3A_31 step %scan3A_32  : i32 {
        %mul3A_69 = arith.constant 4 : i32
        %mul3A_70 = arith.muli %scan3A_68, %mul3A_69 : i32
        %add3A = arith.constant 0 : i32
        %add3A_71 = arith.addi %mul3A_70, %add3A : i32
        %dma_wait3A_72 = arith.constant 0 : i32
        %dma_wait3A_73 = arith.constant 0 : i32
        %dma_wait3A_74 = tpu.memref_slice %arg11[%dma_wait3A_72, %dma_wait3A_73] : memref<160x125xi32, #tpu.memory_space<vmem>> -> memref<1x125xi32, #tpu.memory_space<vmem>>
        %dma_wait3A_75 = tpu.memref_squeeze %dma_wait3A_74 : memref<1x125xi32, #tpu.memory_space<vmem>> -> memref<125xi32, #tpu.memory_space<vmem>>
        %dma_wait3A_76 = arith.constant 0 : i32
        %dma_wait3A_77 = arith.constant 0 : i32
        %dma_wait3A_78 = tpu.memref_slice %arg3[%dma_wait3A_76, %dma_wait3A_77] : memref<10240x128xbf16, #tpu.memory_space<hbm>> -> memref<10240x128xbf16, #tpu.memory_space<hbm>>
        tpu.wait_indirect_dma semaphore(%arg20 : memref<!tpu.dma_semaphore, #tpu.memory_space<semaphore_mem>>) src(%dma_wait3A_78 : memref<10240x128xbf16, #tpu.memory_space<hbm>>) dst(%arg13 : memref<125x128xbf16, #tpu.memory_space<vmem>>)
        %dma_start3A_79 = arith.constant 0 : i32
        %dma_start3A_80 = tpu.memref_slice %arg12[%add3A_71, %dma_start3A_79] : memref<160x125xi32, #tpu.memory_space<vmem>> -> memref<1x125xi32, #tpu.memory_space<vmem>>
        %dma_start3A_81 = tpu.memref_squeeze %dma_start3A_80 : memref<1x125xi32, #tpu.memory_space<vmem>> -> memref<125xi32, #tpu.memory_space<vmem>>
        %dma_start3A_82 = arith.constant 0 : i32
        %dma_start3A_83 = arith.constant 0 : i32
        %dma_start3A_84 = tpu.memref_slice %arg18[%dma_start3A_82, %dma_start3A_83] : memref<10240x128xbf16, #tpu.memory_space<vmem_shared>> -> memref<10240x128xbf16, #tpu.memory_space<vmem_shared>>
        tpu.enqueue_indirect_dma source(%arg13 : memref<125x128xbf16, #tpu.memory_space<vmem>>) target(%dma_start3A_84 : memref<10240x128xbf16, #tpu.memory_space<vmem_shared>>) offsets(%dma_start3A_81 : memref<125xi32, #tpu.memory_space<vmem>>) semaphore(%arg24 : memref<!tpu.dma_semaphore, #tpu.memory_space<semaphore_mem>>) {add = true}
        %dma_start3A_85 = arith.constant 0 : i32
        %dma_start3A_86 = tpu.memref_slice %arg12[%add3A_71, %dma_start3A_85] : memref<160x125xi32, #tpu.memory_space<vmem>> -> memref<1x125xi32, #tpu.memory_space<vmem>>
        %dma_start3A_87 = tpu.memref_squeeze %dma_start3A_86 : memref<1x125xi32, #tpu.memory_space<vmem>> -> memref<125xi32, #tpu.memory_space<vmem>>
        %dma_start3A_88 = arith.constant 0 : i32
        %dma_start3A_89 = arith.constant 0 : i32
        %dma_start3A_90 = tpu.memref_slice %arg19[%dma_start3A_88, %dma_start3A_89] : memref<10240x8xf32, #tpu.memory_space<vmem_shared>> -> memref<10240x8xf32, #tpu.memory_space<vmem_shared>>
        tpu.enqueue_indirect_dma source(%arg17 : memref<125x8xf32, #tpu.memory_space<vmem>>) target(%dma_start3A_90 : memref<10240x8xf32, #tpu.memory_space<vmem_shared>>) offsets(%dma_start3A_87 : memref<125xi32, #tpu.memory_space<vmem>>) semaphore(%arg28 : memref<!tpu.dma_semaphore, #tpu.memory_space<semaphore_mem>>) {add = true}
        %add3A_91 = arith.constant 4 : i32
        %add3A_92 = arith.addi %add3A_71, %add3A_91 : i32
        %sub3A = arith.constant 1 : i32
        %sub3A_93 = arith.subi %add3A_92, %sub3A : i32
        %lt3A = arith.constant 160 : i32
        %lt3A_94 = arith.cmpi slt, %sub3A_93, %lt3A : i32
        %convert_element_type3A_95 = arith.extui %lt3A_94 : i1 to i32
        %cond3A_96 = arith.constant 0 : i32
        %cond3A_97 = arith.cmpi ne, %convert_element_type3A_95, %cond3A_96 : i32
        scf.if %cond3A_97 {
          %gt3A = arith.constant 0 : i32
          %gt3A_194 = arith.cmpi sgt, %add3A_71, %gt3A : i32
          %convert_element_type3A_195 = arith.extui %gt3A_194 : i1 to i32
          %cond3A_196 = arith.constant 0 : i32
          %cond3A_197 = arith.cmpi ne, %convert_element_type3A_195, %cond3A_196 : i32
          scf.if %cond3A_197 {
            %dma_wait3A_208 = arith.constant 0 : i32
            %dma_wait3A_209 = arith.constant 0 : i32
            %dma_wait3A_210 = tpu.memref_slice %arg12[%dma_wait3A_208, %dma_wait3A_209] : memref<160x125xi32, #tpu.memory_space<vmem>> -> memref<1x125xi32, #tpu.memory_space<vmem>>
            %dma_wait3A_211 = tpu.memref_squeeze %dma_wait3A_210 : memref<1x125xi32, #tpu.memory_space<vmem>> -> memref<125xi32, #tpu.memory_space<vmem>>
            %dma_wait3A_212 = arith.constant 0 : i32
            %dma_wait3A_213 = arith.constant 0 : i32
            %dma_wait3A_214 = tpu.memref_slice %arg18[%dma_wait3A_212, %dma_wait3A_213] : memref<10240x128xbf16, #tpu.memory_space<vmem_shared>> -> memref<10240x128xbf16, #tpu.memory_space<vmem_shared>>
            tpu.wait_indirect_dma semaphore(%arg27 : memref<!tpu.dma_semaphore, #tpu.memory_space<semaphore_mem>>) src(%arg16 : memref<125x128xbf16, #tpu.memory_space<vmem>>) dst(%dma_wait3A_214 : memref<10240x128xbf16, #tpu.memory_space<vmem_shared>>)
          } else {
          }
          %add3A_198 = arith.constant 4 : i32
          %add3A_199 = arith.addi %add3A_71, %add3A_198 : i32
          %sub3A_200 = arith.constant 1 : i32
          %sub3A_201 = arith.subi %add3A_199, %sub3A_200 : i32
          %dma_start3A_202 = arith.constant 0 : i32
          %dma_start3A_203 = tpu.memref_slice %arg11[%sub3A_201, %dma_start3A_202] : memref<160x125xi32, #tpu.memory_space<vmem>> -> memref<1x125xi32, #tpu.memory_space<vmem>>
          %dma_start3A_204 = tpu.memref_squeeze %dma_start3A_203 : memref<1x125xi32, #tpu.memory_space<vmem>> -> memref<125xi32, #tpu.memory_space<vmem>>
          %dma_start3A_205 = arith.constant 0 : i32
          %dma_start3A_206 = arith.constant 0 : i32
          %dma_start3A_207 = tpu.memref_slice %arg3[%dma_start3A_205, %dma_start3A_206] : memref<10240x128xbf16, #tpu.memory_space<hbm>> -> memref<10240x128xbf16, #tpu.memory_space<hbm>>
          tpu.enqueue_indirect_dma source(%dma_start3A_207 : memref<10240x128xbf16, #tpu.memory_space<hbm>>) target(%arg16 : memref<125x128xbf16, #tpu.memory_space<vmem>>) offsets(%dma_start3A_204 : memref<125xi32, #tpu.memory_space<vmem>>) semaphore(%arg23 : memref<!tpu.dma_semaphore, #tpu.memory_space<semaphore_mem>>)
        } else {
        }
        %mul3A_98 = arith.constant 4 : i32
        %mul3A_99 = arith.muli %scan3A_68, %mul3A_98 : i32
        %add3A_100 = arith.constant 1 : i32
        %add3A_101 = arith.addi %mul3A_99, %add3A_100 : i32
        %dma_wait3A_102 = arith.constant 0 : i32
        %dma_wait3A_103 = arith.constant 0 : i32
        %dma_wait3A_104 = tpu.memref_slice %arg11[%dma_wait3A_102, %dma_wait3A_103] : memref<160x125xi32, #tpu.memory_space<vmem>> -> memref<1x125xi32, #tpu.memory_space<vmem>>
        %dma_wait3A_105 = tpu.memref_squeeze %dma_wait3A_104 : memref<1x125xi32, #tpu.memory_space<vmem>> -> memref<125xi32, #tpu.memory_space<vmem>>
        %dma_wait3A_106 = arith.constant 0 : i32
        %dma_wait3A_107 = arith.constant 0 : i32
        %dma_wait3A_108 = tpu.memref_slice %arg3[%dma_wait3A_106, %dma_wait3A_107] : memref<10240x128xbf16, #tpu.memory_space<hbm>> -> memref<10240x128xbf16, #tpu.memory_space<hbm>>
        tpu.wait_indirect_dma semaphore(%arg21 : memref<!tpu.dma_semaphore, #tpu.memory_space<semaphore_mem>>) src(%dma_wait3A_108 : memref<10240x128xbf16, #tpu.memory_space<hbm>>) dst(%arg14 : memref<125x128xbf16, #tpu.memory_space<vmem>>)
        %dma_start3A_109 = arith.constant 0 : i32
        %dma_start3A_110 = tpu.memref_slice %arg12[%add3A_101, %dma_start3A_109] : memref<160x125xi32, #tpu.memory_space<vmem>> -> memref<1x125xi32, #tpu.memory_space<vmem>>
        %dma_start3A_111 = tpu.memref_squeeze %dma_start3A_110 : memref<1x125xi32, #tpu.memory_space<vmem>> -> memref<125xi32, #tpu.memory_space<vmem>>
        %dma_start3A_112 = arith.constant 0 : i32
        %dma_start3A_113 = arith.constant 0 : i32
        %dma_start3A_114 = tpu.memref_slice %arg18[%dma_start3A_112, %dma_start3A_113] : memref<10240x128xbf16, #tpu.memory_space<vmem_shared>> -> memref<10240x128xbf16, #tpu.memory_space<vmem_shared>>
        tpu.enqueue_indirect_dma source(%arg14 : memref<125x128xbf16, #tpu.memory_space<vmem>>) target(%dma_start3A_114 : memref<10240x128xbf16, #tpu.memory_space<vmem_shared>>) offsets(%dma_start3A_111 : memref<125xi32, #tpu.memory_space<vmem>>) semaphore(%arg25 : memref<!tpu.dma_semaphore, #tpu.memory_space<semaphore_mem>>) {add = true}
        %dma_start3A_115 = arith.constant 0 : i32
        %dma_start3A_116 = tpu.memref_slice %arg12[%add3A_101, %dma_start3A_115] : memref<160x125xi32, #tpu.memory_space<vmem>> -> memref<1x125xi32, #tpu.memory_space<vmem>>
        %dma_start3A_117 = tpu.memref_squeeze %dma_start3A_116 : memref<1x125xi32, #tpu.memory_space<vmem>> -> memref<125xi32, #tpu.memory_space<vmem>>
        %dma_start3A_118 = arith.constant 0 : i32
        %dma_start3A_119 = arith.constant 0 : i32
        %dma_start3A_120 = tpu.memref_slice %arg19[%dma_start3A_118, %dma_start3A_119] : memref<10240x8xf32, #tpu.memory_space<vmem_shared>> -> memref<10240x8xf32, #tpu.memory_space<vmem_shared>>
        tpu.enqueue_indirect_dma source(%arg17 : memref<125x8xf32, #tpu.memory_space<vmem>>) target(%dma_start3A_120 : memref<10240x8xf32, #tpu.memory_space<vmem_shared>>) offsets(%dma_start3A_117 : memref<125xi32, #tpu.memory_space<vmem>>) semaphore(%arg28 : memref<!tpu.dma_semaphore, #tpu.memory_space<semaphore_mem>>) {add = true}
        %add3A_121 = arith.constant 4 : i32
        %add3A_122 = arith.addi %add3A_101, %add3A_121 : i32
        %sub3A_123 = arith.constant 1 : i32
        %sub3A_124 = arith.subi %add3A_122, %sub3A_123 : i32
        %lt3A_125 = arith.constant 160 : i32
        %lt3A_126 = arith.cmpi slt, %sub3A_124, %lt3A_125 : i32
        %convert_element_type3A_127 = arith.extui %lt3A_126 : i1 to i32
        %cond3A_128 = arith.constant 0 : i32
        %cond3A_129 = arith.cmpi ne, %convert_element_type3A_127, %cond3A_128 : i32
        scf.if %cond3A_129 {
          %gt3A = arith.constant 0 : i32
          %gt3A_194 = arith.cmpi sgt, %add3A_101, %gt3A : i32
          %convert_element_type3A_195 = arith.extui %gt3A_194 : i1 to i32
          %cond3A_196 = arith.constant 0 : i32
          %cond3A_197 = arith.cmpi ne, %convert_element_type3A_195, %cond3A_196 : i32
          scf.if %cond3A_197 {
            %dma_wait3A_208 = arith.constant 0 : i32
            %dma_wait3A_209 = arith.constant 0 : i32
            %dma_wait3A_210 = tpu.memref_slice %arg12[%dma_wait3A_208, %dma_wait3A_209] : memref<160x125xi32, #tpu.memory_space<vmem>> -> memref<1x125xi32, #tpu.memory_space<vmem>>
            %dma_wait3A_211 = tpu.memref_squeeze %dma_wait3A_210 : memref<1x125xi32, #tpu.memory_space<vmem>> -> memref<125xi32, #tpu.memory_space<vmem>>
            %dma_wait3A_212 = arith.constant 0 : i32
            %dma_wait3A_213 = arith.constant 0 : i32
            %dma_wait3A_214 = tpu.memref_slice %arg18[%dma_wait3A_212, %dma_wait3A_213] : memref<10240x128xbf16, #tpu.memory_space<vmem_shared>> -> memref<10240x128xbf16, #tpu.memory_space<vmem_shared>>
            tpu.wait_indirect_dma semaphore(%arg24 : memref<!tpu.dma_semaphore, #tpu.memory_space<semaphore_mem>>) src(%arg13 : memref<125x128xbf16, #tpu.memory_space<vmem>>) dst(%dma_wait3A_214 : memref<10240x128xbf16, #tpu.memory_space<vmem_shared>>)
          } else {
          }
          %add3A_198 = arith.constant 4 : i32
          %add3A_199 = arith.addi %add3A_101, %add3A_198 : i32
          %sub3A_200 = arith.constant 1 : i32
          %sub3A_201 = arith.subi %add3A_199, %sub3A_200 : i32
          %dma_start3A_202 = arith.constant 0 : i32
          %dma_start3A_203 = tpu.memref_slice %arg11[%sub3A_201, %dma_start3A_202] : memref<160x125xi32, #tpu.memory_space<vmem>> -> memref<1x125xi32, #tpu.memory_space<vmem>>
          %dma_start3A_204 = tpu.memref_squeeze %dma_start3A_203 : memref<1x125xi32, #tpu.memory_space<vmem>> -> memref<125xi32, #tpu.memory_space<vmem>>
          %dma_start3A_205 = arith.constant 0 : i32
          %dma_start3A_206 = arith.constant 0 : i32
          %dma_start3A_207 = tpu.memref_slice %arg3[%dma_start3A_205, %dma_start3A_206] : memref<10240x128xbf16, #tpu.memory_space<hbm>> -> memref<10240x128xbf16, #tpu.memory_space<hbm>>
          tpu.enqueue_indirect_dma source(%dma_start3A_207 : memref<10240x128xbf16, #tpu.memory_space<hbm>>) target(%arg13 : memref<125x128xbf16, #tpu.memory_space<vmem>>) offsets(%dma_start3A_204 : memref<125xi32, #tpu.memory_space<vmem>>) semaphore(%arg20 : memref<!tpu.dma_semaphore, #tpu.memory_space<semaphore_mem>>)
        } else {
        }
        %mul3A_130 = arith.constant 4 : i32
        %mul3A_131 = arith.muli %scan3A_68, %mul3A_130 : i32
        %add3A_132 = arith.constant 2 : i32
        %add3A_133 = arith.addi %mul3A_131, %add3A_132 : i32
        %dma_wait3A_134 = arith.constant 0 : i32
        %dma_wait3A_135 = arith.constant 0 : i32
        %dma_wait3A_136 = tpu.memref_slice %arg11[%dma_wait3A_134, %dma_wait3A_135] : memref<160x125xi32, #tpu.memory_space<vmem>> -> memref<1x125xi32, #tpu.memory_space<vmem>>
        %dma_wait3A_137 = tpu.memref_squeeze %dma_wait3A_136 : memref<1x125xi32, #tpu.memory_space<vmem>> -> memref<125xi32, #tpu.memory_space<vmem>>
        %dma_wait3A_138 = arith.constant 0 : i32
        %dma_wait3A_139 = arith.constant 0 : i32
        %dma_wait3A_140 = tpu.memref_slice %arg3[%dma_wait3A_138, %dma_wait3A_139] : memref<10240x128xbf16, #tpu.memory_space<hbm>> -> memref<10240x128xbf16, #tpu.memory_space<hbm>>
        tpu.wait_indirect_dma semaphore(%arg22 : memref<!tpu.dma_semaphore, #tpu.memory_space<semaphore_mem>>) src(%dma_wait3A_140 : memref<10240x128xbf16, #tpu.memory_space<hbm>>) dst(%arg15 : memref<125x128xbf16, #tpu.memory_space<vmem>>)
        %dma_start3A_141 = arith.constant 0 : i32
        %dma_start3A_142 = tpu.memref_slice %arg12[%add3A_133, %dma_start3A_141] : memref<160x125xi32, #tpu.memory_space<vmem>> -> memref<1x125xi32, #tpu.memory_space<vmem>>
        %dma_start3A_143 = tpu.memref_squeeze %dma_start3A_142 : memref<1x125xi32, #tpu.memory_space<vmem>> -> memref<125xi32, #tpu.memory_space<vmem>>
        %dma_start3A_144 = arith.constant 0 : i32
        %dma_start3A_145 = arith.constant 0 : i32
        %dma_start3A_146 = tpu.memref_slice %arg18[%dma_start3A_144, %dma_start3A_145] : memref<10240x128xbf16, #tpu.memory_space<vmem_shared>> -> memref<10240x128xbf16, #tpu.memory_space<vmem_shared>>
        tpu.enqueue_indirect_dma source(%arg15 : memref<125x128xbf16, #tpu.memory_space<vmem>>) target(%dma_start3A_146 : memref<10240x128xbf16, #tpu.memory_space<vmem_shared>>) offsets(%dma_start3A_143 : memref<125xi32, #tpu.memory_space<vmem>>) semaphore(%arg26 : memref<!tpu.dma_semaphore, #tpu.memory_space<semaphore_mem>>) {add = true}
        %dma_start3A_147 = arith.constant 0 : i32
        %dma_start3A_148 = tpu.memref_slice %arg12[%add3A_133, %dma_start3A_147] : memref<160x125xi32, #tpu.memory_space<vmem>> -> memref<1x125xi32, #tpu.memory_space<vmem>>
        %dma_start3A_149 = tpu.memref_squeeze %dma_start3A_148 : memref<1x125xi32, #tpu.memory_space<vmem>> -> memref<125xi32, #tpu.memory_space<vmem>>
        %dma_start3A_150 = arith.constant 0 : i32
        %dma_start3A_151 = arith.constant 0 : i32
        %dma_start3A_152 = tpu.memref_slice %arg19[%dma_start3A_150, %dma_start3A_151] : memref<10240x8xf32, #tpu.memory_space<vmem_shared>> -> memref<10240x8xf32, #tpu.memory_space<vmem_shared>>
        tpu.enqueue_indirect_dma source(%arg17 : memref<125x8xf32, #tpu.memory_space<vmem>>) target(%dma_start3A_152 : memref<10240x8xf32, #tpu.memory_space<vmem_shared>>) offsets(%dma_start3A_149 : memref<125xi32, #tpu.memory_space<vmem>>) semaphore(%arg28 : memref<!tpu.dma_semaphore, #tpu.memory_space<semaphore_mem>>) {add = true}
        %add3A_153 = arith.constant 4 : i32
        %add3A_154 = arith.addi %add3A_133, %add3A_153 : i32
        %sub3A_155 = arith.constant 1 : i32
        %sub3A_156 = arith.subi %add3A_154, %sub3A_155 : i32
        %lt3A_157 = arith.constant 160 : i32
        %lt3A_158 = arith.cmpi slt, %sub3A_156, %lt3A_157 : i32
        %convert_element_type3A_159 = arith.extui %lt3A_158 : i1 to i32
        %cond3A_160 = arith.constant 0 : i32
        %cond3A_161 = arith.cmpi ne, %convert_element_type3A_159, %cond3A_160 : i32
        scf.if %cond3A_161 {
          %gt3A = arith.constant 0 : i32
          %gt3A_194 = arith.cmpi sgt, %add3A_133, %gt3A : i32
          %convert_element_type3A_195 = arith.extui %gt3A_194 : i1 to i32
          %cond3A_196 = arith.constant 0 : i32
          %cond3A_197 = arith.cmpi ne, %convert_element_type3A_195, %cond3A_196 : i32
          scf.if %cond3A_197 {
            %dma_wait3A_208 = arith.constant 0 : i32
            %dma_wait3A_209 = arith.constant 0 : i32
            %dma_wait3A_210 = tpu.memref_slice %arg12[%dma_wait3A_208, %dma_wait3A_209] : memref<160x125xi32, #tpu.memory_space<vmem>> -> memref<1x125xi32, #tpu.memory_space<vmem>>
            %dma_wait3A_211 = tpu.memref_squeeze %dma_wait3A_210 : memref<1x125xi32, #tpu.memory_space<vmem>> -> memref<125xi32, #tpu.memory_space<vmem>>
            %dma_wait3A_212 = arith.constant 0 : i32
            %dma_wait3A_213 = arith.constant 0 : i32
            %dma_wait3A_214 = tpu.memref_slice %arg18[%dma_wait3A_212, %dma_wait3A_213] : memref<10240x128xbf16, #tpu.memory_space<vmem_shared>> -> memref<10240x128xbf16, #tpu.memory_space<vmem_shared>>
            tpu.wait_indirect_dma semaphore(%arg25 : memref<!tpu.dma_semaphore, #tpu.memory_space<semaphore_mem>>) src(%arg14 : memref<125x128xbf16, #tpu.memory_space<vmem>>) dst(%dma_wait3A_214 : memref<10240x128xbf16, #tpu.memory_space<vmem_shared>>)
          } else {
          }
          %add3A_198 = arith.constant 4 : i32
          %add3A_199 = arith.addi %add3A_133, %add3A_198 : i32
          %sub3A_200 = arith.constant 1 : i32
          %sub3A_201 = arith.subi %add3A_199, %sub3A_200 : i32
          %dma_start3A_202 = arith.constant 0 : i32
          %dma_start3A_203 = tpu.memref_slice %arg11[%sub3A_201, %dma_start3A_202] : memref<160x125xi32, #tpu.memory_space<vmem>> -> memref<1x125xi32, #tpu.memory_space<vmem>>
          %dma_start3A_204 = tpu.memref_squeeze %dma_start3A_203 : memref<1x125xi32, #tpu.memory_space<vmem>> -> memref<125xi32, #tpu.memory_space<vmem>>
          %dma_start3A_205 = arith.constant 0 : i32
          %dma_start3A_206 = arith.constant 0 : i32
          %dma_start3A_207 = tpu.memref_slice %arg3[%dma_start3A_205, %dma_start3A_206] : memref<10240x128xbf16, #tpu.memory_space<hbm>> -> memref<10240x128xbf16, #tpu.memory_space<hbm>>
          tpu.enqueue_indirect_dma source(%dma_start3A_207 : memref<10240x128xbf16, #tpu.memory_space<hbm>>) target(%arg14 : memref<125x128xbf16, #tpu.memory_space<vmem>>) offsets(%dma_start3A_204 : memref<125xi32, #tpu.memory_space<vmem>>) semaphore(%arg21 : memref<!tpu.dma_semaphore, #tpu.memory_space<semaphore_mem>>)
        } else {
        }
        %mul3A_162 = arith.constant 4 : i32
        %mul3A_163 = arith.muli %scan3A_68, %mul3A_162 : i32
        %add3A_164 = arith.constant 3 : i32
        %add3A_165 = arith.addi %mul3A_163, %add3A_164 : i32
        %dma_wait3A_166 = arith.constant 0 : i32
        %dma_wait3A_167 = arith.constant 0 : i32
        %dma_wait3A_168 = tpu.memref_slice %arg11[%dma_wait3A_166, %dma_wait3A_167] : memref<160x125xi32, #tpu.memory_space<vmem>> -> memref<1x125xi32, #tpu.memory_space<vmem>>
        %dma_wait3A_169 = tpu.memref_squeeze %dma_wait3A_168 : memref<1x125xi32, #tpu.memory_space<vmem>> -> memref<125xi32, #tpu.memory_space<vmem>>
        %dma_wait3A_170 = arith.constant 0 : i32
        %dma_wait3A_171 = arith.constant 0 : i32
        %dma_wait3A_172 = tpu.memref_slice %arg3[%dma_wait3A_170, %dma_wait3A_171] : memref<10240x128xbf16, #tpu.memory_space<hbm>> -> memref<10240x128xbf16, #tpu.memory_space<hbm>>
        tpu.wait_indirect_dma semaphore(%arg23 : memref<!tpu.dma_semaphore, #tpu.memory_space<semaphore_mem>>) src(%dma_wait3A_172 : memref<10240x128xbf16, #tpu.memory_space<hbm>>) dst(%arg16 : memref<125x128xbf16, #tpu.memory_space<vmem>>)
        %dma_start3A_173 = arith.constant 0 : i32
        %dma_start3A_174 = tpu.memref_slice %arg12[%add3A_165, %dma_start3A_173] : memref<160x125xi32, #tpu.memory_space<vmem>> -> memref<1x125xi32, #tpu.memory_space<vmem>>
        %dma_start3A_175 = tpu.memref_squeeze %dma_start3A_174 : memref<1x125xi32, #tpu.memory_space<vmem>> -> memref<125xi32, #tpu.memory_space<vmem>>
        %dma_start3A_176 = arith.constant 0 : i32
        %dma_start3A_177 = arith.constant 0 : i32
        %dma_start3A_178 = tpu.memref_slice %arg18[%dma_start3A_176, %dma_start3A_177] : memref<10240x128xbf16, #tpu.memory_space<vmem_shared>> -> memref<10240x128xbf16, #tpu.memory_space<vmem_shared>>
        tpu.enqueue_indirect_dma source(%arg16 : memref<125x128xbf16, #tpu.memory_space<vmem>>) target(%dma_start3A_178 : memref<10240x128xbf16, #tpu.memory_space<vmem_shared>>) offsets(%dma_start3A_175 : memref<125xi32, #tpu.memory_space<vmem>>) semaphore(%arg27 : memref<!tpu.dma_semaphore, #tpu.memory_space<semaphore_mem>>) {add = true}
        %dma_start3A_179 = arith.constant 0 : i32
        %dma_start3A_180 = tpu.memref_slice %arg12[%add3A_165, %dma_start3A_179] : memref<160x125xi32, #tpu.memory_space<vmem>> -> memref<1x125xi32, #tpu.memory_space<vmem>>
        %dma_start3A_181 = tpu.memref_squeeze %dma_start3A_180 : memref<1x125xi32, #tpu.memory_space<vmem>> -> memref<125xi32, #tpu.memory_space<vmem>>
        %dma_start3A_182 = arith.constant 0 : i32
        %dma_start3A_183 = arith.constant 0 : i32
        %dma_start3A_184 = tpu.memref_slice %arg19[%dma_start3A_182, %dma_start3A_183] : memref<10240x8xf32, #tpu.memory_space<vmem_shared>> -> memref<10240x8xf32, #tpu.memory_space<vmem_shared>>
        tpu.enqueue_indirect_dma source(%arg17 : memref<125x8xf32, #tpu.memory_space<vmem>>) target(%dma_start3A_184 : memref<10240x8xf32, #tpu.memory_space<vmem_shared>>) offsets(%dma_start3A_181 : memref<125xi32, #tpu.memory_space<vmem>>) semaphore(%arg28 : memref<!tpu.dma_semaphore, #tpu.memory_space<semaphore_mem>>) {add = true}
        %add3A_185 = arith.constant 4 : i32
        %add3A_186 = arith.addi %add3A_165, %add3A_185 : i32
        %sub3A_187 = arith.constant 1 : i32
        %sub3A_188 = arith.subi %add3A_186, %sub3A_187 : i32
        %lt3A_189 = arith.constant 160 : i32
        %lt3A_190 = arith.cmpi slt, %sub3A_188, %lt3A_189 : i32
        %convert_element_type3A_191 = arith.extui %lt3A_190 : i1 to i32
        %cond3A_192 = arith.constant 0 : i32
        %cond3A_193 = arith.cmpi ne, %convert_element_type3A_191, %cond3A_192 : i32
        scf.if %cond3A_193 {
          %gt3A = arith.constant 0 : i32
          %gt3A_194 = arith.cmpi sgt, %add3A_165, %gt3A : i32
          %convert_element_type3A_195 = arith.extui %gt3A_194 : i1 to i32
          %cond3A_196 = arith.constant 0 : i32
          %cond3A_197 = arith.cmpi ne, %convert_element_type3A_195, %cond3A_196 : i32
          scf.if %cond3A_197 {
            %dma_wait3A_208 = arith.constant 0 : i32
            %dma_wait3A_209 = arith.constant 0 : i32
            %dma_wait3A_210 = tpu.memref_slice %arg12[%dma_wait3A_208, %dma_wait3A_209] : memref<160x125xi32, #tpu.memory_space<vmem>> -> memref<1x125xi32, #tpu.memory_space<vmem>>
            %dma_wait3A_211 = tpu.memref_squeeze %dma_wait3A_210 : memref<1x125xi32, #tpu.memory_space<vmem>> -> memref<125xi32, #tpu.memory_space<vmem>>
            %dma_wait3A_212 = arith.constant 0 : i32
            %dma_wait3A_213 = arith.constant 0 : i32
            %dma_wait3A_214 = tpu.memref_slice %arg18[%dma_wait3A_212, %dma_wait3A_213] : memref<10240x128xbf16, #tpu.memory_space<vmem_shared>> -> memref<10240x128xbf16, #tpu.memory_space<vmem_shared>>
            tpu.wait_indirect_dma semaphore(%arg26 : memref<!tpu.dma_semaphore, #tpu.memory_space<semaphore_mem>>) src(%arg15 : memref<125x128xbf16, #tpu.memory_space<vmem>>) dst(%dma_wait3A_214 : memref<10240x128xbf16, #tpu.memory_space<vmem_shared>>)
          } else {
          }
          %add3A_198 = arith.constant 4 : i32
          %add3A_199 = arith.addi %add3A_165, %add3A_198 : i32
          %sub3A_200 = arith.constant 1 : i32
          %sub3A_201 = arith.subi %add3A_199, %sub3A_200 : i32
          %dma_start3A_202 = arith.constant 0 : i32
          %dma_start3A_203 = tpu.memref_slice %arg11[%sub3A_201, %dma_start3A_202] : memref<160x125xi32, #tpu.memory_space<vmem>> -> memref<1x125xi32, #tpu.memory_space<vmem>>
          %dma_start3A_204 = tpu.memref_squeeze %dma_start3A_203 : memref<1x125xi32, #tpu.memory_space<vmem>> -> memref<125xi32, #tpu.memory_space<vmem>>
          %dma_start3A_205 = arith.constant 0 : i32
          %dma_start3A_206 = arith.constant 0 : i32
          %dma_start3A_207 = tpu.memref_slice %arg3[%dma_start3A_205, %dma_start3A_206] : memref<10240x128xbf16, #tpu.memory_space<hbm>> -> memref<10240x128xbf16, #tpu.memory_space<hbm>>
          tpu.enqueue_indirect_dma source(%dma_start3A_207 : memref<10240x128xbf16, #tpu.memory_space<hbm>>) target(%arg15 : memref<125x128xbf16, #tpu.memory_space<vmem>>) offsets(%dma_start3A_204 : memref<125xi32, #tpu.memory_space<vmem>>) semaphore(%arg22 : memref<!tpu.dma_semaphore, #tpu.memory_space<semaphore_mem>>)
        } else {
        }
      }
      %scan3A_33 = arith.constant 40 : i32
      %dma_wait3A = arith.constant 0 : i32
      %dma_wait3A_34 = arith.constant 0 : i32
      %dma_wait3A_35 = tpu.memref_slice %arg12[%dma_wait3A, %dma_wait3A_34] : memref<160x125xi32, #tpu.memory_space<vmem>> -> memref<1x125xi32, #tpu.memory_space<vmem>>
      %dma_wait3A_36 = tpu.memref_squeeze %dma_wait3A_35 : memref<1x125xi32, #tpu.memory_space<vmem>> -> memref<125xi32, #tpu.memory_space<vmem>>
      %dma_wait3A_37 = arith.constant 0 : i32
      %dma_wait3A_38 = arith.constant 0 : i32
      %dma_wait3A_39 = tpu.memref_slice %arg18[%dma_wait3A_37, %dma_wait3A_38] : memref<10240x128xbf16, #tpu.memory_space<vmem_shared>> -> memref<10240x128xbf16, #tpu.memory_space<vmem_shared>>
      tpu.wait_indirect_dma semaphore(%arg24 : memref<!tpu.dma_semaphore, #tpu.memory_space<semaphore_mem>>) src(%arg13 : memref<125x128xbf16, #tpu.memory_space<vmem>>) dst(%dma_wait3A_39 : memref<10240x128xbf16, #tpu.memory_space<vmem_shared>>)
      %dma_wait3A_40 = arith.constant 0 : i32
      %dma_wait3A_41 = arith.constant 0 : i32
      %dma_wait3A_42 = tpu.memref_slice %arg12[%dma_wait3A_40, %dma_wait3A_41] : memref<160x125xi32, #tpu.memory_space<vmem>> -> memref<1x125xi32, #tpu.memory_space<vmem>>
      %dma_wait3A_43 = tpu.memref_squeeze %dma_wait3A_42 : memref<1x125xi32, #tpu.memory_space<vmem>> -> memref<125xi32, #tpu.memory_space<vmem>>
      %dma_wait3A_44 = arith.constant 0 : i32
      %dma_wait3A_45 = arith.constant 0 : i32
      %dma_wait3A_46 = tpu.memref_slice %arg18[%dma_wait3A_44, %dma_wait3A_45] : memref<10240x128xbf16, #tpu.memory_space<vmem_shared>> -> memref<10240x128xbf16, #tpu.memory_space<vmem_shared>>
      tpu.wait_indirect_dma semaphore(%arg25 : memref<!tpu.dma_semaphore, #tpu.memory_space<semaphore_mem>>) src(%arg14 : memref<125x128xbf16, #tpu.memory_space<vmem>>) dst(%dma_wait3A_46 : memref<10240x128xbf16, #tpu.memory_space<vmem_shared>>)
      %dma_wait3A_47 = arith.constant 0 : i32
      %dma_wait3A_48 = arith.constant 0 : i32
      %dma_wait3A_49 = tpu.memref_slice %arg12[%dma_wait3A_47, %dma_wait3A_48] : memref<160x125xi32, #tpu.memory_space<vmem>> -> memref<1x125xi32, #tpu.memory_space<vmem>>
      %dma_wait3A_50 = tpu.memref_squeeze %dma_wait3A_49 : memref<1x125xi32, #tpu.memory_space<vmem>> -> memref<125xi32, #tpu.memory_space<vmem>>
      %dma_wait3A_51 = arith.constant 0 : i32
      %dma_wait3A_52 = arith.constant 0 : i32
      %dma_wait3A_53 = tpu.memref_slice %arg18[%dma_wait3A_51, %dma_wait3A_52] : memref<10240x128xbf16, #tpu.memory_space<vmem_shared>> -> memref<10240x128xbf16, #tpu.memory_space<vmem_shared>>
      tpu.wait_indirect_dma semaphore(%arg26 : memref<!tpu.dma_semaphore, #tpu.memory_space<semaphore_mem>>) src(%arg15 : memref<125x128xbf16, #tpu.memory_space<vmem>>) dst(%dma_wait3A_53 : memref<10240x128xbf16, #tpu.memory_space<vmem_shared>>)
      %dma_wait3A_54 = arith.constant 0 : i32
      %dma_wait3A_55 = arith.constant 0 : i32
      %dma_wait3A_56 = tpu.memref_slice %arg12[%dma_wait3A_54, %dma_wait3A_55] : memref<160x125xi32, #tpu.memory_space<vmem>> -> memref<1x125xi32, #tpu.memory_space<vmem>>
      %dma_wait3A_57 = tpu.memref_squeeze %dma_wait3A_56 : memref<1x125xi32, #tpu.memory_space<vmem>> -> memref<125xi32, #tpu.memory_space<vmem>>
      %dma_wait3A_58 = arith.constant 0 : i32
      %dma_wait3A_59 = arith.constant 0 : i32
      %dma_wait3A_60 = tpu.memref_slice %arg18[%dma_wait3A_58, %dma_wait3A_59] : memref<10240x128xbf16, #tpu.memory_space<vmem_shared>> -> memref<10240x128xbf16, #tpu.memory_space<vmem_shared>>
      tpu.wait_indirect_dma semaphore(%arg27 : memref<!tpu.dma_semaphore, #tpu.memory_space<semaphore_mem>>) src(%arg16 : memref<125x128xbf16, #tpu.memory_space<vmem>>) dst(%dma_wait3A_60 : memref<10240x128xbf16, #tpu.memory_space<vmem_shared>>)
      %scan3A_61 = arith.constant 0 : i32
      %scan3A_62 = arith.constant 0 : i32
      %scan3A_63 = arith.constant 160 : i32
      %scan3A_64 = arith.addi %scan3A_62, %scan3A_63 : i32
      %scan3A_65 = arith.constant 1 : i32
      scf.for %scan3A_68 = %scan3A_62 to %scan3A_64 step %scan3A_65  : i32 {
        %dma_wait3A_69 = arith.constant 0 : i32
        %dma_wait3A_70 = arith.constant 0 : i32
        %dma_wait3A_71 = tpu.memref_slice %arg12[%dma_wait3A_69, %dma_wait3A_70] : memref<160x125xi32, #tpu.memory_space<vmem>> -> memref<1x125xi32, #tpu.memory_space<vmem>>
        %dma_wait3A_72 = tpu.memref_squeeze %dma_wait3A_71 : memref<1x125xi32, #tpu.memory_space<vmem>> -> memref<125xi32, #tpu.memory_space<vmem>>
        %dma_wait3A_73 = arith.constant 0 : i32
        %dma_wait3A_74 = arith.constant 0 : i32
        %dma_wait3A_75 = tpu.memref_slice %arg19[%dma_wait3A_73, %dma_wait3A_74] : memref<10240x8xf32, #tpu.memory_space<vmem_shared>> -> memref<10240x8xf32, #tpu.memory_space<vmem_shared>>
        tpu.wait_indirect_dma semaphore(%arg28 : memref<!tpu.dma_semaphore, #tpu.memory_space<semaphore_mem>>) src(%arg17 : memref<125x8xf32, #tpu.memory_space<vmem>>) dst(%dma_wait3A_75 : memref<10240x8xf32, #tpu.memory_space<vmem_shared>>)
      }
      %scan3A_66 = arith.constant 160 : i32
      %barrier3A_67 = arith.constant 0 : index
      tpu.barrier barrier_id(%barrier3A_67)
      "tpu.region"() ({
        %run_scoped3A_68 = tpu.sem_alloc : memref<!tpu.dma_semaphore, #tpu.memory_space<semaphore_mem>>
        %dma_start3A_69 = arith.constant 0 : i32
        %dma_start3A_70 = tpu.memref_slice %arg9[%arg0, %mul3A_8, %dma_start3A_69] : memref<2x10240x128xbf16, #tpu.memory_space<hbm>> -> memref<1x640x128xbf16, #tpu.memory_space<hbm>>
        %dma_start3A_71 = tpu.memref_squeeze %dma_start3A_70 : memref<1x640x128xbf16, #tpu.memory_space<hbm>> -> memref<640x128xbf16, #tpu.memory_space<hbm>>
        %dma_start3A_72 = arith.constant 0 : i32
        %dma_start3A_73 = tpu.memref_slice %arg18[%mul3A_8, %dma_start3A_72] : memref<10240x128xbf16, #tpu.memory_space<vmem_shared>> -> memref<640x128xbf16, #tpu.memory_space<vmem_shared>>
        tpu.enqueue_dma source(%dma_start3A_73 : memref<640x128xbf16, #tpu.memory_space<vmem_shared>>) target(%dma_start3A_71 : memref<640x128xbf16, #tpu.memory_space<hbm>>) target_semaphore(%run_scoped3A_68 : memref<!tpu.dma_semaphore, #tpu.memory_space<semaphore_mem>>)
        %dma_wait3A_74 = arith.constant 0 : i32
        %dma_wait3A_75 = tpu.memref_slice %arg9[%arg0, %mul3A_8, %dma_wait3A_74] : memref<2x10240x128xbf16, #tpu.memory_space<hbm>> -> memref<1x640x128xbf16, #tpu.memory_space<hbm>>
        %dma_wait3A_76 = tpu.memref_squeeze %dma_wait3A_75 : memref<1x640x128xbf16, #tpu.memory_space<hbm>> -> memref<640x128xbf16, #tpu.memory_space<hbm>>
        %dma_wait3A_77 = arith.constant 0 : i32
        %dma_wait3A_78 = tpu.memref_slice %arg18[%mul3A_8, %dma_wait3A_77] : memref<10240x128xbf16, #tpu.memory_space<vmem_shared>> -> memref<640x128xbf16, #tpu.memory_space<vmem_shared>>
        tpu.wait_dma2 semaphore(%run_scoped3A_68 : memref<!tpu.dma_semaphore, #tpu.memory_space<semaphore_mem>>) src(%dma_wait3A_78 : memref<640x128xbf16, #tpu.memory_space<vmem_shared>>) dst(%dma_wait3A_76 : memref<640x128xbf16, #tpu.memory_space<hbm>>)
        tpu.yield
      }) : () -> ()
      "tpu.region"() ({
        %run_scoped3A_68 = tpu.sem_alloc : memref<!tpu.dma_semaphore, #tpu.memory_space<semaphore_mem>>
        %dma_start3A_69 = arith.constant 0 : i32
        %dma_start3A_70 = tpu.memref_slice %arg10[%arg0, %mul3A_8, %dma_start3A_69] : memref<2x10240x8xf32, #tpu.memory_space<hbm>> -> memref<1x640x8xf32, #tpu.memory_space<hbm>>
        %dma_start3A_71 = tpu.memref_squeeze %dma_start3A_70 : memref<1x640x8xf32, #tpu.memory_space<hbm>> -> memref<640x8xf32, #tpu.memory_space<hbm>>
        %dma_start3A_72 = arith.constant 0 : i32
        %dma_start3A_73 = tpu.memref_slice %arg19[%mul3A_8, %dma_start3A_72] : memref<10240x8xf32, #tpu.memory_space<vmem_shared>> -> memref<640x8xf32, #tpu.memory_space<vmem_shared>>
        tpu.enqueue_dma source(%dma_start3A_73 : memref<640x8xf32, #tpu.memory_space<vmem_shared>>) target(%dma_start3A_71 : memref<640x8xf32, #tpu.memory_space<hbm>>) target_semaphore(%run_scoped3A_68 : memref<!tpu.dma_semaphore, #tpu.memory_space<semaphore_mem>>)
        %dma_wait3A_74 = arith.constant 0 : i32
        %dma_wait3A_75 = tpu.memref_slice %arg10[%arg0, %mul3A_8, %dma_wait3A_74] : memref<2x10240x8xf32, #tpu.memory_space<hbm>> -> memref<1x640x8xf32, #tpu.memory_space<hbm>>
        %dma_wait3A_76 = tpu.memref_squeeze %dma_wait3A_75 : memref<1x640x8xf32, #tpu.memory_space<hbm>> -> memref<640x8xf32, #tpu.memory_space<hbm>>
        %dma_wait3A_77 = arith.constant 0 : i32
        %dma_wait3A_78 = tpu.memref_slice %arg19[%mul3A_8, %dma_wait3A_77] : memref<10240x8xf32, #tpu.memory_space<vmem_shared>> -> memref<640x8xf32, #tpu.memory_space<vmem_shared>>
        tpu.wait_dma2 semaphore(%run_scoped3A_68 : memref<!tpu.dma_semaphore, #tpu.memory_space<semaphore_mem>>) src(%dma_wait3A_78 : memref<640x8xf32, #tpu.memory_space<vmem_shared>>) dst(%dma_wait3A_76 : memref<640x8xf32, #tpu.memory_space<hbm>>)
        tpu.yield
      }) : () -> ()
    } else {
    }
    %eq3A_2 = arith.constant 1 : i32
    %eq3A_3 = arith.cmpi eq, %arg0, %eq3A_2 : i32
    %convert_element_type3A_4 = arith.extui %eq3A_3 : i1 to i32
    %cond3A_5 = arith.constant 0 : i32
    %cond3A_6 = arith.cmpi ne, %convert_element_type3A_4, %cond3A_5 : i32
    scf.if %cond3A_6 {
      %run_scoped3A = arith.constant 0 : i32
      "tpu.region"() ({
        %run_scoped3A_68 = tpu.sem_alloc : memref<!tpu.dma_semaphore, #tpu.memory_space<semaphore_mem>>
        %dma_start3A_69 = arith.constant 0 : i32
        %dma_start3A_70 = arith.constant 0 : i32
        %dma_start3A_71 = tpu.memref_slice %arg5[%run_scoped3A, %arg1, %dma_start3A_69, %dma_start3A_70] : memref<2x16x160x125xi32, #tpu.memory_space<hbm>> -> memref<1x1x160x125xi32, #tpu.memory_space<hbm>>
        %dma_start3A_72 = tpu.memref_squeeze %dma_start3A_71 : memref<1x1x160x125xi32, #tpu.memory_space<hbm>> -> memref<160x125xi32, #tpu.memory_space<hbm>>
        %dma_start3A_73 = arith.constant 0 : i32
        %dma_start3A_74 = arith.constant 0 : i32
        %dma_start3A_75 = tpu.memref_slice %arg5[%run_scoped3A, %arg1, %dma_start3A_73, %dma_start3A_74] : memref<2x16x160x125xi32, #tpu.memory_space<hbm>> -> memref<1x1x160x125xi32, #tpu.memory_space<hbm>>
        %dma_start3A_76 = tpu.memref_squeeze %dma_start3A_75 : memref<1x1x160x125xi32, #tpu.memory_space<hbm>> -> memref<160x125xi32, #tpu.memory_space<hbm>>
        tpu.enqueue_dma source(%dma_start3A_76 : memref<160x125xi32, #tpu.memory_space<hbm>>) target(%arg11 : memref<160x125xi32, #tpu.memory_space<vmem>>) target_semaphore(%run_scoped3A_68 : memref<!tpu.dma_semaphore, #tpu.memory_space<semaphore_mem>>)
        %dma_wait3A_77 = arith.constant 0 : i32
        %dma_wait3A_78 = arith.constant 0 : i32
        %dma_wait3A_79 = tpu.memref_slice %arg5[%run_scoped3A, %arg1, %dma_wait3A_77, %dma_wait3A_78] : memref<2x16x160x125xi32, #tpu.memory_space<hbm>> -> memref<1x1x160x125xi32, #tpu.memory_space<hbm>>
        %dma_wait3A_80 = tpu.memref_squeeze %dma_wait3A_79 : memref<1x1x160x125xi32, #tpu.memory_space<hbm>> -> memref<160x125xi32, #tpu.memory_space<hbm>>
        %dma_wait3A_81 = arith.constant 0 : i32
        %dma_wait3A_82 = arith.constant 0 : i32
        %dma_wait3A_83 = tpu.memref_slice %arg5[%run_scoped3A, %arg1, %dma_wait3A_81, %dma_wait3A_82] : memref<2x16x160x125xi32, #tpu.memory_space<hbm>> -> memref<1x1x160x125xi32, #tpu.memory_space<hbm>>
        %dma_wait3A_84 = tpu.memref_squeeze %dma_wait3A_83 : memref<1x1x160x125xi32, #tpu.memory_space<hbm>> -> memref<160x125xi32, #tpu.memory_space<hbm>>
        tpu.wait_dma2 semaphore(%run_scoped3A_68 : memref<!tpu.dma_semaphore, #tpu.memory_space<semaphore_mem>>) src(%dma_wait3A_84 : memref<160x125xi32, #tpu.memory_space<hbm>>) dst(%arg11 : memref<160x125xi32, #tpu.memory_space<vmem>>)
        tpu.yield
      }) : () -> ()
      %run_scoped3A_7 = arith.constant 1 : i32
      "tpu.region"() ({
        %run_scoped3A_68 = tpu.sem_alloc : memref<!tpu.dma_semaphore, #tpu.memory_space<semaphore_mem>>
        %dma_start3A_69 = arith.constant 0 : i32
        %dma_start3A_70 = arith.constant 0 : i32
        %dma_start3A_71 = tpu.memref_slice %arg5[%run_scoped3A_7, %arg1, %dma_start3A_69, %dma_start3A_70] : memref<2x16x160x125xi32, #tpu.memory_space<hbm>> -> memref<1x1x160x125xi32, #tpu.memory_space<hbm>>
        %dma_start3A_72 = tpu.memref_squeeze %dma_start3A_71 : memref<1x1x160x125xi32, #tpu.memory_space<hbm>> -> memref<160x125xi32, #tpu.memory_space<hbm>>
        %dma_start3A_73 = arith.constant 0 : i32
        %dma_start3A_74 = arith.constant 0 : i32
        %dma_start3A_75 = tpu.memref_slice %arg5[%run_scoped3A_7, %arg1, %dma_start3A_73, %dma_start3A_74] : memref<2x16x160x125xi32, #tpu.memory_space<hbm>> -> memref<1x1x160x125xi32, #tpu.memory_space<hbm>>
        %dma_start3A_76 = tpu.memref_squeeze %dma_start3A_75 : memref<1x1x160x125xi32, #tpu.memory_space<hbm>> -> memref<160x125xi32, #tpu.memory_space<hbm>>
        tpu.enqueue_dma source(%dma_start3A_76 : memref<160x125xi32, #tpu.memory_space<hbm>>) target(%arg12 : memref<160x125xi32, #tpu.memory_space<vmem>>) target_semaphore(%run_scoped3A_68 : memref<!tpu.dma_semaphore, #tpu.memory_space<semaphore_mem>>)
        %dma_wait3A_77 = arith.constant 0 : i32
        %dma_wait3A_78 = arith.constant 0 : i32
        %dma_wait3A_79 = tpu.memref_slice %arg5[%run_scoped3A_7, %arg1, %dma_wait3A_77, %dma_wait3A_78] : memref<2x16x160x125xi32, #tpu.memory_space<hbm>> -> memref<1x1x160x125xi32, #tpu.memory_space<hbm>>
        %dma_wait3A_80 = tpu.memref_squeeze %dma_wait3A_79 : memref<1x1x160x125xi32, #tpu.memory_space<hbm>> -> memref<160x125xi32, #tpu.memory_space<hbm>>
        %dma_wait3A_81 = arith.constant 0 : i32
        %dma_wait3A_82 = arith.constant 0 : i32
        %dma_wait3A_83 = tpu.memref_slice %arg5[%run_scoped3A_7, %arg1, %dma_wait3A_81, %dma_wait3A_82] : memref<2x16x160x125xi32, #tpu.memory_space<hbm>> -> memref<1x1x160x125xi32, #tpu.memory_space<hbm>>
        %dma_wait3A_84 = tpu.memref_squeeze %dma_wait3A_83 : memref<1x1x160x125xi32, #tpu.memory_space<hbm>> -> memref<160x125xi32, #tpu.memory_space<hbm>>
        tpu.wait_dma2 semaphore(%run_scoped3A_68 : memref<!tpu.dma_semaphore, #tpu.memory_space<semaphore_mem>>) src(%dma_wait3A_84 : memref<160x125xi32, #tpu.memory_space<hbm>>) dst(%arg12 : memref<160x125xi32, #tpu.memory_space<vmem>>)
        tpu.yield
      }) : () -> ()
      %mul3A = arith.constant 640 : i32
      %mul3A_8 = arith.muli %arg1, %mul3A : i32
      "tpu.region"() ({
        %run_scoped3A_68 = tpu.sem_alloc : memref<!tpu.dma_semaphore, #tpu.memory_space<semaphore_mem>>
        %dma_start3A_69 = arith.constant 0 : i32
        %dma_start3A_70 = tpu.memref_slice %arg18[%mul3A_8, %dma_start3A_69] : memref<10240x128xbf16, #tpu.memory_space<vmem_shared>> -> memref<640x128xbf16, #tpu.memory_space<vmem_shared>>
        %dma_start3A_71 = arith.constant 0 : i32
        %dma_start3A_72 = tpu.memref_slice %arg6[%mul3A_8, %dma_start3A_71] : memref<10240x128xbf16, #tpu.memory_space<hbm>> -> memref<640x128xbf16, #tpu.memory_space<hbm>>
        tpu.enqueue_dma source(%dma_start3A_72 : memref<640x128xbf16, #tpu.memory_space<hbm>>) target(%dma_start3A_70 : memref<640x128xbf16, #tpu.memory_space<vmem_shared>>) target_semaphore(%run_scoped3A_68 : memref<!tpu.dma_semaphore, #tpu.memory_space<semaphore_mem>>)
        %dma_wait3A_73 = arith.constant 0 : i32
        %dma_wait3A_74 = tpu.memref_slice %arg18[%mul3A_8, %dma_wait3A_73] : memref<10240x128xbf16, #tpu.memory_space<vmem_shared>> -> memref<640x128xbf16, #tpu.memory_space<vmem_shared>>
        %dma_wait3A_75 = arith.constant 0 : i32
        %dma_wait3A_76 = tpu.memref_slice %arg6[%mul3A_8, %dma_wait3A_75] : memref<10240x128xbf16, #tpu.memory_space<hbm>> -> memref<640x128xbf16, #tpu.memory_space<hbm>>
        tpu.wait_dma2 semaphore(%run_scoped3A_68 : memref<!tpu.dma_semaphore, #tpu.memory_space<semaphore_mem>>) src(%dma_wait3A_76 : memref<640x128xbf16, #tpu.memory_space<hbm>>) dst(%dma_wait3A_74 : memref<640x128xbf16, #tpu.memory_space<vmem_shared>>)
        tpu.yield
      }) : () -> ()
      "tpu.region"() ({
        %run_scoped3A_68 = tpu.sem_alloc : memref<!tpu.dma_semaphore, #tpu.memory_space<semaphore_mem>>
        %dma_start3A_69 = arith.constant 0 : i32
        %dma_start3A_70 = tpu.memref_slice %arg19[%mul3A_8, %dma_start3A_69] : memref<10240x8xf32, #tpu.memory_space<vmem_shared>> -> memref<640x8xf32, #tpu.memory_space<vmem_shared>>
        %dma_start3A_71 = arith.constant 0 : i32
        %dma_start3A_72 = tpu.memref_slice %arg7[%mul3A_8, %dma_start3A_71] : memref<10240x8xf32, #tpu.memory_space<hbm>> -> memref<640x8xf32, #tpu.memory_space<hbm>>
        tpu.enqueue_dma source(%dma_start3A_72 : memref<640x8xf32, #tpu.memory_space<hbm>>) target(%dma_start3A_70 : memref<640x8xf32, #tpu.memory_space<vmem_shared>>) target_semaphore(%run_scoped3A_68 : memref<!tpu.dma_semaphore, #tpu.memory_space<semaphore_mem>>)
        %dma_wait3A_73 = arith.constant 0 : i32
        %dma_wait3A_74 = tpu.memref_slice %arg19[%mul3A_8, %dma_wait3A_73] : memref<10240x8xf32, #tpu.memory_space<vmem_shared>> -> memref<640x8xf32, #tpu.memory_space<vmem_shared>>
        %dma_wait3A_75 = arith.constant 0 : i32
        %dma_wait3A_76 = tpu.memref_slice %arg7[%mul3A_8, %dma_wait3A_75] : memref<10240x8xf32, #tpu.memory_space<hbm>> -> memref<640x8xf32, #tpu.memory_space<hbm>>
        tpu.wait_dma2 semaphore(%run_scoped3A_68 : memref<!tpu.dma_semaphore, #tpu.memory_space<semaphore_mem>>) src(%dma_wait3A_76 : memref<640x8xf32, #tpu.memory_space<hbm>>) dst(%dma_wait3A_74 : memref<640x8xf32, #tpu.memory_space<vmem_shared>>)
        tpu.yield
      }) : () -> ()
      "tpu.region"() ({
        %run_scoped3A_68 = tpu.sem_alloc : memref<!tpu.dma_semaphore, #tpu.memory_space<semaphore_mem>>
        tpu.enqueue_dma source(%arg8 : memref<125x8xf32, #tpu.memory_space<hbm>>) target(%arg17 : memref<125x8xf32, #tpu.memory_space<vmem>>) target_semaphore(%run_scoped3A_68 : memref<!tpu.dma_semaphore, #tpu.memory_space<semaphore_mem>>)
        tpu.wait_dma2 semaphore(%run_scoped3A_68 : memref<!tpu.dma_semaphore, #tpu.memory_space<semaphore_mem>>) src(%arg8 : memref<125x8xf32, #tpu.memory_space<hbm>>) dst(%arg17 : memref<125x8xf32, #tpu.memory_space<vmem>>)
        tpu.yield
      }) : () -> ()
      %barrier3A = arith.constant 0 : index
      tpu.barrier barrier_id(%barrier3A)
      %dma_start3A = arith.constant 0 : i32
      %dma_start3A_9 = arith.constant 0 : i32
      %dma_start3A_10 = tpu.memref_slice %arg11[%dma_start3A, %dma_start3A_9] : memref<160x125xi32, #tpu.memory_space<vmem>> -> memref<1x125xi32, #tpu.memory_space<vmem>>
      %dma_start3A_11 = tpu.memref_squeeze %dma_start3A_10 : memref<1x125xi32, #tpu.memory_space<vmem>> -> memref<125xi32, #tpu.memory_space<vmem>>
      %dma_start3A_12 = arith.constant 0 : i32
      %dma_start3A_13 = arith.constant 0 : i32
      %dma_start3A_14 = tpu.memref_slice %arg2[%dma_start3A_12, %dma_start3A_13] : memref<10240x128xbf16, #tpu.memory_space<hbm>> -> memref<10240x128xbf16, #tpu.memory_space<hbm>>
      tpu.enqueue_indirect_dma source(%dma_start3A_14 : memref<10240x128xbf16, #tpu.memory_space<hbm>>) target(%arg13 : memref<125x128xbf16, #tpu.memory_space<vmem>>) offsets(%dma_start3A_11 : memref<125xi32, #tpu.memory_space<vmem>>) semaphore(%arg20 : memref<!tpu.dma_semaphore, #tpu.memory_space<semaphore_mem>>)
      %dma_start3A_15 = arith.constant 1 : i32
      %dma_start3A_16 = arith.constant 0 : i32
      %dma_start3A_17 = tpu.memref_slice %arg11[%dma_start3A_15, %dma_start3A_16] : memref<160x125xi32, #tpu.memory_space<vmem>> -> memref<1x125xi32, #tpu.memory_space<vmem>>
      %dma_start3A_18 = tpu.memref_squeeze %dma_start3A_17 : memref<1x125xi32, #tpu.memory_space<vmem>> -> memref<125xi32, #tpu.memory_space<vmem>>
      %dma_start3A_19 = arith.constant 0 : i32
      %dma_start3A_20 = arith.constant 0 : i32
      %dma_start3A_21 = tpu.memref_slice %arg2[%dma_start3A_19, %dma_start3A_20] : memref<10240x128xbf16, #tpu.memory_space<hbm>> -> memref<10240x128xbf16, #tpu.memory_space<hbm>>
      tpu.enqueue_indirect_dma source(%dma_start3A_21 : memref<10240x128xbf16, #tpu.memory_space<hbm>>) target(%arg14 : memref<125x128xbf16, #tpu.memory_space<vmem>>) offsets(%dma_start3A_18 : memref<125xi32, #tpu.memory_space<vmem>>) semaphore(%arg21 : memref<!tpu.dma_semaphore, #tpu.memory_space<semaphore_mem>>)
      %dma_start3A_22 = arith.constant 2 : i32
      %dma_start3A_23 = arith.constant 0 : i32
      %dma_start3A_24 = tpu.memref_slice %arg11[%dma_start3A_22, %dma_start3A_23] : memref<160x125xi32, #tpu.memory_space<vmem>> -> memref<1x125xi32, #tpu.memory_space<vmem>>
      %dma_start3A_25 = tpu.memref_squeeze %dma_start3A_24 : memref<1x125xi32, #tpu.memory_space<vmem>> -> memref<125xi32, #tpu.memory_space<vmem>>
      %dma_start3A_26 = arith.constant 0 : i32
      %dma_start3A_27 = arith.constant 0 : i32
      %dma_start3A_28 = tpu.memref_slice %arg2[%dma_start3A_26, %dma_start3A_27] : memref<10240x128xbf16, #tpu.memory_space<hbm>> -> memref<10240x128xbf16, #tpu.memory_space<hbm>>
      tpu.enqueue_indirect_dma source(%dma_start3A_28 : memref<10240x128xbf16, #tpu.memory_space<hbm>>) target(%arg15 : memref<125x128xbf16, #tpu.memory_space<vmem>>) offsets(%dma_start3A_25 : memref<125xi32, #tpu.memory_space<vmem>>) semaphore(%arg22 : memref<!tpu.dma_semaphore, #tpu.memory_space<semaphore_mem>>)
      %scan3A = arith.constant 0 : i32
      %scan3A_29 = arith.constant 0 : i32
      %scan3A_30 = arith.constant 40 : i32
      %scan3A_31 = arith.addi %scan3A_29, %scan3A_30 : i32
      %scan3A_32 = arith.constant 1 : i32
      scf.for %scan3A_68 = %scan3A_29 to %scan3A_31 step %scan3A_32  : i32 {
        %mul3A_69 = arith.constant 4 : i32
        %mul3A_70 = arith.muli %scan3A_68, %mul3A_69 : i32
        %add3A = arith.constant 0 : i32
        %add3A_71 = arith.addi %mul3A_70, %add3A : i32
        %dma_wait3A_72 = arith.constant 0 : i32
        %dma_wait3A_73 = arith.constant 0 : i32
        %dma_wait3A_74 = tpu.memref_slice %arg11[%dma_wait3A_72, %dma_wait3A_73] : memref<160x125xi32, #tpu.memory_space<vmem>> -> memref<1x125xi32, #tpu.memory_space<vmem>>
        %dma_wait3A_75 = tpu.memref_squeeze %dma_wait3A_74 : memref<1x125xi32, #tpu.memory_space<vmem>> -> memref<125xi32, #tpu.memory_space<vmem>>
        %dma_wait3A_76 = arith.constant 0 : i32
        %dma_wait3A_77 = arith.constant 0 : i32
        %dma_wait3A_78 = tpu.memref_slice %arg2[%dma_wait3A_76, %dma_wait3A_77] : memref<10240x128xbf16, #tpu.memory_space<hbm>> -> memref<10240x128xbf16, #tpu.memory_space<hbm>>
        tpu.wait_indirect_dma semaphore(%arg20 : memref<!tpu.dma_semaphore, #tpu.memory_space<semaphore_mem>>) src(%dma_wait3A_78 : memref<10240x128xbf16, #tpu.memory_space<hbm>>) dst(%arg13 : memref<125x128xbf16, #tpu.memory_space<vmem>>)
        %dma_start3A_79 = arith.constant 0 : i32
        %dma_start3A_80 = tpu.memref_slice %arg12[%add3A_71, %dma_start3A_79] : memref<160x125xi32, #tpu.memory_space<vmem>> -> memref<1x125xi32, #tpu.memory_space<vmem>>
        %dma_start3A_81 = tpu.memref_squeeze %dma_start3A_80 : memref<1x125xi32, #tpu.memory_space<vmem>> -> memref<125xi32, #tpu.memory_space<vmem>>
        %dma_start3A_82 = arith.constant 0 : i32
        %dma_start3A_83 = arith.constant 0 : i32
        %dma_start3A_84 = tpu.memref_slice %arg18[%dma_start3A_82, %dma_start3A_83] : memref<10240x128xbf16, #tpu.memory_space<vmem_shared>> -> memref<10240x128xbf16, #tpu.memory_space<vmem_shared>>
        tpu.enqueue_indirect_dma source(%arg13 : memref<125x128xbf16, #tpu.memory_space<vmem>>) target(%dma_start3A_84 : memref<10240x128xbf16, #tpu.memory_space<vmem_shared>>) offsets(%dma_start3A_81 : memref<125xi32, #tpu.memory_space<vmem>>) semaphore(%arg24 : memref<!tpu.dma_semaphore, #tpu.memory_space<semaphore_mem>>) {add = true}
        %dma_start3A_85 = arith.constant 0 : i32
        %dma_start3A_86 = tpu.memref_slice %arg12[%add3A_71, %dma_start3A_85] : memref<160x125xi32, #tpu.memory_space<vmem>> -> memref<1x125xi32, #tpu.memory_space<vmem>>
        %dma_start3A_87 = tpu.memref_squeeze %dma_start3A_86 : memref<1x125xi32, #tpu.memory_space<vmem>> -> memref<125xi32, #tpu.memory_space<vmem>>
        %dma_start3A_88 = arith.constant 0 : i32
        %dma_start3A_89 = arith.constant 0 : i32
        %dma_start3A_90 = tpu.memref_slice %arg19[%dma_start3A_88, %dma_start3A_89] : memref<10240x8xf32, #tpu.memory_space<vmem_shared>> -> memref<10240x8xf32, #tpu.memory_space<vmem_shared>>
        tpu.enqueue_indirect_dma source(%arg17 : memref<125x8xf32, #tpu.memory_space<vmem>>) target(%dma_start3A_90 : memref<10240x8xf32, #tpu.memory_space<vmem_shared>>) offsets(%dma_start3A_87 : memref<125xi32, #tpu.memory_space<vmem>>) semaphore(%arg28 : memref<!tpu.dma_semaphore, #tpu.memory_space<semaphore_mem>>) {add = true}
        %add3A_91 = arith.constant 4 : i32
        %add3A_92 = arith.addi %add3A_71, %add3A_91 : i32
        %sub3A = arith.constant 1 : i32
        %sub3A_93 = arith.subi %add3A_92, %sub3A : i32
        %lt3A = arith.constant 160 : i32
        %lt3A_94 = arith.cmpi slt, %sub3A_93, %lt3A : i32
        %convert_element_type3A_95 = arith.extui %lt3A_94 : i1 to i32
        %cond3A_96 = arith.constant 0 : i32
        %cond3A_97 = arith.cmpi ne, %convert_element_type3A_95, %cond3A_96 : i32
        scf.if %cond3A_97 {
          %gt3A = arith.constant 0 : i32
          %gt3A_194 = arith.cmpi sgt, %add3A_71, %gt3A : i32
          %convert_element_type3A_195 = arith.extui %gt3A_194 : i1 to i32
          %cond3A_196 = arith.constant 0 : i32
          %cond3A_197 = arith.cmpi ne, %convert_element_type3A_195, %cond3A_196 : i32
          scf.if %cond3A_197 {
            %dma_wait3A_208 = arith.constant 0 : i32
            %dma_wait3A_209 = arith.constant 0 : i32
            %dma_wait3A_210 = tpu.memref_slice %arg12[%dma_wait3A_208, %dma_wait3A_209] : memref<160x125xi32, #tpu.memory_space<vmem>> -> memref<1x125xi32, #tpu.memory_space<vmem>>
            %dma_wait3A_211 = tpu.memref_squeeze %dma_wait3A_210 : memref<1x125xi32, #tpu.memory_space<vmem>> -> memref<125xi32, #tpu.memory_space<vmem>>
            %dma_wait3A_212 = arith.constant 0 : i32
            %dma_wait3A_213 = arith.constant 0 : i32
            %dma_wait3A_214 = tpu.memref_slice %arg18[%dma_wait3A_212, %dma_wait3A_213] : memref<10240x128xbf16, #tpu.memory_space<vmem_shared>> -> memref<10240x128xbf16, #tpu.memory_space<vmem_shared>>
            tpu.wait_indirect_dma semaphore(%arg27 : memref<!tpu.dma_semaphore, #tpu.memory_space<semaphore_mem>>) src(%arg16 : memref<125x128xbf16, #tpu.memory_space<vmem>>) dst(%dma_wait3A_214 : memref<10240x128xbf16, #tpu.memory_space<vmem_shared>>)
          } else {
          }
          %add3A_198 = arith.constant 4 : i32
          %add3A_199 = arith.addi %add3A_71, %add3A_198 : i32
          %sub3A_200 = arith.constant 1 : i32
          %sub3A_201 = arith.subi %add3A_199, %sub3A_200 : i32
          %dma_start3A_202 = arith.constant 0 : i32
          %dma_start3A_203 = tpu.memref_slice %arg11[%sub3A_201, %dma_start3A_202] : memref<160x125xi32, #tpu.memory_space<vmem>> -> memref<1x125xi32, #tpu.memory_space<vmem>>
          %dma_start3A_204 = tpu.memref_squeeze %dma_start3A_203 : memref<1x125xi32, #tpu.memory_space<vmem>> -> memref<125xi32, #tpu.memory_space<vmem>>
          %dma_start3A_205 = arith.constant 0 : i32
          %dma_start3A_206 = arith.constant 0 : i32
          %dma_start3A_207 = tpu.memref_slice %arg2[%dma_start3A_205, %dma_start3A_206] : memref<10240x128xbf16, #tpu.memory_space<hbm>> -> memref<10240x128xbf16, #tpu.memory_space<hbm>>
          tpu.enqueue_indirect_dma source(%dma_start3A_207 : memref<10240x128xbf16, #tpu.memory_space<hbm>>) target(%arg16 : memref<125x128xbf16, #tpu.memory_space<vmem>>) offsets(%dma_start3A_204 : memref<125xi32, #tpu.memory_space<vmem>>) semaphore(%arg23 : memref<!tpu.dma_semaphore, #tpu.memory_space<semaphore_mem>>)
        } else {
        }
        %mul3A_98 = arith.constant 4 : i32
        %mul3A_99 = arith.muli %scan3A_68, %mul3A_98 : i32
        %add3A_100 = arith.constant 1 : i32
        %add3A_101 = arith.addi %mul3A_99, %add3A_100 : i32
        %dma_wait3A_102 = arith.constant 0 : i32
        %dma_wait3A_103 = arith.constant 0 : i32
        %dma_wait3A_104 = tpu.memref_slice %arg11[%dma_wait3A_102, %dma_wait3A_103] : memref<160x125xi32, #tpu.memory_space<vmem>> -> memref<1x125xi32, #tpu.memory_space<vmem>>
        %dma_wait3A_105 = tpu.memref_squeeze %dma_wait3A_104 : memref<1x125xi32, #tpu.memory_space<vmem>> -> memref<125xi32, #tpu.memory_space<vmem>>
        %dma_wait3A_106 = arith.constant 0 : i32
        %dma_wait3A_107 = arith.constant 0 : i32
        %dma_wait3A_108 = tpu.memref_slice %arg2[%dma_wait3A_106, %dma_wait3A_107] : memref<10240x128xbf16, #tpu.memory_space<hbm>> -> memref<10240x128xbf16, #tpu.memory_space<hbm>>
        tpu.wait_indirect_dma semaphore(%arg21 : memref<!tpu.dma_semaphore, #tpu.memory_space<semaphore_mem>>) src(%dma_wait3A_108 : memref<10240x128xbf16, #tpu.memory_space<hbm>>) dst(%arg14 : memref<125x128xbf16, #tpu.memory_space<vmem>>)
        %dma_start3A_109 = arith.constant 0 : i32
        %dma_start3A_110 = tpu.memref_slice %arg12[%add3A_101, %dma_start3A_109] : memref<160x125xi32, #tpu.memory_space<vmem>> -> memref<1x125xi32, #tpu.memory_space<vmem>>
        %dma_start3A_111 = tpu.memref_squeeze %dma_start3A_110 : memref<1x125xi32, #tpu.memory_space<vmem>> -> memref<125xi32, #tpu.memory_space<vmem>>
        %dma_start3A_112 = arith.constant 0 : i32
        %dma_start3A_113 = arith.constant 0 : i32
        %dma_start3A_114 = tpu.memref_slice %arg18[%dma_start3A_112, %dma_start3A_113] : memref<10240x128xbf16, #tpu.memory_space<vmem_shared>> -> memref<10240x128xbf16, #tpu.memory_space<vmem_shared>>
        tpu.enqueue_indirect_dma source(%arg14 : memref<125x128xbf16, #tpu.memory_space<vmem>>) target(%dma_start3A_114 : memref<10240x128xbf16, #tpu.memory_space<vmem_shared>>) offsets(%dma_start3A_111 : memref<125xi32, #tpu.memory_space<vmem>>) semaphore(%arg25 : memref<!tpu.dma_semaphore, #tpu.memory_space<semaphore_mem>>) {add = true}
        %dma_start3A_115 = arith.constant 0 : i32
        %dma_start3A_116 = tpu.memref_slice %arg12[%add3A_101, %dma_start3A_115] : memref<160x125xi32, #tpu.memory_space<vmem>> -> memref<1x125xi32, #tpu.memory_space<vmem>>
        %dma_start3A_117 = tpu.memref_squeeze %dma_start3A_116 : memref<1x125xi32, #tpu.memory_space<vmem>> -> memref<125xi32, #tpu.memory_space<vmem>>
        %dma_start3A_118 = arith.constant 0 : i32
        %dma_start3A_119 = arith.constant 0 : i32
        %dma_start3A_120 = tpu.memref_slice %arg19[%dma_start3A_118, %dma_start3A_119] : memref<10240x8xf32, #tpu.memory_space<vmem_shared>> -> memref<10240x8xf32, #tpu.memory_space<vmem_shared>>
        tpu.enqueue_indirect_dma source(%arg17 : memref<125x8xf32, #tpu.memory_space<vmem>>) target(%dma_start3A_120 : memref<10240x8xf32, #tpu.memory_space<vmem_shared>>) offsets(%dma_start3A_117 : memref<125xi32, #tpu.memory_space<vmem>>) semaphore(%arg28 : memref<!tpu.dma_semaphore, #tpu.memory_space<semaphore_mem>>) {add = true}
        %add3A_121 = arith.constant 4 : i32
        %add3A_122 = arith.addi %add3A_101, %add3A_121 : i32
        %sub3A_123 = arith.constant 1 : i32
        %sub3A_124 = arith.subi %add3A_122, %sub3A_123 : i32
        %lt3A_125 = arith.constant 160 : i32
        %lt3A_126 = arith.cmpi slt, %sub3A_124, %lt3A_125 : i32
        %convert_element_type3A_127 = arith.extui %lt3A_126 : i1 to i32
        %cond3A_128 = arith.constant 0 : i32
        %cond3A_129 = arith.cmpi ne, %convert_element_type3A_127, %cond3A_128 : i32
        scf.if %cond3A_129 {
          %gt3A = arith.constant 0 : i32
          %gt3A_194 = arith.cmpi sgt, %add3A_101, %gt3A : i32
          %convert_element_type3A_195 = arith.extui %gt3A_194 : i1 to i32
          %cond3A_196 = arith.constant 0 : i32
          %cond3A_197 = arith.cmpi ne, %convert_element_type3A_195, %cond3A_196 : i32
          scf.if %cond3A_197 {
            %dma_wait3A_208 = arith.constant 0 : i32
            %dma_wait3A_209 = arith.constant 0 : i32
            %dma_wait3A_210 = tpu.memref_slice %arg12[%dma_wait3A_208, %dma_wait3A_209] : memref<160x125xi32, #tpu.memory_space<vmem>> -> memref<1x125xi32, #tpu.memory_space<vmem>>
            %dma_wait3A_211 = tpu.memref_squeeze %dma_wait3A_210 : memref<1x125xi32, #tpu.memory_space<vmem>> -> memref<125xi32, #tpu.memory_space<vmem>>
            %dma_wait3A_212 = arith.constant 0 : i32
            %dma_wait3A_213 = arith.constant 0 : i32
            %dma_wait3A_214 = tpu.memref_slice %arg18[%dma_wait3A_212, %dma_wait3A_213] : memref<10240x128xbf16, #tpu.memory_space<vmem_shared>> -> memref<10240x128xbf16, #tpu.memory_space<vmem_shared>>
            tpu.wait_indirect_dma semaphore(%arg24 : memref<!tpu.dma_semaphore, #tpu.memory_space<semaphore_mem>>) src(%arg13 : memref<125x128xbf16, #tpu.memory_space<vmem>>) dst(%dma_wait3A_214 : memref<10240x128xbf16, #tpu.memory_space<vmem_shared>>)
          } else {
          }
          %add3A_198 = arith.constant 4 : i32
          %add3A_199 = arith.addi %add3A_101, %add3A_198 : i32
          %sub3A_200 = arith.constant 1 : i32
          %sub3A_201 = arith.subi %add3A_199, %sub3A_200 : i32
          %dma_start3A_202 = arith.constant 0 : i32
          %dma_start3A_203 = tpu.memref_slice %arg11[%sub3A_201, %dma_start3A_202] : memref<160x125xi32, #tpu.memory_space<vmem>> -> memref<1x125xi32, #tpu.memory_space<vmem>>
          %dma_start3A_204 = tpu.memref_squeeze %dma_start3A_203 : memref<1x125xi32, #tpu.memory_space<vmem>> -> memref<125xi32, #tpu.memory_space<vmem>>
          %dma_start3A_205 = arith.constant 0 : i32
          %dma_start3A_206 = arith.constant 0 : i32
          %dma_start3A_207 = tpu.memref_slice %arg2[%dma_start3A_205, %dma_start3A_206] : memref<10240x128xbf16, #tpu.memory_space<hbm>> -> memref<10240x128xbf16, #tpu.memory_space<hbm>>
          tpu.enqueue_indirect_dma source(%dma_start3A_207 : memref<10240x128xbf16, #tpu.memory_space<hbm>>) target(%arg13 : memref<125x128xbf16, #tpu.memory_space<vmem>>) offsets(%dma_start3A_204 : memref<125xi32, #tpu.memory_space<vmem>>) semaphore(%arg20 : memref<!tpu.dma_semaphore, #tpu.memory_space<semaphore_mem>>)
        } else {
        }
        %mul3A_130 = arith.constant 4 : i32
        %mul3A_131 = arith.muli %scan3A_68, %mul3A_130 : i32
        %add3A_132 = arith.constant 2 : i32
        %add3A_133 = arith.addi %mul3A_131, %add3A_132 : i32
        %dma_wait3A_134 = arith.constant 0 : i32
        %dma_wait3A_135 = arith.constant 0 : i32
        %dma_wait3A_136 = tpu.memref_slice %arg11[%dma_wait3A_134, %dma_wait3A_135] : memref<160x125xi32, #tpu.memory_space<vmem>> -> memref<1x125xi32, #tpu.memory_space<vmem>>
        %dma_wait3A_137 = tpu.memref_squeeze %dma_wait3A_136 : memref<1x125xi32, #tpu.memory_space<vmem>> -> memref<125xi32, #tpu.memory_space<vmem>>
        %dma_wait3A_138 = arith.constant 0 : i32
        %dma_wait3A_139 = arith.constant 0 : i32
        %dma_wait3A_140 = tpu.memref_slice %arg2[%dma_wait3A_138, %dma_wait3A_139] : memref<10240x128xbf16, #tpu.memory_space<hbm>> -> memref<10240x128xbf16, #tpu.memory_space<hbm>>
        tpu.wait_indirect_dma semaphore(%arg22 : memref<!tpu.dma_semaphore, #tpu.memory_space<semaphore_mem>>) src(%dma_wait3A_140 : memref<10240x128xbf16, #tpu.memory_space<hbm>>) dst(%arg15 : memref<125x128xbf16, #tpu.memory_space<vmem>>)
        %dma_start3A_141 = arith.constant 0 : i32
        %dma_start3A_142 = tpu.memref_slice %arg12[%add3A_133, %dma_start3A_141] : memref<160x125xi32, #tpu.memory_space<vmem>> -> memref<1x125xi32, #tpu.memory_space<vmem>>
        %dma_start3A_143 = tpu.memref_squeeze %dma_start3A_142 : memref<1x125xi32, #tpu.memory_space<vmem>> -> memref<125xi32, #tpu.memory_space<vmem>>
        %dma_start3A_144 = arith.constant 0 : i32
        %dma_start3A_145 = arith.constant 0 : i32
        %dma_start3A_146 = tpu.memref_slice %arg18[%dma_start3A_144, %dma_start3A_145] : memref<10240x128xbf16, #tpu.memory_space<vmem_shared>> -> memref<10240x128xbf16, #tpu.memory_space<vmem_shared>>
        tpu.enqueue_indirect_dma source(%arg15 : memref<125x128xbf16, #tpu.memory_space<vmem>>) target(%dma_start3A_146 : memref<10240x128xbf16, #tpu.memory_space<vmem_shared>>) offsets(%dma_start3A_143 : memref<125xi32, #tpu.memory_space<vmem>>) semaphore(%arg26 : memref<!tpu.dma_semaphore, #tpu.memory_space<semaphore_mem>>) {add = true}
        %dma_start3A_147 = arith.constant 0 : i32
        %dma_start3A_148 = tpu.memref_slice %arg12[%add3A_133, %dma_start3A_147] : memref<160x125xi32, #tpu.memory_space<vmem>> -> memref<1x125xi32, #tpu.memory_space<vmem>>
        %dma_start3A_149 = tpu.memref_squeeze %dma_start3A_148 : memref<1x125xi32, #tpu.memory_space<vmem>> -> memref<125xi32, #tpu.memory_space<vmem>>
        %dma_start3A_150 = arith.constant 0 : i32
        %dma_start3A_151 = arith.constant 0 : i32
        %dma_start3A_152 = tpu.memref_slice %arg19[%dma_start3A_150, %dma_start3A_151] : memref<10240x8xf32, #tpu.memory_space<vmem_shared>> -> memref<10240x8xf32, #tpu.memory_space<vmem_shared>>
        tpu.enqueue_indirect_dma source(%arg17 : memref<125x8xf32, #tpu.memory_space<vmem>>) target(%dma_start3A_152 : memref<10240x8xf32, #tpu.memory_space<vmem_shared>>) offsets(%dma_start3A_149 : memref<125xi32, #tpu.memory_space<vmem>>) semaphore(%arg28 : memref<!tpu.dma_semaphore, #tpu.memory_space<semaphore_mem>>) {add = true}
        %add3A_153 = arith.constant 4 : i32
        %add3A_154 = arith.addi %add3A_133, %add3A_153 : i32
        %sub3A_155 = arith.constant 1 : i32
        %sub3A_156 = arith.subi %add3A_154, %sub3A_155 : i32
        %lt3A_157 = arith.constant 160 : i32
        %lt3A_158 = arith.cmpi slt, %sub3A_156, %lt3A_157 : i32
        %convert_element_type3A_159 = arith.extui %lt3A_158 : i1 to i32
        %cond3A_160 = arith.constant 0 : i32
        %cond3A_161 = arith.cmpi ne, %convert_element_type3A_159, %cond3A_160 : i32
        scf.if %cond3A_161 {
          %gt3A = arith.constant 0 : i32
          %gt3A_194 = arith.cmpi sgt, %add3A_133, %gt3A : i32
          %convert_element_type3A_195 = arith.extui %gt3A_194 : i1 to i32
          %cond3A_196 = arith.constant 0 : i32
          %cond3A_197 = arith.cmpi ne, %convert_element_type3A_195, %cond3A_196 : i32
          scf.if %cond3A_197 {
            %dma_wait3A_208 = arith.constant 0 : i32
            %dma_wait3A_209 = arith.constant 0 : i32
            %dma_wait3A_210 = tpu.memref_slice %arg12[%dma_wait3A_208, %dma_wait3A_209] : memref<160x125xi32, #tpu.memory_space<vmem>> -> memref<1x125xi32, #tpu.memory_space<vmem>>
            %dma_wait3A_211 = tpu.memref_squeeze %dma_wait3A_210 : memref<1x125xi32, #tpu.memory_space<vmem>> -> memref<125xi32, #tpu.memory_space<vmem>>
            %dma_wait3A_212 = arith.constant 0 : i32
            %dma_wait3A_213 = arith.constant 0 : i32
            %dma_wait3A_214 = tpu.memref_slice %arg18[%dma_wait3A_212, %dma_wait3A_213] : memref<10240x128xbf16, #tpu.memory_space<vmem_shared>> -> memref<10240x128xbf16, #tpu.memory_space<vmem_shared>>
            tpu.wait_indirect_dma semaphore(%arg25 : memref<!tpu.dma_semaphore, #tpu.memory_space<semaphore_mem>>) src(%arg14 : memref<125x128xbf16, #tpu.memory_space<vmem>>) dst(%dma_wait3A_214 : memref<10240x128xbf16, #tpu.memory_space<vmem_shared>>)
          } else {
          }
          %add3A_198 = arith.constant 4 : i32
          %add3A_199 = arith.addi %add3A_133, %add3A_198 : i32
          %sub3A_200 = arith.constant 1 : i32
          %sub3A_201 = arith.subi %add3A_199, %sub3A_200 : i32
          %dma_start3A_202 = arith.constant 0 : i32
          %dma_start3A_203 = tpu.memref_slice %arg11[%sub3A_201, %dma_start3A_202] : memref<160x125xi32, #tpu.memory_space<vmem>> -> memref<1x125xi32, #tpu.memory_space<vmem>>
          %dma_start3A_204 = tpu.memref_squeeze %dma_start3A_203 : memref<1x125xi32, #tpu.memory_space<vmem>> -> memref<125xi32, #tpu.memory_space<vmem>>
          %dma_start3A_205 = arith.constant 0 : i32
          %dma_start3A_206 = arith.constant 0 : i32
          %dma_start3A_207 = tpu.memref_slice %arg2[%dma_start3A_205, %dma_start3A_206] : memref<10240x128xbf16, #tpu.memory_space<hbm>> -> memref<10240x128xbf16, #tpu.memory_space<hbm>>
          tpu.enqueue_indirect_dma source(%dma_start3A_207 : memref<10240x128xbf16, #tpu.memory_space<hbm>>) target(%arg14 : memref<125x128xbf16, #tpu.memory_space<vmem>>) offsets(%dma_start3A_204 : memref<125xi32, #tpu.memory_space<vmem>>) semaphore(%arg21 : memref<!tpu.dma_semaphore, #tpu.memory_space<semaphore_mem>>)
        } else {
        }
        %mul3A_162 = arith.constant 4 : i32
        %mul3A_163 = arith.muli %scan3A_68, %mul3A_162 : i32
        %add3A_164 = arith.constant 3 : i32
        %add3A_165 = arith.addi %mul3A_163, %add3A_164 : i32
        %dma_wait3A_166 = arith.constant 0 : i32
        %dma_wait3A_167 = arith.constant 0 : i32
        %dma_wait3A_168 = tpu.memref_slice %arg11[%dma_wait3A_166, %dma_wait3A_167] : memref<160x125xi32, #tpu.memory_space<vmem>> -> memref<1x125xi32, #tpu.memory_space<vmem>>
        %dma_wait3A_169 = tpu.memref_squeeze %dma_wait3A_168 : memref<1x125xi32, #tpu.memory_space<vmem>> -> memref<125xi32, #tpu.memory_space<vmem>>
        %dma_wait3A_170 = arith.constant 0 : i32
        %dma_wait3A_171 = arith.constant 0 : i32
        %dma_wait3A_172 = tpu.memref_slice %arg2[%dma_wait3A_170, %dma_wait3A_171] : memref<10240x128xbf16, #tpu.memory_space<hbm>> -> memref<10240x128xbf16, #tpu.memory_space<hbm>>
        tpu.wait_indirect_dma semaphore(%arg23 : memref<!tpu.dma_semaphore, #tpu.memory_space<semaphore_mem>>) src(%dma_wait3A_172 : memref<10240x128xbf16, #tpu.memory_space<hbm>>) dst(%arg16 : memref<125x128xbf16, #tpu.memory_space<vmem>>)
        %dma_start3A_173 = arith.constant 0 : i32
        %dma_start3A_174 = tpu.memref_slice %arg12[%add3A_165, %dma_start3A_173] : memref<160x125xi32, #tpu.memory_space<vmem>> -> memref<1x125xi32, #tpu.memory_space<vmem>>
        %dma_start3A_175 = tpu.memref_squeeze %dma_start3A_174 : memref<1x125xi32, #tpu.memory_space<vmem>> -> memref<125xi32, #tpu.memory_space<vmem>>
        %dma_start3A_176 = arith.constant 0 : i32
        %dma_start3A_177 = arith.constant 0 : i32
        %dma_start3A_178 = tpu.memref_slice %arg18[%dma_start3A_176, %dma_start3A_177] : memref<10240x128xbf16, #tpu.memory_space<vmem_shared>> -> memref<10240x128xbf16, #tpu.memory_space<vmem_shared>>
        tpu.enqueue_indirect_dma source(%arg16 : memref<125x128xbf16, #tpu.memory_space<vmem>>) target(%dma_start3A_178 : memref<10240x128xbf16, #tpu.memory_space<vmem_shared>>) offsets(%dma_start3A_175 : memref<125xi32, #tpu.memory_space<vmem>>) semaphore(%arg27 : memref<!tpu.dma_semaphore, #tpu.memory_space<semaphore_mem>>) {add = true}
        %dma_start3A_179 = arith.constant 0 : i32
        %dma_start3A_180 = tpu.memref_slice %arg12[%add3A_165, %dma_start3A_179] : memref<160x125xi32, #tpu.memory_space<vmem>> -> memref<1x125xi32, #tpu.memory_space<vmem>>
        %dma_start3A_181 = tpu.memref_squeeze %dma_start3A_180 : memref<1x125xi32, #tpu.memory_space<vmem>> -> memref<125xi32, #tpu.memory_space<vmem>>
        %dma_start3A_182 = arith.constant 0 : i32
        %dma_start3A_183 = arith.constant 0 : i32
        %dma_start3A_184 = tpu.memref_slice %arg19[%dma_start3A_182, %dma_start3A_183] : memref<10240x8xf32, #tpu.memory_space<vmem_shared>> -> memref<10240x8xf32, #tpu.memory_space<vmem_shared>>
        tpu.enqueue_indirect_dma source(%arg17 : memref<125x8xf32, #tpu.memory_space<vmem>>) target(%dma_start3A_184 : memref<10240x8xf32, #tpu.memory_space<vmem_shared>>) offsets(%dma_start3A_181 : memref<125xi32, #tpu.memory_space<vmem>>) semaphore(%arg28 : memref<!tpu.dma_semaphore, #tpu.memory_space<semaphore_mem>>) {add = true}
        %add3A_185 = arith.constant 4 : i32
        %add3A_186 = arith.addi %add3A_165, %add3A_185 : i32
        %sub3A_187 = arith.constant 1 : i32
        %sub3A_188 = arith.subi %add3A_186, %sub3A_187 : i32
        %lt3A_189 = arith.constant 160 : i32
        %lt3A_190 = arith.cmpi slt, %sub3A_188, %lt3A_189 : i32
        %convert_element_type3A_191 = arith.extui %lt3A_190 : i1 to i32
        %cond3A_192 = arith.constant 0 : i32
        %cond3A_193 = arith.cmpi ne, %convert_element_type3A_191, %cond3A_192 : i32
        scf.if %cond3A_193 {
          %gt3A = arith.constant 0 : i32
          %gt3A_194 = arith.cmpi sgt, %add3A_165, %gt3A : i32
          %convert_element_type3A_195 = arith.extui %gt3A_194 : i1 to i32
          %cond3A_196 = arith.constant 0 : i32
          %cond3A_197 = arith.cmpi ne, %convert_element_type3A_195, %cond3A_196 : i32
          scf.if %cond3A_197 {
            %dma_wait3A_208 = arith.constant 0 : i32
            %dma_wait3A_209 = arith.constant 0 : i32
            %dma_wait3A_210 = tpu.memref_slice %arg12[%dma_wait3A_208, %dma_wait3A_209] : memref<160x125xi32, #tpu.memory_space<vmem>> -> memref<1x125xi32, #tpu.memory_space<vmem>>
            %dma_wait3A_211 = tpu.memref_squeeze %dma_wait3A_210 : memref<1x125xi32, #tpu.memory_space<vmem>> -> memref<125xi32, #tpu.memory_space<vmem>>
            %dma_wait3A_212 = arith.constant 0 : i32
            %dma_wait3A_213 = arith.constant 0 : i32
            %dma_wait3A_214 = tpu.memref_slice %arg18[%dma_wait3A_212, %dma_wait3A_213] : memref<10240x128xbf16, #tpu.memory_space<vmem_shared>> -> memref<10240x128xbf16, #tpu.memory_space<vmem_shared>>
            tpu.wait_indirect_dma semaphore(%arg26 : memref<!tpu.dma_semaphore, #tpu.memory_space<semaphore_mem>>) src(%arg15 : memref<125x128xbf16, #tpu.memory_space<vmem>>) dst(%dma_wait3A_214 : memref<10240x128xbf16, #tpu.memory_space<vmem_shared>>)
          } else {
          }
          %add3A_198 = arith.constant 4 : i32
          %add3A_199 = arith.addi %add3A_165, %add3A_198 : i32
          %sub3A_200 = arith.constant 1 : i32
          %sub3A_201 = arith.subi %add3A_199, %sub3A_200 : i32
          %dma_start3A_202 = arith.constant 0 : i32
          %dma_start3A_203 = tpu.memref_slice %arg11[%sub3A_201, %dma_start3A_202] : memref<160x125xi32, #tpu.memory_space<vmem>> -> memref<1x125xi32, #tpu.memory_space<vmem>>
          %dma_start3A_204 = tpu.memref_squeeze %dma_start3A_203 : memref<1x125xi32, #tpu.memory_space<vmem>> -> memref<125xi32, #tpu.memory_space<vmem>>
          %dma_start3A_205 = arith.constant 0 : i32
          %dma_start3A_206 = arith.constant 0 : i32
          %dma_start3A_207 = tpu.memref_slice %arg2[%dma_start3A_205, %dma_start3A_206] : memref<10240x128xbf16, #tpu.memory_space<hbm>> -> memref<10240x128xbf16, #tpu.memory_space<hbm>>
          tpu.enqueue_indirect_dma source(%dma_start3A_207 : memref<10240x128xbf16, #tpu.memory_space<hbm>>) target(%arg15 : memref<125x128xbf16, #tpu.memory_space<vmem>>) offsets(%dma_start3A_204 : memref<125xi32, #tpu.memory_space<vmem>>) semaphore(%arg22 : memref<!tpu.dma_semaphore, #tpu.memory_space<semaphore_mem>>)
        } else {
        }
      }
      %scan3A_33 = arith.constant 40 : i32
      %dma_wait3A = arith.constant 0 : i32
      %dma_wait3A_34 = arith.constant 0 : i32
      %dma_wait3A_35 = tpu.memref_slice %arg12[%dma_wait3A, %dma_wait3A_34] : memref<160x125xi32, #tpu.memory_space<vmem>> -> memref<1x125xi32, #tpu.memory_space<vmem>>
      %dma_wait3A_36 = tpu.memref_squeeze %dma_wait3A_35 : memref<1x125xi32, #tpu.memory_space<vmem>> -> memref<125xi32, #tpu.memory_space<vmem>>
      %dma_wait3A_37 = arith.constant 0 : i32
      %dma_wait3A_38 = arith.constant 0 : i32
      %dma_wait3A_39 = tpu.memref_slice %arg18[%dma_wait3A_37, %dma_wait3A_38] : memref<10240x128xbf16, #tpu.memory_space<vmem_shared>> -> memref<10240x128xbf16, #tpu.memory_space<vmem_shared>>
      tpu.wait_indirect_dma semaphore(%arg24 : memref<!tpu.dma_semaphore, #tpu.memory_space<semaphore_mem>>) src(%arg13 : memref<125x128xbf16, #tpu.memory_space<vmem>>) dst(%dma_wait3A_39 : memref<10240x128xbf16, #tpu.memory_space<vmem_shared>>)
      %dma_wait3A_40 = arith.constant 0 : i32
      %dma_wait3A_41 = arith.constant 0 : i32
      %dma_wait3A_42 = tpu.memref_slice %arg12[%dma_wait3A_40, %dma_wait3A_41] : memref<160x125xi32, #tpu.memory_space<vmem>> -> memref<1x125xi32, #tpu.memory_space<vmem>>
      %dma_wait3A_43 = tpu.memref_squeeze %dma_wait3A_42 : memref<1x125xi32, #tpu.memory_space<vmem>> -> memref<125xi32, #tpu.memory_space<vmem>>
      %dma_wait3A_44 = arith.constant 0 : i32
      %dma_wait3A_45 = arith.constant 0 : i32
      %dma_wait3A_46 = tpu.memref_slice %arg18[%dma_wait3A_44, %dma_wait3A_45] : memref<10240x128xbf16, #tpu.memory_space<vmem_shared>> -> memref<10240x128xbf16, #tpu.memory_space<vmem_shared>>
      tpu.wait_indirect_dma semaphore(%arg25 : memref<!tpu.dma_semaphore, #tpu.memory_space<semaphore_mem>>) src(%arg14 : memref<125x128xbf16, #tpu.memory_space<vmem>>) dst(%dma_wait3A_46 : memref<10240x128xbf16, #tpu.memory_space<vmem_shared>>)
      %dma_wait3A_47 = arith.constant 0 : i32
      %dma_wait3A_48 = arith.constant 0 : i32
      %dma_wait3A_49 = tpu.memref_slice %arg12[%dma_wait3A_47, %dma_wait3A_48] : memref<160x125xi32, #tpu.memory_space<vmem>> -> memref<1x125xi32, #tpu.memory_space<vmem>>
      %dma_wait3A_50 = tpu.memref_squeeze %dma_wait3A_49 : memref<1x125xi32, #tpu.memory_space<vmem>> -> memref<125xi32, #tpu.memory_space<vmem>>
      %dma_wait3A_51 = arith.constant 0 : i32
      %dma_wait3A_52 = arith.constant 0 : i32
      %dma_wait3A_53 = tpu.memref_slice %arg18[%dma_wait3A_51, %dma_wait3A_52] : memref<10240x128xbf16, #tpu.memory_space<vmem_shared>> -> memref<10240x128xbf16, #tpu.memory_space<vmem_shared>>
      tpu.wait_indirect_dma semaphore(%arg26 : memref<!tpu.dma_semaphore, #tpu.memory_space<semaphore_mem>>) src(%arg15 : memref<125x128xbf16, #tpu.memory_space<vmem>>) dst(%dma_wait3A_53 : memref<10240x128xbf16, #tpu.memory_space<vmem_shared>>)
      %dma_wait3A_54 = arith.constant 0 : i32
      %dma_wait3A_55 = arith.constant 0 : i32
      %dma_wait3A_56 = tpu.memref_slice %arg12[%dma_wait3A_54, %dma_wait3A_55] : memref<160x125xi32, #tpu.memory_space<vmem>> -> memref<1x125xi32, #tpu.memory_space<vmem>>
      %dma_wait3A_57 = tpu.memref_squeeze %dma_wait3A_56 : memref<1x125xi32, #tpu.memory_space<vmem>> -> memref<125xi32, #tpu.memory_space<vmem>>
      %dma_wait3A_58 = arith.constant 0 : i32
      %dma_wait3A_59 = arith.constant 0 : i32
      %dma_wait3A_60 = tpu.memref_slice %arg18[%dma_wait3A_58, %dma_wait3A_59] : memref<10240x128xbf16, #tpu.memory_space<vmem_shared>> -> memref<10240x128xbf16, #tpu.memory_space<vmem_shared>>
      tpu.wait_indirect_dma semaphore(%arg27 : memref<!tpu.dma_semaphore, #tpu.memory_space<semaphore_mem>>) src(%arg16 : memref<125x128xbf16, #tpu.memory_space<vmem>>) dst(%dma_wait3A_60 : memref<10240x128xbf16, #tpu.memory_space<vmem_shared>>)
      %scan3A_61 = arith.constant 0 : i32
      %scan3A_62 = arith.constant 0 : i32
      %scan3A_63 = arith.constant 160 : i32
      %scan3A_64 = arith.addi %scan3A_62, %scan3A_63 : i32
      %scan3A_65 = arith.constant 1 : i32
      scf.for %scan3A_68 = %scan3A_62 to %scan3A_64 step %scan3A_65  : i32 {
        %dma_wait3A_69 = arith.constant 0 : i32
        %dma_wait3A_70 = arith.constant 0 : i32
        %dma_wait3A_71 = tpu.memref_slice %arg12[%dma_wait3A_69, %dma_wait3A_70] : memref<160x125xi32, #tpu.memory_space<vmem>> -> memref<1x125xi32, #tpu.memory_space<vmem>>
        %dma_wait3A_72 = tpu.memref_squeeze %dma_wait3A_71 : memref<1x125xi32, #tpu.memory_space<vmem>> -> memref<125xi32, #tpu.memory_space<vmem>>
        %dma_wait3A_73 = arith.constant 0 : i32
        %dma_wait3A_74 = arith.constant 0 : i32
        %dma_wait3A_75 = tpu.memref_slice %arg19[%dma_wait3A_73, %dma_wait3A_74] : memref<10240x8xf32, #tpu.memory_space<vmem_shared>> -> memref<10240x8xf32, #tpu.memory_space<vmem_shared>>
        tpu.wait_indirect_dma semaphore(%arg28 : memref<!tpu.dma_semaphore, #tpu.memory_space<semaphore_mem>>) src(%arg17 : memref<125x8xf32, #tpu.memory_space<vmem>>) dst(%dma_wait3A_75 : memref<10240x8xf32, #tpu.memory_space<vmem_shared>>)
      }
      %scan3A_66 = arith.constant 160 : i32
      %barrier3A_67 = arith.constant 0 : index
      tpu.barrier barrier_id(%barrier3A_67)
      "tpu.region"() ({
        %run_scoped3A_68 = tpu.sem_alloc : memref<!tpu.dma_semaphore, #tpu.memory_space<semaphore_mem>>
        %dma_start3A_69 = arith.constant 0 : i32
        %dma_start3A_70 = tpu.memref_slice %arg9[%arg0, %mul3A_8, %dma_start3A_69] : memref<2x10240x128xbf16, #tpu.memory_space<hbm>> -> memref<1x640x128xbf16, #tpu.memory_space<hbm>>
        %dma_start3A_71 = tpu.memref_squeeze %dma_start3A_70 : memref<1x640x128xbf16, #tpu.memory_space<hbm>> -> memref<640x128xbf16, #tpu.memory_space<hbm>>
        %dma_start3A_72 = arith.constant 0 : i32
        %dma_start3A_73 = tpu.memref_slice %arg18[%mul3A_8, %dma_start3A_72] : memref<10240x128xbf16, #tpu.memory_space<vmem_shared>> -> memref<640x128xbf16, #tpu.memory_space<vmem_shared>>
        tpu.enqueue_dma source(%dma_start3A_73 : memref<640x128xbf16, #tpu.memory_space<vmem_shared>>) target(%dma_start3A_71 : memref<640x128xbf16, #tpu.memory_space<hbm>>) target_semaphore(%run_scoped3A_68 : memref<!tpu.dma_semaphore, #tpu.memory_space<semaphore_mem>>)
        %dma_wait3A_74 = arith.constant 0 : i32
        %dma_wait3A_75 = tpu.memref_slice %arg9[%arg0, %mul3A_8, %dma_wait3A_74] : memref<2x10240x128xbf16, #tpu.memory_space<hbm>> -> memref<1x640x128xbf16, #tpu.memory_space<hbm>>
        %dma_wait3A_76 = tpu.memref_squeeze %dma_wait3A_75 : memref<1x640x128xbf16, #tpu.memory_space<hbm>> -> memref<640x128xbf16, #tpu.memory_space<hbm>>
        %dma_wait3A_77 = arith.constant 0 : i32
        %dma_wait3A_78 = tpu.memref_slice %arg18[%mul3A_8, %dma_wait3A_77] : memref<10240x128xbf16, #tpu.memory_space<vmem_shared>> -> memref<640x128xbf16, #tpu.memory_space<vmem_shared>>
        tpu.wait_dma2 semaphore(%run_scoped3A_68 : memref<!tpu.dma_semaphore, #tpu.memory_space<semaphore_mem>>) src(%dma_wait3A_78 : memref<640x128xbf16, #tpu.memory_space<vmem_shared>>) dst(%dma_wait3A_76 : memref<640x128xbf16, #tpu.memory_space<hbm>>)
        tpu.yield
      }) : () -> ()
      "tpu.region"() ({
        %run_scoped3A_68 = tpu.sem_alloc : memref<!tpu.dma_semaphore, #tpu.memory_space<semaphore_mem>>
        %dma_start3A_69 = arith.constant 0 : i32
        %dma_start3A_70 = tpu.memref_slice %arg10[%arg0, %mul3A_8, %dma_start3A_69] : memref<2x10240x8xf32, #tpu.memory_space<hbm>> -> memref<1x640x8xf32, #tpu.memory_space<hbm>>
        %dma_start3A_71 = tpu.memref_squeeze %dma_start3A_70 : memref<1x640x8xf32, #tpu.memory_space<hbm>> -> memref<640x8xf32, #tpu.memory_space<hbm>>
        %dma_start3A_72 = arith.constant 0 : i32
        %dma_start3A_73 = tpu.memref_slice %arg19[%mul3A_8, %dma_start3A_72] : memref<10240x8xf32, #tpu.memory_space<vmem_shared>> -> memref<640x8xf32, #tpu.memory_space<vmem_shared>>
        tpu.enqueue_dma source(%dma_start3A_73 : memref<640x8xf32, #tpu.memory_space<vmem_shared>>) target(%dma_start3A_71 : memref<640x8xf32, #tpu.memory_space<hbm>>) target_semaphore(%run_scoped3A_68 : memref<!tpu.dma_semaphore, #tpu.memory_space<semaphore_mem>>)
        %dma_wait3A_74 = arith.constant 0 : i32
        %dma_wait3A_75 = tpu.memref_slice %arg10[%arg0, %mul3A_8, %dma_wait3A_74] : memref<2x10240x8xf32, #tpu.memory_space<hbm>> -> memref<1x640x8xf32, #tpu.memory_space<hbm>>
        %dma_wait3A_76 = tpu.memref_squeeze %dma_wait3A_75 : memref<1x640x8xf32, #tpu.memory_space<hbm>> -> memref<640x8xf32, #tpu.memory_space<hbm>>
        %dma_wait3A_77 = arith.constant 0 : i32
        %dma_wait3A_78 = tpu.memref_slice %arg19[%mul3A_8, %dma_wait3A_77] : memref<10240x8xf32, #tpu.memory_space<vmem_shared>> -> memref<640x8xf32, #tpu.memory_space<vmem_shared>>
        tpu.wait_dma2 semaphore(%run_scoped3A_68 : memref<!tpu.dma_semaphore, #tpu.memory_space<semaphore_mem>>) src(%dma_wait3A_78 : memref<640x8xf32, #tpu.memory_space<vmem_shared>>) dst(%dma_wait3A_76 : memref<640x8xf32, #tpu.memory_space<hbm>>)
        tpu.yield
      }) : () -> ()
    } else {
    }
    return
  }
}

#map = affine_map<(d0, d1) -> (0, 0)>
#map1 = affine_map<(d0, d1) -> (0, 0, 0, 0)>
#map2 = affine_map<(d0, d1) -> (0, 0, 0)>
module attributes {stable_mosaic.version = 14 : i64} {
  func.func @body(%arg0: i32, %arg1: i32, %arg2: memref<10240x128xbf16, #tpu.memory_space<hbm>>, %arg3: memref<10240x128xbf16, #tpu.memory_space<hbm>>, %arg4: memref<2x16x160x125xi32, #tpu.memory_space<hbm>>, %arg5: memref<2x16x160x125xi32, #tpu.memory_space<hbm>>, %arg6: memref<10240x128xbf16, #tpu.memory_space<hbm>>, %arg7: memref<10240x8xf32, #tpu.memory_space<hbm>>, %arg8: memref<125x8xf32, #tpu.memory_space<hbm>>, %arg9: memref<2x10240x128xbf16, #tpu.memory_space<hbm>>, %arg10: memref<160x125xi32, #tpu.memory_space<vmem>>, %arg11: memref<160x125xi32, #tpu.memory_space<vmem>>, %arg12: memref<125x128xbf16, #tpu.memory_space<vmem>>, %arg13: memref<125x128xbf16, #tpu.memory_space<vmem>>, %arg14: memref<125x128xbf16, #tpu.memory_space<vmem>>, %arg15: memref<125x128xbf16, #tpu.memory_space<vmem>>, %arg16: memref<125x8xf32, #tpu.memory_space<vmem>>, %arg17: memref<10240x128xbf16, #tpu.memory_space<vmem_shared>>, %arg18: memref<8x8xf32, #tpu.memory_space<vmem>>, %arg19: memref<!tpu.dma_semaphore, #tpu.memory_space<semaphore_mem>>, %arg20: memref<!tpu.dma_semaphore, #tpu.memory_space<semaphore_mem>>, %arg21: memref<!tpu.dma_semaphore, #tpu.memory_space<semaphore_mem>>, %arg22: memref<!tpu.dma_semaphore, #tpu.memory_space<semaphore_mem>>, %arg23: memref<!tpu.dma_semaphore, #tpu.memory_space<semaphore_mem>>, %arg24: memref<!tpu.dma_semaphore, #tpu.memory_space<semaphore_mem>>, %arg25: memref<!tpu.dma_semaphore, #tpu.memory_space<semaphore_mem>>, %arg26: memref<!tpu.dma_semaphore, #tpu.memory_space<semaphore_mem>>, %arg27: memref<!tpu.dma_semaphore, #tpu.memory_space<semaphore_mem>>) attributes {dimension_semantics = [#tpu.dimension_semantics<core_parallel>, #tpu.dimension_semantics<subcore_parallel>], iteration_bounds = array<i64: 2, 16>, scalar_prefetch = 0 : i64, scratch_operands = 18 : i64, tpu.core_type = #tpu.core_type<sc_vector_subcore>, window_params = [{transform_indices = #map}, {transform_indices = #map}, {transform_indices = #map1}, {transform_indices = #map1}, {transform_indices = #map}, {transform_indices = #map}, {transform_indices = #map}, {transform_indices = #map2}]} {
    %eq3A = arith.constant 0 : i32
    %eq3A_0 = arith.cmpi eq, %arg0, %eq3A : i32
    %convert_element_type3A = arith.extui %eq3A_0 : i1 to i32
    %cond3A = arith.constant 0 : i32
    %cond3A_1 = arith.cmpi ne, %convert_element_type3A, %cond3A : i32
    scf.if %cond3A_1 {
      %run_scoped3A = arith.constant 0 : i32
      "tpu.region"() ({
        %run_scoped3A_62 = tpu.sem_alloc : memref<!tpu.dma_semaphore, #tpu.memory_space<semaphore_mem>>
        %dma_start3A_63 = arith.constant 0 : i32
        %dma_start3A_64 = arith.constant 0 : i32
        %dma_start3A_65 = tpu.memref_slice %arg4[%run_scoped3A, %arg1, %dma_start3A_63, %dma_start3A_64] : memref<2x16x160x125xi32, #tpu.memory_space<hbm>> -> memref<1x1x160x125xi32, #tpu.memory_space<hbm>>
        %dma_start3A_66 = tpu.memref_squeeze %dma_start3A_65 : memref<1x1x160x125xi32, #tpu.memory_space<hbm>> -> memref<160x125xi32, #tpu.memory_space<hbm>>
        %dma_start3A_67 = arith.constant 0 : i32
        %dma_start3A_68 = arith.constant 0 : i32
        %dma_start3A_69 = tpu.memref_slice %arg4[%run_scoped3A, %arg1, %dma_start3A_67, %dma_start3A_68] : memref<2x16x160x125xi32, #tpu.memory_space<hbm>> -> memref<1x1x160x125xi32, #tpu.memory_space<hbm>>
        %dma_start3A_70 = tpu.memref_squeeze %dma_start3A_69 : memref<1x1x160x125xi32, #tpu.memory_space<hbm>> -> memref<160x125xi32, #tpu.memory_space<hbm>>
        tpu.enqueue_dma source(%dma_start3A_70 : memref<160x125xi32, #tpu.memory_space<hbm>>) target(%arg10 : memref<160x125xi32, #tpu.memory_space<vmem>>) target_semaphore(%run_scoped3A_62 : memref<!tpu.dma_semaphore, #tpu.memory_space<semaphore_mem>>)
        %dma_wait3A_71 = arith.constant 0 : i32
        %dma_wait3A_72 = arith.constant 0 : i32
        %dma_wait3A_73 = tpu.memref_slice %arg4[%run_scoped3A, %arg1, %dma_wait3A_71, %dma_wait3A_72] : memref<2x16x160x125xi32, #tpu.memory_space<hbm>> -> memref<1x1x160x125xi32, #tpu.memory_space<hbm>>
        %dma_wait3A_74 = tpu.memref_squeeze %dma_wait3A_73 : memref<1x1x160x125xi32, #tpu.memory_space<hbm>> -> memref<160x125xi32, #tpu.memory_space<hbm>>
        %dma_wait3A_75 = arith.constant 0 : i32
        %dma_wait3A_76 = arith.constant 0 : i32
        %dma_wait3A_77 = tpu.memref_slice %arg4[%run_scoped3A, %arg1, %dma_wait3A_75, %dma_wait3A_76] : memref<2x16x160x125xi32, #tpu.memory_space<hbm>> -> memref<1x1x160x125xi32, #tpu.memory_space<hbm>>
        %dma_wait3A_78 = tpu.memref_squeeze %dma_wait3A_77 : memref<1x1x160x125xi32, #tpu.memory_space<hbm>> -> memref<160x125xi32, #tpu.memory_space<hbm>>
        tpu.wait_dma2 semaphore(%run_scoped3A_62 : memref<!tpu.dma_semaphore, #tpu.memory_space<semaphore_mem>>) src(%dma_wait3A_78 : memref<160x125xi32, #tpu.memory_space<hbm>>) dst(%arg10 : memref<160x125xi32, #tpu.memory_space<vmem>>)
        tpu.yield
      }) : () -> ()
      %run_scoped3A_7 = arith.constant 1 : i32
      "tpu.region"() ({
        %run_scoped3A_62 = tpu.sem_alloc : memref<!tpu.dma_semaphore, #tpu.memory_space<semaphore_mem>>
        %dma_start3A_63 = arith.constant 0 : i32
        %dma_start3A_64 = arith.constant 0 : i32
        %dma_start3A_65 = tpu.memref_slice %arg4[%run_scoped3A_7, %arg1, %dma_start3A_63, %dma_start3A_64] : memref<2x16x160x125xi32, #tpu.memory_space<hbm>> -> memref<1x1x160x125xi32, #tpu.memory_space<hbm>>
        %dma_start3A_66 = tpu.memref_squeeze %dma_start3A_65 : memref<1x1x160x125xi32, #tpu.memory_space<hbm>> -> memref<160x125xi32, #tpu.memory_space<hbm>>
        %dma_start3A_67 = arith.constant 0 : i32
        %dma_start3A_68 = arith.constant 0 : i32
        %dma_start3A_69 = tpu.memref_slice %arg4[%run_scoped3A_7, %arg1, %dma_start3A_67, %dma_start3A_68] : memref<2x16x160x125xi32, #tpu.memory_space<hbm>> -> memref<1x1x160x125xi32, #tpu.memory_space<hbm>>
        %dma_start3A_70 = tpu.memref_squeeze %dma_start3A_69 : memref<1x1x160x125xi32, #tpu.memory_space<hbm>> -> memref<160x125xi32, #tpu.memory_space<hbm>>
        tpu.enqueue_dma source(%dma_start3A_70 : memref<160x125xi32, #tpu.memory_space<hbm>>) target(%arg11 : memref<160x125xi32, #tpu.memory_space<vmem>>) target_semaphore(%run_scoped3A_62 : memref<!tpu.dma_semaphore, #tpu.memory_space<semaphore_mem>>)
        %dma_wait3A_71 = arith.constant 0 : i32
        %dma_wait3A_72 = arith.constant 0 : i32
        %dma_wait3A_73 = tpu.memref_slice %arg4[%run_scoped3A_7, %arg1, %dma_wait3A_71, %dma_wait3A_72] : memref<2x16x160x125xi32, #tpu.memory_space<hbm>> -> memref<1x1x160x125xi32, #tpu.memory_space<hbm>>
        %dma_wait3A_74 = tpu.memref_squeeze %dma_wait3A_73 : memref<1x1x160x125xi32, #tpu.memory_space<hbm>> -> memref<160x125xi32, #tpu.memory_space<hbm>>
        %dma_wait3A_75 = arith.constant 0 : i32
        %dma_wait3A_76 = arith.constant 0 : i32
        %dma_wait3A_77 = tpu.memref_slice %arg4[%run_scoped3A_7, %arg1, %dma_wait3A_75, %dma_wait3A_76] : memref<2x16x160x125xi32, #tpu.memory_space<hbm>> -> memref<1x1x160x125xi32, #tpu.memory_space<hbm>>
        %dma_wait3A_78 = tpu.memref_squeeze %dma_wait3A_77 : memref<1x1x160x125xi32, #tpu.memory_space<hbm>> -> memref<160x125xi32, #tpu.memory_space<hbm>>
        tpu.wait_dma2 semaphore(%run_scoped3A_62 : memref<!tpu.dma_semaphore, #tpu.memory_space<semaphore_mem>>) src(%dma_wait3A_78 : memref<160x125xi32, #tpu.memory_space<hbm>>) dst(%arg11 : memref<160x125xi32, #tpu.memory_space<vmem>>)
        tpu.yield
      }) : () -> ()
      %mul3A = arith.constant 640 : i32
      %mul3A_8 = arith.muli %arg1, %mul3A : i32
      "tpu.region"() ({
        %run_scoped3A_62 = tpu.sem_alloc : memref<!tpu.dma_semaphore, #tpu.memory_space<semaphore_mem>>
        %dma_start3A_63 = arith.constant 0 : i32
        %dma_start3A_64 = tpu.memref_slice %arg17[%mul3A_8, %dma_start3A_63] : memref<10240x128xbf16, #tpu.memory_space<vmem_shared>> -> memref<640x128xbf16, #tpu.memory_space<vmem_shared>>
        %dma_start3A_65 = arith.constant 0 : i32
        %dma_start3A_66 = tpu.memref_slice %arg6[%mul3A_8, %dma_start3A_65] : memref<10240x128xbf16, #tpu.memory_space<hbm>> -> memref<640x128xbf16, #tpu.memory_space<hbm>>
        tpu.enqueue_dma source(%dma_start3A_66 : memref<640x128xbf16, #tpu.memory_space<hbm>>) target(%dma_start3A_64 : memref<640x128xbf16, #tpu.memory_space<vmem_shared>>) target_semaphore(%run_scoped3A_62 : memref<!tpu.dma_semaphore, #tpu.memory_space<semaphore_mem>>)
        %dma_wait3A_67 = arith.constant 0 : i32
        %dma_wait3A_68 = tpu.memref_slice %arg17[%mul3A_8, %dma_wait3A_67] : memref<10240x128xbf16, #tpu.memory_space<vmem_shared>> -> memref<640x128xbf16, #tpu.memory_space<vmem_shared>>
        %dma_wait3A_69 = arith.constant 0 : i32
        %dma_wait3A_70 = tpu.memref_slice %arg6[%mul3A_8, %dma_wait3A_69] : memref<10240x128xbf16, #tpu.memory_space<hbm>> -> memref<640x128xbf16, #tpu.memory_space<hbm>>
        tpu.wait_dma2 semaphore(%run_scoped3A_62 : memref<!tpu.dma_semaphore, #tpu.memory_space<semaphore_mem>>) src(%dma_wait3A_70 : memref<640x128xbf16, #tpu.memory_space<hbm>>) dst(%dma_wait3A_68 : memref<640x128xbf16, #tpu.memory_space<vmem_shared>>)
        tpu.yield
      }) : () -> ()
      %barrier3A = arith.constant 0 : index
      tpu.barrier barrier_id(%barrier3A)
      %dma_start3A = arith.constant 0 : i32
      %dma_start3A_9 = arith.constant 0 : i32
      %dma_start3A_10 = tpu.memref_slice %arg10[%dma_start3A, %dma_start3A_9] : memref<160x125xi32, #tpu.memory_space<vmem>> -> memref<1x125xi32, #tpu.memory_space<vmem>>
      %dma_start3A_11 = tpu.memref_squeeze %dma_start3A_10 : memref<1x125xi32, #tpu.memory_space<vmem>> -> memref<125xi32, #tpu.memory_space<vmem>>
      %dma_start3A_12 = arith.constant 0 : i32
      %dma_start3A_13 = arith.constant 0 : i32
      %dma_start3A_14 = tpu.memref_slice %arg3[%dma_start3A_12, %dma_start3A_13] : memref<10240x128xbf16, #tpu.memory_space<hbm>> -> memref<10240x128xbf16, #tpu.memory_space<hbm>>
      tpu.enqueue_indirect_dma source(%dma_start3A_14 : memref<10240x128xbf16, #tpu.memory_space<hbm>>) target(%arg12 : memref<125x128xbf16, #tpu.memory_space<vmem>>) offsets(%dma_start3A_11 : memref<125xi32, #tpu.memory_space<vmem>>) semaphore(%arg19 : memref<!tpu.dma_semaphore, #tpu.memory_space<semaphore_mem>>)
      %dma_start3A_15 = arith.constant 1 : i32
      %dma_start3A_16 = arith.constant 0 : i32
      %dma_start3A_17 = tpu.memref_slice %arg10[%dma_start3A_15, %dma_start3A_16] : memref<160x125xi32, #tpu.memory_space<vmem>> -> memref<1x125xi32, #tpu.memory_space<vmem>>
      %dma_start3A_18 = tpu.memref_squeeze %dma_start3A_17 : memref<1x125xi32, #tpu.memory_space<vmem>> -> memref<125xi32, #tpu.memory_space<vmem>>
      %dma_start3A_19 = arith.constant 0 : i32
      %dma_start3A_20 = arith.constant 0 : i32
      %dma_start3A_21 = tpu.memref_slice %arg3[%dma_start3A_19, %dma_start3A_20] : memref<10240x128xbf16, #tpu.memory_space<hbm>> -> memref<10240x128xbf16, #tpu.memory_space<hbm>>
      tpu.enqueue_indirect_dma source(%dma_start3A_21 : memref<10240x128xbf16, #tpu.memory_space<hbm>>) target(%arg13 : memref<125x128xbf16, #tpu.memory_space<vmem>>) offsets(%dma_start3A_18 : memref<125xi32, #tpu.memory_space<vmem>>) semaphore(%arg20 : memref<!tpu.dma_semaphore, #tpu.memory_space<semaphore_mem>>)
      %dma_start3A_22 = arith.constant 2 : i32
      %dma_start3A_23 = arith.constant 0 : i32
      %dma_start3A_24 = tpu.memref_slice %arg10[%dma_start3A_22, %dma_start3A_23] : memref<160x125xi32, #tpu.memory_space<vmem>> -> memref<1x125xi32, #tpu.memory_space<vmem>>
      %dma_start3A_25 = tpu.memref_squeeze %dma_start3A_24 : memref<1x125xi32, #tpu.memory_space<vmem>> -> memref<125xi32, #tpu.memory_space<vmem>>
      %dma_start3A_26 = arith.constant 0 : i32
      %dma_start3A_27 = arith.constant 0 : i32
      %dma_start3A_28 = tpu.memref_slice %arg3[%dma_start3A_26, %dma_start3A_27] : memref<10240x128xbf16, #tpu.memory_space<hbm>> -> memref<10240x128xbf16, #tpu.memory_space<hbm>>
      tpu.enqueue_indirect_dma source(%dma_start3A_28 : memref<10240x128xbf16, #tpu.memory_space<hbm>>) target(%arg14 : memref<125x128xbf16, #tpu.memory_space<vmem>>) offsets(%dma_start3A_25 : memref<125xi32, #tpu.memory_space<vmem>>) semaphore(%arg21 : memref<!tpu.dma_semaphore, #tpu.memory_space<semaphore_mem>>)
      %scan3A = arith.constant 0 : i32
      %scan3A_29 = arith.constant 0 : i32
      %scan3A_30 = arith.constant 40 : i32
      %scan3A_31 = arith.addi %scan3A_29, %scan3A_30 : i32
      %scan3A_32 = arith.constant 1 : i32
      scf.for %scan3A_62 = %scan3A_29 to %scan3A_31 step %scan3A_32  : i32 {
        %mul3A_63 = arith.constant 4 : i32
        %mul3A_64 = arith.muli %scan3A_62, %mul3A_63 : i32
        %add3A = arith.constant 0 : i32
        %add3A_65 = arith.addi %mul3A_64, %add3A : i32
        %dma_wait3A_66 = arith.constant 0 : i32
        %dma_wait3A_67 = arith.constant 0 : i32
        %dma_wait3A_68 = tpu.memref_slice %arg10[%dma_wait3A_66, %dma_wait3A_67] : memref<160x125xi32, #tpu.memory_space<vmem>> -> memref<1x125xi32, #tpu.memory_space<vmem>>
        %dma_wait3A_69 = tpu.memref_squeeze %dma_wait3A_68 : memref<1x125xi32, #tpu.memory_space<vmem>> -> memref<125xi32, #tpu.memory_space<vmem>>
        %dma_wait3A_70 = arith.constant 0 : i32
        %dma_wait3A_71 = arith.constant 0 : i32
        %dma_wait3A_72 = tpu.memref_slice %arg3[%dma_wait3A_70, %dma_wait3A_71] : memref<10240x128xbf16, #tpu.memory_space<hbm>> -> memref<10240x128xbf16, #tpu.memory_space<hbm>>
        tpu.wait_indirect_dma semaphore(%arg19 : memref<!tpu.dma_semaphore, #tpu.memory_space<semaphore_mem>>) src(%dma_wait3A_72 : memref<10240x128xbf16, #tpu.memory_space<hbm>>) dst(%arg12 : memref<125x128xbf16, #tpu.memory_space<vmem>>)
        %dma_start3A_73 = arith.constant 0 : i32
        %dma_start3A_74 = tpu.memref_slice %arg11[%add3A_65, %dma_start3A_73] : memref<160x125xi32, #tpu.memory_space<vmem>> -> memref<1x125xi32, #tpu.memory_space<vmem>>
        %dma_start3A_75 = tpu.memref_squeeze %dma_start3A_74 : memref<1x125xi32, #tpu.memory_space<vmem>> -> memref<125xi32, #tpu.memory_space<vmem>>
        %dma_start3A_76 = arith.constant 0 : i32
        %dma_start3A_77 = arith.constant 0 : i32
        %dma_start3A_78 = tpu.memref_slice %arg17[%dma_start3A_76, %dma_start3A_77] : memref<10240x128xbf16, #tpu.memory_space<vmem_shared>> -> memref<10240x128xbf16, #tpu.memory_space<vmem_shared>>
        tpu.enqueue_indirect_dma source(%arg12 : memref<125x128xbf16, #tpu.memory_space<vmem>>) target(%dma_start3A_78 : memref<10240x128xbf16, #tpu.memory_space<vmem_shared>>) offsets(%dma_start3A_75 : memref<125xi32, #tpu.memory_space<vmem>>) semaphore(%arg23 : memref<!tpu.dma_semaphore, #tpu.memory_space<semaphore_mem>>) {add = true}
        %add3A_79 = arith.constant 4 : i32
        %add3A_80 = arith.addi %add3A_65, %add3A_79 : i32
        %sub3A = arith.constant 1 : i32
        %sub3A_81 = arith.subi %add3A_80, %sub3A : i32
        %lt3A = arith.constant 160 : i32
        %lt3A_82 = arith.cmpi slt, %sub3A_81, %lt3A : i32
        %convert_element_type3A_83 = arith.extui %lt3A_82 : i1 to i32
        %cond3A_84 = arith.constant 0 : i32
        %cond3A_85 = arith.cmpi ne, %convert_element_type3A_83, %cond3A_84 : i32
        scf.if %cond3A_85 {
          %gt3A = arith.constant 0 : i32
          %gt3A_164 = arith.cmpi sgt, %add3A_65, %gt3A : i32
          %convert_element_type3A_165 = arith.extui %gt3A_164 : i1 to i32
          %cond3A_166 = arith.constant 0 : i32
          %cond3A_167 = arith.cmpi ne, %convert_element_type3A_165, %cond3A_166 : i32
          scf.if %cond3A_167 {
            %dma_wait3A_178 = arith.constant 0 : i32
            %dma_wait3A_179 = arith.constant 0 : i32
            %dma_wait3A_180 = tpu.memref_slice %arg11[%dma_wait3A_178, %dma_wait3A_179] : memref<160x125xi32, #tpu.memory_space<vmem>> -> memref<1x125xi32, #tpu.memory_space<vmem>>
            %dma_wait3A_181 = tpu.memref_squeeze %dma_wait3A_180 : memref<1x125xi32, #tpu.memory_space<vmem>> -> memref<125xi32, #tpu.memory_space<vmem>>
            %dma_wait3A_182 = arith.constant 0 : i32
            %dma_wait3A_183 = arith.constant 0 : i32
            %dma_wait3A_184 = tpu.memref_slice %arg17[%dma_wait3A_182, %dma_wait3A_183] : memref<10240x128xbf16, #tpu.memory_space<vmem_shared>> -> memref<10240x128xbf16, #tpu.memory_space<vmem_shared>>
            tpu.wait_indirect_dma semaphore(%arg26 : memref<!tpu.dma_semaphore, #tpu.memory_space<semaphore_mem>>) src(%arg15 : memref<125x128xbf16, #tpu.memory_space<vmem>>) dst(%dma_wait3A_184 : memref<10240x128xbf16, #tpu.memory_space<vmem_shared>>)
          } else {
          }
          %add3A_168 = arith.constant 4 : i32
          %add3A_169 = arith.addi %add3A_65, %add3A_168 : i32
          %sub3A_170 = arith.constant 1 : i32
          %sub3A_171 = arith.subi %add3A_169, %sub3A_170 : i32
          %dma_start3A_172 = arith.constant 0 : i32
          %dma_start3A_173 = tpu.memref_slice %arg10[%sub3A_171, %dma_start3A_172] : memref<160x125xi32, #tpu.memory_space<vmem>> -> memref<1x125xi32, #tpu.memory_space<vmem>>
          %dma_start3A_174 = tpu.memref_squeeze %dma_start3A_173 : memref<1x125xi32, #tpu.memory_space<vmem>> -> memref<125xi32, #tpu.memory_space<vmem>>
          %dma_start3A_175 = arith.constant 0 : i32
          %dma_start3A_176 = arith.constant 0 : i32
          %dma_start3A_177 = tpu.memref_slice %arg3[%dma_start3A_175, %dma_start3A_176] : memref<10240x128xbf16, #tpu.memory_space<hbm>> -> memref<10240x128xbf16, #tpu.memory_space<hbm>>
          tpu.enqueue_indirect_dma source(%dma_start3A_177 : memref<10240x128xbf16, #tpu.memory_space<hbm>>) target(%arg15 : memref<125x128xbf16, #tpu.memory_space<vmem>>) offsets(%dma_start3A_174 : memref<125xi32, #tpu.memory_space<vmem>>) semaphore(%arg22 : memref<!tpu.dma_semaphore, #tpu.memory_space<semaphore_mem>>)
        } else {
        }
        %mul3A_86 = arith.constant 4 : i32
        %mul3A_87 = arith.muli %scan3A_62, %mul3A_86 : i32
        %add3A_88 = arith.constant 1 : i32
        %add3A_89 = arith.addi %mul3A_87, %add3A_88 : i32
        %dma_wait3A_90 = arith.constant 0 : i32
        %dma_wait3A_91 = arith.constant 0 : i32
        %dma_wait3A_92 = tpu.memref_slice %arg10[%dma_wait3A_90, %dma_wait3A_91] : memref<160x125xi32, #tpu.memory_space<vmem>> -> memref<1x125xi32, #tpu.memory_space<vmem>>
        %dma_wait3A_93 = tpu.memref_squeeze %dma_wait3A_92 : memref<1x125xi32, #tpu.memory_space<vmem>> -> memref<125xi32, #tpu.memory_space<vmem>>
        %dma_wait3A_94 = arith.constant 0 : i32
        %dma_wait3A_95 = arith.constant 0 : i32
        %dma_wait3A_96 = tpu.memref_slice %arg3[%dma_wait3A_94, %dma_wait3A_95] : memref<10240x128xbf16, #tpu.memory_space<hbm>> -> memref<10240x128xbf16, #tpu.memory_space<hbm>>
        tpu.wait_indirect_dma semaphore(%arg20 : memref<!tpu.dma_semaphore, #tpu.memory_space<semaphore_mem>>) src(%dma_wait3A_96 : memref<10240x128xbf16, #tpu.memory_space<hbm>>) dst(%arg13 : memref<125x128xbf16, #tpu.memory_space<vmem>>)
        %dma_start3A_97 = arith.constant 0 : i32
        %dma_start3A_98 = tpu.memref_slice %arg11[%add3A_89, %dma_start3A_97] : memref<160x125xi32, #tpu.memory_space<vmem>> -> memref<1x125xi32, #tpu.memory_space<vmem>>
        %dma_start3A_99 = tpu.memref_squeeze %dma_start3A_98 : memref<1x125xi32, #tpu.memory_space<vmem>> -> memref<125xi32, #tpu.memory_space<vmem>>
        %dma_start3A_100 = arith.constant 0 : i32
        %dma_start3A_101 = arith.constant 0 : i32
        %dma_start3A_102 = tpu.memref_slice %arg17[%dma_start3A_100, %dma_start3A_101] : memref<10240x128xbf16, #tpu.memory_space<vmem_shared>> -> memref<10240x128xbf16, #tpu.memory_space<vmem_shared>>
        tpu.enqueue_indirect_dma source(%arg13 : memref<125x128xbf16, #tpu.memory_space<vmem>>) target(%dma_start3A_102 : memref<10240x128xbf16, #tpu.memory_space<vmem_shared>>) offsets(%dma_start3A_99 : memref<125xi32, #tpu.memory_space<vmem>>) semaphore(%arg24 : memref<!tpu.dma_semaphore, #tpu.memory_space<semaphore_mem>>) {add = true}
        %add3A_103 = arith.constant 4 : i32
        %add3A_104 = arith.addi %add3A_89, %add3A_103 : i32
        %sub3A_105 = arith.constant 1 : i32
        %sub3A_106 = arith.subi %add3A_104, %sub3A_105 : i32
        %lt3A_107 = arith.constant 160 : i32
        %lt3A_108 = arith.cmpi slt, %sub3A_106, %lt3A_107 : i32
        %convert_element_type3A_109 = arith.extui %lt3A_108 : i1 to i32
        %cond3A_110 = arith.constant 0 : i32
        %cond3A_111 = arith.cmpi ne, %convert_element_type3A_109, %cond3A_110 : i32
        scf.if %cond3A_111 {
          %gt3A = arith.constant 0 : i32
          %gt3A_164 = arith.cmpi sgt, %add3A_89, %gt3A : i32
          %convert_element_type3A_165 = arith.extui %gt3A_164 : i1 to i32
          %cond3A_166 = arith.constant 0 : i32
          %cond3A_167 = arith.cmpi ne, %convert_element_type3A_165, %cond3A_166 : i32
          scf.if %cond3A_167 {
            %dma_wait3A_178 = arith.constant 0 : i32
            %dma_wait3A_179 = arith.constant 0 : i32
            %dma_wait3A_180 = tpu.memref_slice %arg11[%dma_wait3A_178, %dma_wait3A_179] : memref<160x125xi32, #tpu.memory_space<vmem>> -> memref<1x125xi32, #tpu.memory_space<vmem>>
            %dma_wait3A_181 = tpu.memref_squeeze %dma_wait3A_180 : memref<1x125xi32, #tpu.memory_space<vmem>> -> memref<125xi32, #tpu.memory_space<vmem>>
            %dma_wait3A_182 = arith.constant 0 : i32
            %dma_wait3A_183 = arith.constant 0 : i32
            %dma_wait3A_184 = tpu.memref_slice %arg17[%dma_wait3A_182, %dma_wait3A_183] : memref<10240x128xbf16, #tpu.memory_space<vmem_shared>> -> memref<10240x128xbf16, #tpu.memory_space<vmem_shared>>
            tpu.wait_indirect_dma semaphore(%arg23 : memref<!tpu.dma_semaphore, #tpu.memory_space<semaphore_mem>>) src(%arg12 : memref<125x128xbf16, #tpu.memory_space<vmem>>) dst(%dma_wait3A_184 : memref<10240x128xbf16, #tpu.memory_space<vmem_shared>>)
          } else {
          }
          %add3A_168 = arith.constant 4 : i32
          %add3A_169 = arith.addi %add3A_89, %add3A_168 : i32
          %sub3A_170 = arith.constant 1 : i32
          %sub3A_171 = arith.subi %add3A_169, %sub3A_170 : i32
          %dma_start3A_172 = arith.constant 0 : i32
          %dma_start3A_173 = tpu.memref_slice %arg10[%sub3A_171, %dma_start3A_172] : memref<160x125xi32, #tpu.memory_space<vmem>> -> memref<1x125xi32, #tpu.memory_space<vmem>>
          %dma_start3A_174 = tpu.memref_squeeze %dma_start3A_173 : memref<1x125xi32, #tpu.memory_space<vmem>> -> memref<125xi32, #tpu.memory_space<vmem>>
          %dma_start3A_175 = arith.constant 0 : i32
          %dma_start3A_176 = arith.constant 0 : i32
          %dma_start3A_177 = tpu.memref_slice %arg3[%dma_start3A_175, %dma_start3A_176] : memref<10240x128xbf16, #tpu.memory_space<hbm>> -> memref<10240x128xbf16, #tpu.memory_space<hbm>>
          tpu.enqueue_indirect_dma source(%dma_start3A_177 : memref<10240x128xbf16, #tpu.memory_space<hbm>>) target(%arg12 : memref<125x128xbf16, #tpu.memory_space<vmem>>) offsets(%dma_start3A_174 : memref<125xi32, #tpu.memory_space<vmem>>) semaphore(%arg19 : memref<!tpu.dma_semaphore, #tpu.memory_space<semaphore_mem>>)
        } else {
        }
        %mul3A_112 = arith.constant 4 : i32
        %mul3A_113 = arith.muli %scan3A_62, %mul3A_112 : i32
        %add3A_114 = arith.constant 2 : i32
        %add3A_115 = arith.addi %mul3A_113, %add3A_114 : i32
        %dma_wait3A_116 = arith.constant 0 : i32
        %dma_wait3A_117 = arith.constant 0 : i32
        %dma_wait3A_118 = tpu.memref_slice %arg10[%dma_wait3A_116, %dma_wait3A_117] : memref<160x125xi32, #tpu.memory_space<vmem>> -> memref<1x125xi32, #tpu.memory_space<vmem>>
        %dma_wait3A_119 = tpu.memref_squeeze %dma_wait3A_118 : memref<1x125xi32, #tpu.memory_space<vmem>> -> memref<125xi32, #tpu.memory_space<vmem>>
        %dma_wait3A_120 = arith.constant 0 : i32
        %dma_wait3A_121 = arith.constant 0 : i32
        %dma_wait3A_122 = tpu.memref_slice %arg3[%dma_wait3A_120, %dma_wait3A_121] : memref<10240x128xbf16, #tpu.memory_space<hbm>> -> memref<10240x128xbf16, #tpu.memory_space<hbm>>
        tpu.wait_indirect_dma semaphore(%arg21 : memref<!tpu.dma_semaphore, #tpu.memory_space<semaphore_mem>>) src(%dma_wait3A_122 : memref<10240x128xbf16, #tpu.memory_space<hbm>>) dst(%arg14 : memref<125x128xbf16, #tpu.memory_space<vmem>>)
        %dma_start3A_123 = arith.constant 0 : i32
        %dma_start3A_124 = tpu.memref_slice %arg11[%add3A_115, %dma_start3A_123] : memref<160x125xi32, #tpu.memory_space<vmem>> -> memref<1x125xi32, #tpu.memory_space<vmem>>
        %dma_start3A_125 = tpu.memref_squeeze %dma_start3A_124 : memref<1x125xi32, #tpu.memory_space<vmem>> -> memref<125xi32, #tpu.memory_space<vmem>>
        %dma_start3A_126 = arith.constant 0 : i32
        %dma_start3A_127 = arith.constant 0 : i32
        %dma_start3A_128 = tpu.memref_slice %arg17[%dma_start3A_126, %dma_start3A_127] : memref<10240x128xbf16, #tpu.memory_space<vmem_shared>> -> memref<10240x128xbf16, #tpu.memory_space<vmem_shared>>
        tpu.enqueue_indirect_dma source(%arg14 : memref<125x128xbf16, #tpu.memory_space<vmem>>) target(%dma_start3A_128 : memref<10240x128xbf16, #tpu.memory_space<vmem_shared>>) offsets(%dma_start3A_125 : memref<125xi32, #tpu.memory_space<vmem>>) semaphore(%arg25 : memref<!tpu.dma_semaphore, #tpu.memory_space<semaphore_mem>>) {add = true}
        %add3A_129 = arith.constant 4 : i32
        %add3A_130 = arith.addi %add3A_115, %add3A_129 : i32
        %sub3A_131 = arith.constant 1 : i32
        %sub3A_132 = arith.subi %add3A_130, %sub3A_131 : i32
        %lt3A_133 = arith.constant 160 : i32
        %lt3A_134 = arith.cmpi slt, %sub3A_132, %lt3A_133 : i32
        %convert_element_type3A_135 = arith.extui %lt3A_134 : i1 to i32
        %cond3A_136 = arith.constant 0 : i32
        %cond3A_137 = arith.cmpi ne, %convert_element_type3A_135, %cond3A_136 : i32
        scf.if %cond3A_137 {
          %gt3A = arith.constant 0 : i32
          %gt3A_164 = arith.cmpi sgt, %add3A_115, %gt3A : i32
          %convert_element_type3A_165 = arith.extui %gt3A_164 : i1 to i32
          %cond3A_166 = arith.constant 0 : i32
          %cond3A_167 = arith.cmpi ne, %convert_element_type3A_165, %cond3A_166 : i32
          scf.if %cond3A_167 {
            %dma_wait3A_178 = arith.constant 0 : i32
            %dma_wait3A_179 = arith.constant 0 : i32
            %dma_wait3A_180 = tpu.memref_slice %arg11[%dma_wait3A_178, %dma_wait3A_179] : memref<160x125xi32, #tpu.memory_space<vmem>> -> memref<1x125xi32, #tpu.memory_space<vmem>>
            %dma_wait3A_181 = tpu.memref_squeeze %dma_wait3A_180 : memref<1x125xi32, #tpu.memory_space<vmem>> -> memref<125xi32, #tpu.memory_space<vmem>>
            %dma_wait3A_182 = arith.constant 0 : i32
            %dma_wait3A_183 = arith.constant 0 : i32
            %dma_wait3A_184 = tpu.memref_slice %arg17[%dma_wait3A_182, %dma_wait3A_183] : memref<10240x128xbf16, #tpu.memory_space<vmem_shared>> -> memref<10240x128xbf16, #tpu.memory_space<vmem_shared>>
            tpu.wait_indirect_dma semaphore(%arg24 : memref<!tpu.dma_semaphore, #tpu.memory_space<semaphore_mem>>) src(%arg13 : memref<125x128xbf16, #tpu.memory_space<vmem>>) dst(%dma_wait3A_184 : memref<10240x128xbf16, #tpu.memory_space<vmem_shared>>)
          } else {
          }
          %add3A_168 = arith.constant 4 : i32
          %add3A_169 = arith.addi %add3A_115, %add3A_168 : i32
          %sub3A_170 = arith.constant 1 : i32
          %sub3A_171 = arith.subi %add3A_169, %sub3A_170 : i32
          %dma_start3A_172 = arith.constant 0 : i32
          %dma_start3A_173 = tpu.memref_slice %arg10[%sub3A_171, %dma_start3A_172] : memref<160x125xi32, #tpu.memory_space<vmem>> -> memref<1x125xi32, #tpu.memory_space<vmem>>
          %dma_start3A_174 = tpu.memref_squeeze %dma_start3A_173 : memref<1x125xi32, #tpu.memory_space<vmem>> -> memref<125xi32, #tpu.memory_space<vmem>>
          %dma_start3A_175 = arith.constant 0 : i32
          %dma_start3A_176 = arith.constant 0 : i32
          %dma_start3A_177 = tpu.memref_slice %arg3[%dma_start3A_175, %dma_start3A_176] : memref<10240x128xbf16, #tpu.memory_space<hbm>> -> memref<10240x128xbf16, #tpu.memory_space<hbm>>
          tpu.enqueue_indirect_dma source(%dma_start3A_177 : memref<10240x128xbf16, #tpu.memory_space<hbm>>) target(%arg13 : memref<125x128xbf16, #tpu.memory_space<vmem>>) offsets(%dma_start3A_174 : memref<125xi32, #tpu.memory_space<vmem>>) semaphore(%arg20 : memref<!tpu.dma_semaphore, #tpu.memory_space<semaphore_mem>>)
        } else {
        }
        %mul3A_138 = arith.constant 4 : i32
        %mul3A_139 = arith.muli %scan3A_62, %mul3A_138 : i32
        %add3A_140 = arith.constant 3 : i32
        %add3A_141 = arith.addi %mul3A_139, %add3A_140 : i32
        %dma_wait3A_142 = arith.constant 0 : i32
        %dma_wait3A_143 = arith.constant 0 : i32
        %dma_wait3A_144 = tpu.memref_slice %arg10[%dma_wait3A_142, %dma_wait3A_143] : memref<160x125xi32, #tpu.memory_space<vmem>> -> memref<1x125xi32, #tpu.memory_space<vmem>>
        %dma_wait3A_145 = tpu.memref_squeeze %dma_wait3A_144 : memref<1x125xi32, #tpu.memory_space<vmem>> -> memref<125xi32, #tpu.memory_space<vmem>>
        %dma_wait3A_146 = arith.constant 0 : i32
        %dma_wait3A_147 = arith.constant 0 : i32
        %dma_wait3A_148 = tpu.memref_slice %arg3[%dma_wait3A_146, %dma_wait3A_147] : memref<10240x128xbf16, #tpu.memory_space<hbm>> -> memref<10240x128xbf16, #tpu.memory_space<hbm>>
        tpu.wait_indirect_dma semaphore(%arg22 : memref<!tpu.dma_semaphore, #tpu.memory_space<semaphore_mem>>) src(%dma_wait3A_148 : memref<10240x128xbf16, #tpu.memory_space<hbm>>) dst(%arg15 : memref<125x128xbf16, #tpu.memory_space<vmem>>)
        %dma_start3A_149 = arith.constant 0 : i32
        %dma_start3A_150 = tpu.memref_slice %arg11[%add3A_141, %dma_start3A_149] : memref<160x125xi32, #tpu.memory_space<vmem>> -> memref<1x125xi32, #tpu.memory_space<vmem>>
        %dma_start3A_151 = tpu.memref_squeeze %dma_start3A_150 : memref<1x125xi32, #tpu.memory_space<vmem>> -> memref<125xi32, #tpu.memory_space<vmem>>
        %dma_start3A_152 = arith.constant 0 : i32
        %dma_start3A_153 = arith.constant 0 : i32
        %dma_start3A_154 = tpu.memref_slice %arg17[%dma_start3A_152, %dma_start3A_153] : memref<10240x128xbf16, #tpu.memory_space<vmem_shared>> -> memref<10240x128xbf16, #tpu.memory_space<vmem_shared>>
        tpu.enqueue_indirect_dma source(%arg15 : memref<125x128xbf16, #tpu.memory_space<vmem>>) target(%dma_start3A_154 : memref<10240x128xbf16, #tpu.memory_space<vmem_shared>>) offsets(%dma_start3A_151 : memref<125xi32, #tpu.memory_space<vmem>>) semaphore(%arg26 : memref<!tpu.dma_semaphore, #tpu.memory_space<semaphore_mem>>) {add = true}
        %add3A_155 = arith.constant 4 : i32
        %add3A_156 = arith.addi %add3A_141, %add3A_155 : i32
        %sub3A_157 = arith.constant 1 : i32
        %sub3A_158 = arith.subi %add3A_156, %sub3A_157 : i32
        %lt3A_159 = arith.constant 160 : i32
        %lt3A_160 = arith.cmpi slt, %sub3A_158, %lt3A_159 : i32
        %convert_element_type3A_161 = arith.extui %lt3A_160 : i1 to i32
        %cond3A_162 = arith.constant 0 : i32
        %cond3A_163 = arith.cmpi ne, %convert_element_type3A_161, %cond3A_162 : i32
        scf.if %cond3A_163 {
          %gt3A = arith.constant 0 : i32
          %gt3A_164 = arith.cmpi sgt, %add3A_141, %gt3A : i32
          %convert_element_type3A_165 = arith.extui %gt3A_164 : i1 to i32
          %cond3A_166 = arith.constant 0 : i32
          %cond3A_167 = arith.cmpi ne, %convert_element_type3A_165, %cond3A_166 : i32
          scf.if %cond3A_167 {
            %dma_wait3A_178 = arith.constant 0 : i32
            %dma_wait3A_179 = arith.constant 0 : i32
            %dma_wait3A_180 = tpu.memref_slice %arg11[%dma_wait3A_178, %dma_wait3A_179] : memref<160x125xi32, #tpu.memory_space<vmem>> -> memref<1x125xi32, #tpu.memory_space<vmem>>
            %dma_wait3A_181 = tpu.memref_squeeze %dma_wait3A_180 : memref<1x125xi32, #tpu.memory_space<vmem>> -> memref<125xi32, #tpu.memory_space<vmem>>
            %dma_wait3A_182 = arith.constant 0 : i32
            %dma_wait3A_183 = arith.constant 0 : i32
            %dma_wait3A_184 = tpu.memref_slice %arg17[%dma_wait3A_182, %dma_wait3A_183] : memref<10240x128xbf16, #tpu.memory_space<vmem_shared>> -> memref<10240x128xbf16, #tpu.memory_space<vmem_shared>>
            tpu.wait_indirect_dma semaphore(%arg25 : memref<!tpu.dma_semaphore, #tpu.memory_space<semaphore_mem>>) src(%arg14 : memref<125x128xbf16, #tpu.memory_space<vmem>>) dst(%dma_wait3A_184 : memref<10240x128xbf16, #tpu.memory_space<vmem_shared>>)
          } else {
          }
          %add3A_168 = arith.constant 4 : i32
          %add3A_169 = arith.addi %add3A_141, %add3A_168 : i32
          %sub3A_170 = arith.constant 1 : i32
          %sub3A_171 = arith.subi %add3A_169, %sub3A_170 : i32
          %dma_start3A_172 = arith.constant 0 : i32
          %dma_start3A_173 = tpu.memref_slice %arg10[%sub3A_171, %dma_start3A_172] : memref<160x125xi32, #tpu.memory_space<vmem>> -> memref<1x125xi32, #tpu.memory_space<vmem>>
          %dma_start3A_174 = tpu.memref_squeeze %dma_start3A_173 : memref<1x125xi32, #tpu.memory_space<vmem>> -> memref<125xi32, #tpu.memory_space<vmem>>
          %dma_start3A_175 = arith.constant 0 : i32
          %dma_start3A_176 = arith.constant 0 : i32
          %dma_start3A_177 = tpu.memref_slice %arg3[%dma_start3A_175, %dma_start3A_176] : memref<10240x128xbf16, #tpu.memory_space<hbm>> -> memref<10240x128xbf16, #tpu.memory_space<hbm>>
          tpu.enqueue_indirect_dma source(%dma_start3A_177 : memref<10240x128xbf16, #tpu.memory_space<hbm>>) target(%arg14 : memref<125x128xbf16, #tpu.memory_space<vmem>>) offsets(%dma_start3A_174 : memref<125xi32, #tpu.memory_space<vmem>>) semaphore(%arg21 : memref<!tpu.dma_semaphore, #tpu.memory_space<semaphore_mem>>)
        } else {
        }
      }
      %scan3A_33 = arith.constant 40 : i32
      %dma_wait3A = arith.constant 0 : i32
      %dma_wait3A_34 = arith.constant 0 : i32
      %dma_wait3A_35 = tpu.memref_slice %arg11[%dma_wait3A, %dma_wait3A_34] : memref<160x125xi32, #tpu.memory_space<vmem>> -> memref<1x125xi32, #tpu.memory_space<vmem>>
      %dma_wait3A_36 = tpu.memref_squeeze %dma_wait3A_35 : memref<1x125xi32, #tpu.memory_space<vmem>> -> memref<125xi32, #tpu.memory_space<vmem>>
      %dma_wait3A_37 = arith.constant 0 : i32
      %dma_wait3A_38 = arith.constant 0 : i32
      %dma_wait3A_39 = tpu.memref_slice %arg17[%dma_wait3A_37, %dma_wait3A_38] : memref<10240x128xbf16, #tpu.memory_space<vmem_shared>> -> memref<10240x128xbf16, #tpu.memory_space<vmem_shared>>
      tpu.wait_indirect_dma semaphore(%arg23 : memref<!tpu.dma_semaphore, #tpu.memory_space<semaphore_mem>>) src(%arg12 : memref<125x128xbf16, #tpu.memory_space<vmem>>) dst(%dma_wait3A_39 : memref<10240x128xbf16, #tpu.memory_space<vmem_shared>>)
      %dma_wait3A_40 = arith.constant 0 : i32
      %dma_wait3A_41 = arith.constant 0 : i32
      %dma_wait3A_42 = tpu.memref_slice %arg11[%dma_wait3A_40, %dma_wait3A_41] : memref<160x125xi32, #tpu.memory_space<vmem>> -> memref<1x125xi32, #tpu.memory_space<vmem>>
      %dma_wait3A_43 = tpu.memref_squeeze %dma_wait3A_42 : memref<1x125xi32, #tpu.memory_space<vmem>> -> memref<125xi32, #tpu.memory_space<vmem>>
      %dma_wait3A_44 = arith.constant 0 : i32
      %dma_wait3A_45 = arith.constant 0 : i32
      %dma_wait3A_46 = tpu.memref_slice %arg17[%dma_wait3A_44, %dma_wait3A_45] : memref<10240x128xbf16, #tpu.memory_space<vmem_shared>> -> memref<10240x128xbf16, #tpu.memory_space<vmem_shared>>
      tpu.wait_indirect_dma semaphore(%arg24 : memref<!tpu.dma_semaphore, #tpu.memory_space<semaphore_mem>>) src(%arg13 : memref<125x128xbf16, #tpu.memory_space<vmem>>) dst(%dma_wait3A_46 : memref<10240x128xbf16, #tpu.memory_space<vmem_shared>>)
      %dma_wait3A_47 = arith.constant 0 : i32
      %dma_wait3A_48 = arith.constant 0 : i32
      %dma_wait3A_49 = tpu.memref_slice %arg11[%dma_wait3A_47, %dma_wait3A_48] : memref<160x125xi32, #tpu.memory_space<vmem>> -> memref<1x125xi32, #tpu.memory_space<vmem>>
      %dma_wait3A_50 = tpu.memref_squeeze %dma_wait3A_49 : memref<1x125xi32, #tpu.memory_space<vmem>> -> memref<125xi32, #tpu.memory_space<vmem>>
      %dma_wait3A_51 = arith.constant 0 : i32
      %dma_wait3A_52 = arith.constant 0 : i32
      %dma_wait3A_53 = tpu.memref_slice %arg17[%dma_wait3A_51, %dma_wait3A_52] : memref<10240x128xbf16, #tpu.memory_space<vmem_shared>> -> memref<10240x128xbf16, #tpu.memory_space<vmem_shared>>
      tpu.wait_indirect_dma semaphore(%arg25 : memref<!tpu.dma_semaphore, #tpu.memory_space<semaphore_mem>>) src(%arg14 : memref<125x128xbf16, #tpu.memory_space<vmem>>) dst(%dma_wait3A_53 : memref<10240x128xbf16, #tpu.memory_space<vmem_shared>>)
      %dma_wait3A_54 = arith.constant 0 : i32
      %dma_wait3A_55 = arith.constant 0 : i32
      %dma_wait3A_56 = tpu.memref_slice %arg11[%dma_wait3A_54, %dma_wait3A_55] : memref<160x125xi32, #tpu.memory_space<vmem>> -> memref<1x125xi32, #tpu.memory_space<vmem>>
      %dma_wait3A_57 = tpu.memref_squeeze %dma_wait3A_56 : memref<1x125xi32, #tpu.memory_space<vmem>> -> memref<125xi32, #tpu.memory_space<vmem>>
      %dma_wait3A_58 = arith.constant 0 : i32
      %dma_wait3A_59 = arith.constant 0 : i32
      %dma_wait3A_60 = tpu.memref_slice %arg17[%dma_wait3A_58, %dma_wait3A_59] : memref<10240x128xbf16, #tpu.memory_space<vmem_shared>> -> memref<10240x128xbf16, #tpu.memory_space<vmem_shared>>
      tpu.wait_indirect_dma semaphore(%arg26 : memref<!tpu.dma_semaphore, #tpu.memory_space<semaphore_mem>>) src(%arg15 : memref<125x128xbf16, #tpu.memory_space<vmem>>) dst(%dma_wait3A_60 : memref<10240x128xbf16, #tpu.memory_space<vmem_shared>>)
      %barrier3A_61 = arith.constant 0 : index
      tpu.barrier barrier_id(%barrier3A_61)
      "tpu.region"() ({
        %run_scoped3A_62 = tpu.sem_alloc : memref<!tpu.dma_semaphore, #tpu.memory_space<semaphore_mem>>
        %dma_start3A_63 = arith.constant 0 : i32
        %dma_start3A_64 = tpu.memref_slice %arg9[%arg0, %mul3A_8, %dma_start3A_63] : memref<2x10240x128xbf16, #tpu.memory_space<hbm>> -> memref<1x640x128xbf16, #tpu.memory_space<hbm>>
        %dma_start3A_65 = tpu.memref_squeeze %dma_start3A_64 : memref<1x640x128xbf16, #tpu.memory_space<hbm>> -> memref<640x128xbf16, #tpu.memory_space<hbm>>
        %dma_start3A_66 = arith.constant 0 : i32
        %dma_start3A_67 = tpu.memref_slice %arg17[%mul3A_8, %dma_start3A_66] : memref<10240x128xbf16, #tpu.memory_space<vmem_shared>> -> memref<640x128xbf16, #tpu.memory_space<vmem_shared>>
        tpu.enqueue_dma source(%dma_start3A_67 : memref<640x128xbf16, #tpu.memory_space<vmem_shared>>) target(%dma_start3A_65 : memref<640x128xbf16, #tpu.memory_space<hbm>>) target_semaphore(%run_scoped3A_62 : memref<!tpu.dma_semaphore, #tpu.memory_space<semaphore_mem>>)
        %dma_wait3A_68 = arith.constant 0 : i32
        %dma_wait3A_69 = tpu.memref_slice %arg9[%arg0, %mul3A_8, %dma_wait3A_68] : memref<2x10240x128xbf16, #tpu.memory_space<hbm>> -> memref<1x640x128xbf16, #tpu.memory_space<hbm>>
        %dma_wait3A_70 = tpu.memref_squeeze %dma_wait3A_69 : memref<1x640x128xbf16, #tpu.memory_space<hbm>> -> memref<640x128xbf16, #tpu.memory_space<hbm>>
        %dma_wait3A_71 = arith.constant 0 : i32
        %dma_wait3A_72 = tpu.memref_slice %arg17[%mul3A_8, %dma_wait3A_71] : memref<10240x128xbf16, #tpu.memory_space<vmem_shared>> -> memref<640x128xbf16, #tpu.memory_space<vmem_shared>>
        tpu.wait_dma2 semaphore(%run_scoped3A_62 : memref<!tpu.dma_semaphore, #tpu.memory_space<semaphore_mem>>) src(%dma_wait3A_72 : memref<640x128xbf16, #tpu.memory_space<vmem_shared>>) dst(%dma_wait3A_70 : memref<640x128xbf16, #tpu.memory_space<hbm>>)
        tpu.yield
      }) : () -> ()
    } else {
    }
    %eq3A_2 = arith.constant 1 : i32
    %eq3A_3 = arith.cmpi eq, %arg0, %eq3A_2 : i32
    %convert_element_type3A_4 = arith.extui %eq3A_3 : i1 to i32
    %cond3A_5 = arith.constant 0 : i32
    %cond3A_6 = arith.cmpi ne, %convert_element_type3A_4, %cond3A_5 : i32
    scf.if %cond3A_6 {
      %run_scoped3A = arith.constant 0 : i32
      "tpu.region"() ({
        %run_scoped3A_62 = tpu.sem_alloc : memref<!tpu.dma_semaphore, #tpu.memory_space<semaphore_mem>>
        %dma_start3A_63 = arith.constant 0 : i32
        %dma_start3A_64 = arith.constant 0 : i32
        %dma_start3A_65 = tpu.memref_slice %arg5[%run_scoped3A, %arg1, %dma_start3A_63, %dma_start3A_64] : memref<2x16x160x125xi32, #tpu.memory_space<hbm>> -> memref<1x1x160x125xi32, #tpu.memory_space<hbm>>
        %dma_start3A_66 = tpu.memref_squeeze %dma_start3A_65 : memref<1x1x160x125xi32, #tpu.memory_space<hbm>> -> memref<160x125xi32, #tpu.memory_space<hbm>>
        %dma_start3A_67 = arith.constant 0 : i32
        %dma_start3A_68 = arith.constant 0 : i32
        %dma_start3A_69 = tpu.memref_slice %arg5[%run_scoped3A, %arg1, %dma_start3A_67, %dma_start3A_68] : memref<2x16x160x125xi32, #tpu.memory_space<hbm>> -> memref<1x1x160x125xi32, #tpu.memory_space<hbm>>
        %dma_start3A_70 = tpu.memref_squeeze %dma_start3A_69 : memref<1x1x160x125xi32, #tpu.memory_space<hbm>> -> memref<160x125xi32, #tpu.memory_space<hbm>>
        tpu.enqueue_dma source(%dma_start3A_70 : memref<160x125xi32, #tpu.memory_space<hbm>>) target(%arg10 : memref<160x125xi32, #tpu.memory_space<vmem>>) target_semaphore(%run_scoped3A_62 : memref<!tpu.dma_semaphore, #tpu.memory_space<semaphore_mem>>)
        %dma_wait3A_71 = arith.constant 0 : i32
        %dma_wait3A_72 = arith.constant 0 : i32
        %dma_wait3A_73 = tpu.memref_slice %arg5[%run_scoped3A, %arg1, %dma_wait3A_71, %dma_wait3A_72] : memref<2x16x160x125xi32, #tpu.memory_space<hbm>> -> memref<1x1x160x125xi32, #tpu.memory_space<hbm>>
        %dma_wait3A_74 = tpu.memref_squeeze %dma_wait3A_73 : memref<1x1x160x125xi32, #tpu.memory_space<hbm>> -> memref<160x125xi32, #tpu.memory_space<hbm>>
        %dma_wait3A_75 = arith.constant 0 : i32
        %dma_wait3A_76 = arith.constant 0 : i32
        %dma_wait3A_77 = tpu.memref_slice %arg5[%run_scoped3A, %arg1, %dma_wait3A_75, %dma_wait3A_76] : memref<2x16x160x125xi32, #tpu.memory_space<hbm>> -> memref<1x1x160x125xi32, #tpu.memory_space<hbm>>
        %dma_wait3A_78 = tpu.memref_squeeze %dma_wait3A_77 : memref<1x1x160x125xi32, #tpu.memory_space<hbm>> -> memref<160x125xi32, #tpu.memory_space<hbm>>
        tpu.wait_dma2 semaphore(%run_scoped3A_62 : memref<!tpu.dma_semaphore, #tpu.memory_space<semaphore_mem>>) src(%dma_wait3A_78 : memref<160x125xi32, #tpu.memory_space<hbm>>) dst(%arg10 : memref<160x125xi32, #tpu.memory_space<vmem>>)
        tpu.yield
      }) : () -> ()
      %run_scoped3A_7 = arith.constant 1 : i32
      "tpu.region"() ({
        %run_scoped3A_62 = tpu.sem_alloc : memref<!tpu.dma_semaphore, #tpu.memory_space<semaphore_mem>>
        %dma_start3A_63 = arith.constant 0 : i32
        %dma_start3A_64 = arith.constant 0 : i32
        %dma_start3A_65 = tpu.memref_slice %arg5[%run_scoped3A_7, %arg1, %dma_start3A_63, %dma_start3A_64] : memref<2x16x160x125xi32, #tpu.memory_space<hbm>> -> memref<1x1x160x125xi32, #tpu.memory_space<hbm>>
        %dma_start3A_66 = tpu.memref_squeeze %dma_start3A_65 : memref<1x1x160x125xi32, #tpu.memory_space<hbm>> -> memref<160x125xi32, #tpu.memory_space<hbm>>
        %dma_start3A_67 = arith.constant 0 : i32
        %dma_start3A_68 = arith.constant 0 : i32
        %dma_start3A_69 = tpu.memref_slice %arg5[%run_scoped3A_7, %arg1, %dma_start3A_67, %dma_start3A_68] : memref<2x16x160x125xi32, #tpu.memory_space<hbm>> -> memref<1x1x160x125xi32, #tpu.memory_space<hbm>>
        %dma_start3A_70 = tpu.memref_squeeze %dma_start3A_69 : memref<1x1x160x125xi32, #tpu.memory_space<hbm>> -> memref<160x125xi32, #tpu.memory_space<hbm>>
        tpu.enqueue_dma source(%dma_start3A_70 : memref<160x125xi32, #tpu.memory_space<hbm>>) target(%arg11 : memref<160x125xi32, #tpu.memory_space<vmem>>) target_semaphore(%run_scoped3A_62 : memref<!tpu.dma_semaphore, #tpu.memory_space<semaphore_mem>>)
        %dma_wait3A_71 = arith.constant 0 : i32
        %dma_wait3A_72 = arith.constant 0 : i32
        %dma_wait3A_73 = tpu.memref_slice %arg5[%run_scoped3A_7, %arg1, %dma_wait3A_71, %dma_wait3A_72] : memref<2x16x160x125xi32, #tpu.memory_space<hbm>> -> memref<1x1x160x125xi32, #tpu.memory_space<hbm>>
        %dma_wait3A_74 = tpu.memref_squeeze %dma_wait3A_73 : memref<1x1x160x125xi32, #tpu.memory_space<hbm>> -> memref<160x125xi32, #tpu.memory_space<hbm>>
        %dma_wait3A_75 = arith.constant 0 : i32
        %dma_wait3A_76 = arith.constant 0 : i32
        %dma_wait3A_77 = tpu.memref_slice %arg5[%run_scoped3A_7, %arg1, %dma_wait3A_75, %dma_wait3A_76] : memref<2x16x160x125xi32, #tpu.memory_space<hbm>> -> memref<1x1x160x125xi32, #tpu.memory_space<hbm>>
        %dma_wait3A_78 = tpu.memref_squeeze %dma_wait3A_77 : memref<1x1x160x125xi32, #tpu.memory_space<hbm>> -> memref<160x125xi32, #tpu.memory_space<hbm>>
        tpu.wait_dma2 semaphore(%run_scoped3A_62 : memref<!tpu.dma_semaphore, #tpu.memory_space<semaphore_mem>>) src(%dma_wait3A_78 : memref<160x125xi32, #tpu.memory_space<hbm>>) dst(%arg11 : memref<160x125xi32, #tpu.memory_space<vmem>>)
        tpu.yield
      }) : () -> ()
      %mul3A = arith.constant 640 : i32
      %mul3A_8 = arith.muli %arg1, %mul3A : i32
      "tpu.region"() ({
        %run_scoped3A_62 = tpu.sem_alloc : memref<!tpu.dma_semaphore, #tpu.memory_space<semaphore_mem>>
        %dma_start3A_63 = arith.constant 0 : i32
        %dma_start3A_64 = tpu.memref_slice %arg17[%mul3A_8, %dma_start3A_63] : memref<10240x128xbf16, #tpu.memory_space<vmem_shared>> -> memref<640x128xbf16, #tpu.memory_space<vmem_shared>>
        %dma_start3A_65 = arith.constant 0 : i32
        %dma_start3A_66 = tpu.memref_slice %arg6[%mul3A_8, %dma_start3A_65] : memref<10240x128xbf16, #tpu.memory_space<hbm>> -> memref<640x128xbf16, #tpu.memory_space<hbm>>
        tpu.enqueue_dma source(%dma_start3A_66 : memref<640x128xbf16, #tpu.memory_space<hbm>>) target(%dma_start3A_64 : memref<640x128xbf16, #tpu.memory_space<vmem_shared>>) target_semaphore(%run_scoped3A_62 : memref<!tpu.dma_semaphore, #tpu.memory_space<semaphore_mem>>)
        %dma_wait3A_67 = arith.constant 0 : i32
        %dma_wait3A_68 = tpu.memref_slice %arg17[%mul3A_8, %dma_wait3A_67] : memref<10240x128xbf16, #tpu.memory_space<vmem_shared>> -> memref<640x128xbf16, #tpu.memory_space<vmem_shared>>
        %dma_wait3A_69 = arith.constant 0 : i32
        %dma_wait3A_70 = tpu.memref_slice %arg6[%mul3A_8, %dma_wait3A_69] : memref<10240x128xbf16, #tpu.memory_space<hbm>> -> memref<640x128xbf16, #tpu.memory_space<hbm>>
        tpu.wait_dma2 semaphore(%run_scoped3A_62 : memref<!tpu.dma_semaphore, #tpu.memory_space<semaphore_mem>>) src(%dma_wait3A_70 : memref<640x128xbf16, #tpu.memory_space<hbm>>) dst(%dma_wait3A_68 : memref<640x128xbf16, #tpu.memory_space<vmem_shared>>)
        tpu.yield
      }) : () -> ()
      %barrier3A = arith.constant 0 : index
      tpu.barrier barrier_id(%barrier3A)
      %dma_start3A = arith.constant 0 : i32
      %dma_start3A_9 = arith.constant 0 : i32
      %dma_start3A_10 = tpu.memref_slice %arg10[%dma_start3A, %dma_start3A_9] : memref<160x125xi32, #tpu.memory_space<vmem>> -> memref<1x125xi32, #tpu.memory_space<vmem>>
      %dma_start3A_11 = tpu.memref_squeeze %dma_start3A_10 : memref<1x125xi32, #tpu.memory_space<vmem>> -> memref<125xi32, #tpu.memory_space<vmem>>
      %dma_start3A_12 = arith.constant 0 : i32
      %dma_start3A_13 = arith.constant 0 : i32
      %dma_start3A_14 = tpu.memref_slice %arg2[%dma_start3A_12, %dma_start3A_13] : memref<10240x128xbf16, #tpu.memory_space<hbm>> -> memref<10240x128xbf16, #tpu.memory_space<hbm>>
      tpu.enqueue_indirect_dma source(%dma_start3A_14 : memref<10240x128xbf16, #tpu.memory_space<hbm>>) target(%arg12 : memref<125x128xbf16, #tpu.memory_space<vmem>>) offsets(%dma_start3A_11 : memref<125xi32, #tpu.memory_space<vmem>>) semaphore(%arg19 : memref<!tpu.dma_semaphore, #tpu.memory_space<semaphore_mem>>)
      %dma_start3A_15 = arith.constant 1 : i32
      %dma_start3A_16 = arith.constant 0 : i32
      %dma_start3A_17 = tpu.memref_slice %arg10[%dma_start3A_15, %dma_start3A_16] : memref<160x125xi32, #tpu.memory_space<vmem>> -> memref<1x125xi32, #tpu.memory_space<vmem>>
      %dma_start3A_18 = tpu.memref_squeeze %dma_start3A_17 : memref<1x125xi32, #tpu.memory_space<vmem>> -> memref<125xi32, #tpu.memory_space<vmem>>
      %dma_start3A_19 = arith.constant 0 : i32
      %dma_start3A_20 = arith.constant 0 : i32
      %dma_start3A_21 = tpu.memref_slice %arg2[%dma_start3A_19, %dma_start3A_20] : memref<10240x128xbf16, #tpu.memory_space<hbm>> -> memref<10240x128xbf16, #tpu.memory_space<hbm>>
      tpu.enqueue_indirect_dma source(%dma_start3A_21 : memref<10240x128xbf16, #tpu.memory_space<hbm>>) target(%arg13 : memref<125x128xbf16, #tpu.memory_space<vmem>>) offsets(%dma_start3A_18 : memref<125xi32, #tpu.memory_space<vmem>>) semaphore(%arg20 : memref<!tpu.dma_semaphore, #tpu.memory_space<semaphore_mem>>)
      %dma_start3A_22 = arith.constant 2 : i32
      %dma_start3A_23 = arith.constant 0 : i32
      %dma_start3A_24 = tpu.memref_slice %arg10[%dma_start3A_22, %dma_start3A_23] : memref<160x125xi32, #tpu.memory_space<vmem>> -> memref<1x125xi32, #tpu.memory_space<vmem>>
      %dma_start3A_25 = tpu.memref_squeeze %dma_start3A_24 : memref<1x125xi32, #tpu.memory_space<vmem>> -> memref<125xi32, #tpu.memory_space<vmem>>
      %dma_start3A_26 = arith.constant 0 : i32
      %dma_start3A_27 = arith.constant 0 : i32
      %dma_start3A_28 = tpu.memref_slice %arg2[%dma_start3A_26, %dma_start3A_27] : memref<10240x128xbf16, #tpu.memory_space<hbm>> -> memref<10240x128xbf16, #tpu.memory_space<hbm>>
      tpu.enqueue_indirect_dma source(%dma_start3A_28 : memref<10240x128xbf16, #tpu.memory_space<hbm>>) target(%arg14 : memref<125x128xbf16, #tpu.memory_space<vmem>>) offsets(%dma_start3A_25 : memref<125xi32, #tpu.memory_space<vmem>>) semaphore(%arg21 : memref<!tpu.dma_semaphore, #tpu.memory_space<semaphore_mem>>)
      %scan3A = arith.constant 0 : i32
      %scan3A_29 = arith.constant 0 : i32
      %scan3A_30 = arith.constant 40 : i32
      %scan3A_31 = arith.addi %scan3A_29, %scan3A_30 : i32
      %scan3A_32 = arith.constant 1 : i32
      scf.for %scan3A_62 = %scan3A_29 to %scan3A_31 step %scan3A_32  : i32 {
        %mul3A_63 = arith.constant 4 : i32
        %mul3A_64 = arith.muli %scan3A_62, %mul3A_63 : i32
        %add3A = arith.constant 0 : i32
        %add3A_65 = arith.addi %mul3A_64, %add3A : i32
        %dma_wait3A_66 = arith.constant 0 : i32
        %dma_wait3A_67 = arith.constant 0 : i32
        %dma_wait3A_68 = tpu.memref_slice %arg10[%dma_wait3A_66, %dma_wait3A_67] : memref<160x125xi32, #tpu.memory_space<vmem>> -> memref<1x125xi32, #tpu.memory_space<vmem>>
        %dma_wait3A_69 = tpu.memref_squeeze %dma_wait3A_68 : memref<1x125xi32, #tpu.memory_space<vmem>> -> memref<125xi32, #tpu.memory_space<vmem>>
        %dma_wait3A_70 = arith.constant 0 : i32
        %dma_wait3A_71 = arith.constant 0 : i32
        %dma_wait3A_72 = tpu.memref_slice %arg2[%dma_wait3A_70, %dma_wait3A_71] : memref<10240x128xbf16, #tpu.memory_space<hbm>> -> memref<10240x128xbf16, #tpu.memory_space<hbm>>
        tpu.wait_indirect_dma semaphore(%arg19 : memref<!tpu.dma_semaphore, #tpu.memory_space<semaphore_mem>>) src(%dma_wait3A_72 : memref<10240x128xbf16, #tpu.memory_space<hbm>>) dst(%arg12 : memref<125x128xbf16, #tpu.memory_space<vmem>>)
        %dma_start3A_73 = arith.constant 0 : i32
        %dma_start3A_74 = tpu.memref_slice %arg11[%add3A_65, %dma_start3A_73] : memref<160x125xi32, #tpu.memory_space<vmem>> -> memref<1x125xi32, #tpu.memory_space<vmem>>
        %dma_start3A_75 = tpu.memref_squeeze %dma_start3A_74 : memref<1x125xi32, #tpu.memory_space<vmem>> -> memref<125xi32, #tpu.memory_space<vmem>>
        %dma_start3A_76 = arith.constant 0 : i32
        %dma_start3A_77 = arith.constant 0 : i32
        %dma_start3A_78 = tpu.memref_slice %arg17[%dma_start3A_76, %dma_start3A_77] : memref<10240x128xbf16, #tpu.memory_space<vmem_shared>> -> memref<10240x128xbf16, #tpu.memory_space<vmem_shared>>
        tpu.enqueue_indirect_dma source(%arg12 : memref<125x128xbf16, #tpu.memory_space<vmem>>) target(%dma_start3A_78 : memref<10240x128xbf16, #tpu.memory_space<vmem_shared>>) offsets(%dma_start3A_75 : memref<125xi32, #tpu.memory_space<vmem>>) semaphore(%arg23 : memref<!tpu.dma_semaphore, #tpu.memory_space<semaphore_mem>>) {add = true}
        %add3A_79 = arith.constant 4 : i32
        %add3A_80 = arith.addi %add3A_65, %add3A_79 : i32
        %sub3A = arith.constant 1 : i32
        %sub3A_81 = arith.subi %add3A_80, %sub3A : i32
        %lt3A = arith.constant 160 : i32
        %lt3A_82 = arith.cmpi slt, %sub3A_81, %lt3A : i32
        %convert_element_type3A_83 = arith.extui %lt3A_82 : i1 to i32
        %cond3A_84 = arith.constant 0 : i32
        %cond3A_85 = arith.cmpi ne, %convert_element_type3A_83, %cond3A_84 : i32
        scf.if %cond3A_85 {
          %gt3A = arith.constant 0 : i32
          %gt3A_164 = arith.cmpi sgt, %add3A_65, %gt3A : i32
          %convert_element_type3A_165 = arith.extui %gt3A_164 : i1 to i32
          %cond3A_166 = arith.constant 0 : i32
          %cond3A_167 = arith.cmpi ne, %convert_element_type3A_165, %cond3A_166 : i32
          scf.if %cond3A_167 {
            %dma_wait3A_178 = arith.constant 0 : i32
            %dma_wait3A_179 = arith.constant 0 : i32
            %dma_wait3A_180 = tpu.memref_slice %arg11[%dma_wait3A_178, %dma_wait3A_179] : memref<160x125xi32, #tpu.memory_space<vmem>> -> memref<1x125xi32, #tpu.memory_space<vmem>>
            %dma_wait3A_181 = tpu.memref_squeeze %dma_wait3A_180 : memref<1x125xi32, #tpu.memory_space<vmem>> -> memref<125xi32, #tpu.memory_space<vmem>>
            %dma_wait3A_182 = arith.constant 0 : i32
            %dma_wait3A_183 = arith.constant 0 : i32
            %dma_wait3A_184 = tpu.memref_slice %arg17[%dma_wait3A_182, %dma_wait3A_183] : memref<10240x128xbf16, #tpu.memory_space<vmem_shared>> -> memref<10240x128xbf16, #tpu.memory_space<vmem_shared>>
            tpu.wait_indirect_dma semaphore(%arg26 : memref<!tpu.dma_semaphore, #tpu.memory_space<semaphore_mem>>) src(%arg15 : memref<125x128xbf16, #tpu.memory_space<vmem>>) dst(%dma_wait3A_184 : memref<10240x128xbf16, #tpu.memory_space<vmem_shared>>)
          } else {
          }
          %add3A_168 = arith.constant 4 : i32
          %add3A_169 = arith.addi %add3A_65, %add3A_168 : i32
          %sub3A_170 = arith.constant 1 : i32
          %sub3A_171 = arith.subi %add3A_169, %sub3A_170 : i32
          %dma_start3A_172 = arith.constant 0 : i32
          %dma_start3A_173 = tpu.memref_slice %arg10[%sub3A_171, %dma_start3A_172] : memref<160x125xi32, #tpu.memory_space<vmem>> -> memref<1x125xi32, #tpu.memory_space<vmem>>
          %dma_start3A_174 = tpu.memref_squeeze %dma_start3A_173 : memref<1x125xi32, #tpu.memory_space<vmem>> -> memref<125xi32, #tpu.memory_space<vmem>>
          %dma_start3A_175 = arith.constant 0 : i32
          %dma_start3A_176 = arith.constant 0 : i32
          %dma_start3A_177 = tpu.memref_slice %arg2[%dma_start3A_175, %dma_start3A_176] : memref<10240x128xbf16, #tpu.memory_space<hbm>> -> memref<10240x128xbf16, #tpu.memory_space<hbm>>
          tpu.enqueue_indirect_dma source(%dma_start3A_177 : memref<10240x128xbf16, #tpu.memory_space<hbm>>) target(%arg15 : memref<125x128xbf16, #tpu.memory_space<vmem>>) offsets(%dma_start3A_174 : memref<125xi32, #tpu.memory_space<vmem>>) semaphore(%arg22 : memref<!tpu.dma_semaphore, #tpu.memory_space<semaphore_mem>>)
        } else {
        }
        %mul3A_86 = arith.constant 4 : i32
        %mul3A_87 = arith.muli %scan3A_62, %mul3A_86 : i32
        %add3A_88 = arith.constant 1 : i32
        %add3A_89 = arith.addi %mul3A_87, %add3A_88 : i32
        %dma_wait3A_90 = arith.constant 0 : i32
        %dma_wait3A_91 = arith.constant 0 : i32
        %dma_wait3A_92 = tpu.memref_slice %arg10[%dma_wait3A_90, %dma_wait3A_91] : memref<160x125xi32, #tpu.memory_space<vmem>> -> memref<1x125xi32, #tpu.memory_space<vmem>>
        %dma_wait3A_93 = tpu.memref_squeeze %dma_wait3A_92 : memref<1x125xi32, #tpu.memory_space<vmem>> -> memref<125xi32, #tpu.memory_space<vmem>>
        %dma_wait3A_94 = arith.constant 0 : i32
        %dma_wait3A_95 = arith.constant 0 : i32
        %dma_wait3A_96 = tpu.memref_slice %arg2[%dma_wait3A_94, %dma_wait3A_95] : memref<10240x128xbf16, #tpu.memory_space<hbm>> -> memref<10240x128xbf16, #tpu.memory_space<hbm>>
        tpu.wait_indirect_dma semaphore(%arg20 : memref<!tpu.dma_semaphore, #tpu.memory_space<semaphore_mem>>) src(%dma_wait3A_96 : memref<10240x128xbf16, #tpu.memory_space<hbm>>) dst(%arg13 : memref<125x128xbf16, #tpu.memory_space<vmem>>)
        %dma_start3A_97 = arith.constant 0 : i32
        %dma_start3A_98 = tpu.memref_slice %arg11[%add3A_89, %dma_start3A_97] : memref<160x125xi32, #tpu.memory_space<vmem>> -> memref<1x125xi32, #tpu.memory_space<vmem>>
        %dma_start3A_99 = tpu.memref_squeeze %dma_start3A_98 : memref<1x125xi32, #tpu.memory_space<vmem>> -> memref<125xi32, #tpu.memory_space<vmem>>
        %dma_start3A_100 = arith.constant 0 : i32
        %dma_start3A_101 = arith.constant 0 : i32
        %dma_start3A_102 = tpu.memref_slice %arg17[%dma_start3A_100, %dma_start3A_101] : memref<10240x128xbf16, #tpu.memory_space<vmem_shared>> -> memref<10240x128xbf16, #tpu.memory_space<vmem_shared>>
        tpu.enqueue_indirect_dma source(%arg13 : memref<125x128xbf16, #tpu.memory_space<vmem>>) target(%dma_start3A_102 : memref<10240x128xbf16, #tpu.memory_space<vmem_shared>>) offsets(%dma_start3A_99 : memref<125xi32, #tpu.memory_space<vmem>>) semaphore(%arg24 : memref<!tpu.dma_semaphore, #tpu.memory_space<semaphore_mem>>) {add = true}
        %add3A_103 = arith.constant 4 : i32
        %add3A_104 = arith.addi %add3A_89, %add3A_103 : i32
        %sub3A_105 = arith.constant 1 : i32
        %sub3A_106 = arith.subi %add3A_104, %sub3A_105 : i32
        %lt3A_107 = arith.constant 160 : i32
        %lt3A_108 = arith.cmpi slt, %sub3A_106, %lt3A_107 : i32
        %convert_element_type3A_109 = arith.extui %lt3A_108 : i1 to i32
        %cond3A_110 = arith.constant 0 : i32
        %cond3A_111 = arith.cmpi ne, %convert_element_type3A_109, %cond3A_110 : i32
        scf.if %cond3A_111 {
          %gt3A = arith.constant 0 : i32
          %gt3A_164 = arith.cmpi sgt, %add3A_89, %gt3A : i32
          %convert_element_type3A_165 = arith.extui %gt3A_164 : i1 to i32
          %cond3A_166 = arith.constant 0 : i32
          %cond3A_167 = arith.cmpi ne, %convert_element_type3A_165, %cond3A_166 : i32
          scf.if %cond3A_167 {
            %dma_wait3A_178 = arith.constant 0 : i32
            %dma_wait3A_179 = arith.constant 0 : i32
            %dma_wait3A_180 = tpu.memref_slice %arg11[%dma_wait3A_178, %dma_wait3A_179] : memref<160x125xi32, #tpu.memory_space<vmem>> -> memref<1x125xi32, #tpu.memory_space<vmem>>
            %dma_wait3A_181 = tpu.memref_squeeze %dma_wait3A_180 : memref<1x125xi32, #tpu.memory_space<vmem>> -> memref<125xi32, #tpu.memory_space<vmem>>
            %dma_wait3A_182 = arith.constant 0 : i32
            %dma_wait3A_183 = arith.constant 0 : i32
            %dma_wait3A_184 = tpu.memref_slice %arg17[%dma_wait3A_182, %dma_wait3A_183] : memref<10240x128xbf16, #tpu.memory_space<vmem_shared>> -> memref<10240x128xbf16, #tpu.memory_space<vmem_shared>>
            tpu.wait_indirect_dma semaphore(%arg23 : memref<!tpu.dma_semaphore, #tpu.memory_space<semaphore_mem>>) src(%arg12 : memref<125x128xbf16, #tpu.memory_space<vmem>>) dst(%dma_wait3A_184 : memref<10240x128xbf16, #tpu.memory_space<vmem_shared>>)
          } else {
          }
          %add3A_168 = arith.constant 4 : i32
          %add3A_169 = arith.addi %add3A_89, %add3A_168 : i32
          %sub3A_170 = arith.constant 1 : i32
          %sub3A_171 = arith.subi %add3A_169, %sub3A_170 : i32
          %dma_start3A_172 = arith.constant 0 : i32
          %dma_start3A_173 = tpu.memref_slice %arg10[%sub3A_171, %dma_start3A_172] : memref<160x125xi32, #tpu.memory_space<vmem>> -> memref<1x125xi32, #tpu.memory_space<vmem>>
          %dma_start3A_174 = tpu.memref_squeeze %dma_start3A_173 : memref<1x125xi32, #tpu.memory_space<vmem>> -> memref<125xi32, #tpu.memory_space<vmem>>
          %dma_start3A_175 = arith.constant 0 : i32
          %dma_start3A_176 = arith.constant 0 : i32
          %dma_start3A_177 = tpu.memref_slice %arg2[%dma_start3A_175, %dma_start3A_176] : memref<10240x128xbf16, #tpu.memory_space<hbm>> -> memref<10240x128xbf16, #tpu.memory_space<hbm>>
          tpu.enqueue_indirect_dma source(%dma_start3A_177 : memref<10240x128xbf16, #tpu.memory_space<hbm>>) target(%arg12 : memref<125x128xbf16, #tpu.memory_space<vmem>>) offsets(%dma_start3A_174 : memref<125xi32, #tpu.memory_space<vmem>>) semaphore(%arg19 : memref<!tpu.dma_semaphore, #tpu.memory_space<semaphore_mem>>)
        } else {
        }
        %mul3A_112 = arith.constant 4 : i32
        %mul3A_113 = arith.muli %scan3A_62, %mul3A_112 : i32
        %add3A_114 = arith.constant 2 : i32
        %add3A_115 = arith.addi %mul3A_113, %add3A_114 : i32
        %dma_wait3A_116 = arith.constant 0 : i32
        %dma_wait3A_117 = arith.constant 0 : i32
        %dma_wait3A_118 = tpu.memref_slice %arg10[%dma_wait3A_116, %dma_wait3A_117] : memref<160x125xi32, #tpu.memory_space<vmem>> -> memref<1x125xi32, #tpu.memory_space<vmem>>
        %dma_wait3A_119 = tpu.memref_squeeze %dma_wait3A_118 : memref<1x125xi32, #tpu.memory_space<vmem>> -> memref<125xi32, #tpu.memory_space<vmem>>
        %dma_wait3A_120 = arith.constant 0 : i32
        %dma_wait3A_121 = arith.constant 0 : i32
        %dma_wait3A_122 = tpu.memref_slice %arg2[%dma_wait3A_120, %dma_wait3A_121] : memref<10240x128xbf16, #tpu.memory_space<hbm>> -> memref<10240x128xbf16, #tpu.memory_space<hbm>>
        tpu.wait_indirect_dma semaphore(%arg21 : memref<!tpu.dma_semaphore, #tpu.memory_space<semaphore_mem>>) src(%dma_wait3A_122 : memref<10240x128xbf16, #tpu.memory_space<hbm>>) dst(%arg14 : memref<125x128xbf16, #tpu.memory_space<vmem>>)
        %dma_start3A_123 = arith.constant 0 : i32
        %dma_start3A_124 = tpu.memref_slice %arg11[%add3A_115, %dma_start3A_123] : memref<160x125xi32, #tpu.memory_space<vmem>> -> memref<1x125xi32, #tpu.memory_space<vmem>>
        %dma_start3A_125 = tpu.memref_squeeze %dma_start3A_124 : memref<1x125xi32, #tpu.memory_space<vmem>> -> memref<125xi32, #tpu.memory_space<vmem>>
        %dma_start3A_126 = arith.constant 0 : i32
        %dma_start3A_127 = arith.constant 0 : i32
        %dma_start3A_128 = tpu.memref_slice %arg17[%dma_start3A_126, %dma_start3A_127] : memref<10240x128xbf16, #tpu.memory_space<vmem_shared>> -> memref<10240x128xbf16, #tpu.memory_space<vmem_shared>>
        tpu.enqueue_indirect_dma source(%arg14 : memref<125x128xbf16, #tpu.memory_space<vmem>>) target(%dma_start3A_128 : memref<10240x128xbf16, #tpu.memory_space<vmem_shared>>) offsets(%dma_start3A_125 : memref<125xi32, #tpu.memory_space<vmem>>) semaphore(%arg25 : memref<!tpu.dma_semaphore, #tpu.memory_space<semaphore_mem>>) {add = true}
        %add3A_129 = arith.constant 4 : i32
        %add3A_130 = arith.addi %add3A_115, %add3A_129 : i32
        %sub3A_131 = arith.constant 1 : i32
        %sub3A_132 = arith.subi %add3A_130, %sub3A_131 : i32
        %lt3A_133 = arith.constant 160 : i32
        %lt3A_134 = arith.cmpi slt, %sub3A_132, %lt3A_133 : i32
        %convert_element_type3A_135 = arith.extui %lt3A_134 : i1 to i32
        %cond3A_136 = arith.constant 0 : i32
        %cond3A_137 = arith.cmpi ne, %convert_element_type3A_135, %cond3A_136 : i32
        scf.if %cond3A_137 {
          %gt3A = arith.constant 0 : i32
          %gt3A_164 = arith.cmpi sgt, %add3A_115, %gt3A : i32
          %convert_element_type3A_165 = arith.extui %gt3A_164 : i1 to i32
          %cond3A_166 = arith.constant 0 : i32
          %cond3A_167 = arith.cmpi ne, %convert_element_type3A_165, %cond3A_166 : i32
          scf.if %cond3A_167 {
            %dma_wait3A_178 = arith.constant 0 : i32
            %dma_wait3A_179 = arith.constant 0 : i32
            %dma_wait3A_180 = tpu.memref_slice %arg11[%dma_wait3A_178, %dma_wait3A_179] : memref<160x125xi32, #tpu.memory_space<vmem>> -> memref<1x125xi32, #tpu.memory_space<vmem>>
            %dma_wait3A_181 = tpu.memref_squeeze %dma_wait3A_180 : memref<1x125xi32, #tpu.memory_space<vmem>> -> memref<125xi32, #tpu.memory_space<vmem>>
            %dma_wait3A_182 = arith.constant 0 : i32
            %dma_wait3A_183 = arith.constant 0 : i32
            %dma_wait3A_184 = tpu.memref_slice %arg17[%dma_wait3A_182, %dma_wait3A_183] : memref<10240x128xbf16, #tpu.memory_space<vmem_shared>> -> memref<10240x128xbf16, #tpu.memory_space<vmem_shared>>
            tpu.wait_indirect_dma semaphore(%arg24 : memref<!tpu.dma_semaphore, #tpu.memory_space<semaphore_mem>>) src(%arg13 : memref<125x128xbf16, #tpu.memory_space<vmem>>) dst(%dma_wait3A_184 : memref<10240x128xbf16, #tpu.memory_space<vmem_shared>>)
          } else {
          }
          %add3A_168 = arith.constant 4 : i32
          %add3A_169 = arith.addi %add3A_115, %add3A_168 : i32
          %sub3A_170 = arith.constant 1 : i32
          %sub3A_171 = arith.subi %add3A_169, %sub3A_170 : i32
          %dma_start3A_172 = arith.constant 0 : i32
          %dma_start3A_173 = tpu.memref_slice %arg10[%sub3A_171, %dma_start3A_172] : memref<160x125xi32, #tpu.memory_space<vmem>> -> memref<1x125xi32, #tpu.memory_space<vmem>>
          %dma_start3A_174 = tpu.memref_squeeze %dma_start3A_173 : memref<1x125xi32, #tpu.memory_space<vmem>> -> memref<125xi32, #tpu.memory_space<vmem>>
          %dma_start3A_175 = arith.constant 0 : i32
          %dma_start3A_176 = arith.constant 0 : i32
          %dma_start3A_177 = tpu.memref_slice %arg2[%dma_start3A_175, %dma_start3A_176] : memref<10240x128xbf16, #tpu.memory_space<hbm>> -> memref<10240x128xbf16, #tpu.memory_space<hbm>>
          tpu.enqueue_indirect_dma source(%dma_start3A_177 : memref<10240x128xbf16, #tpu.memory_space<hbm>>) target(%arg13 : memref<125x128xbf16, #tpu.memory_space<vmem>>) offsets(%dma_start3A_174 : memref<125xi32, #tpu.memory_space<vmem>>) semaphore(%arg20 : memref<!tpu.dma_semaphore, #tpu.memory_space<semaphore_mem>>)
        } else {
        }
        %mul3A_138 = arith.constant 4 : i32
        %mul3A_139 = arith.muli %scan3A_62, %mul3A_138 : i32
        %add3A_140 = arith.constant 3 : i32
        %add3A_141 = arith.addi %mul3A_139, %add3A_140 : i32
        %dma_wait3A_142 = arith.constant 0 : i32
        %dma_wait3A_143 = arith.constant 0 : i32
        %dma_wait3A_144 = tpu.memref_slice %arg10[%dma_wait3A_142, %dma_wait3A_143] : memref<160x125xi32, #tpu.memory_space<vmem>> -> memref<1x125xi32, #tpu.memory_space<vmem>>
        %dma_wait3A_145 = tpu.memref_squeeze %dma_wait3A_144 : memref<1x125xi32, #tpu.memory_space<vmem>> -> memref<125xi32, #tpu.memory_space<vmem>>
        %dma_wait3A_146 = arith.constant 0 : i32
        %dma_wait3A_147 = arith.constant 0 : i32
        %dma_wait3A_148 = tpu.memref_slice %arg2[%dma_wait3A_146, %dma_wait3A_147] : memref<10240x128xbf16, #tpu.memory_space<hbm>> -> memref<10240x128xbf16, #tpu.memory_space<hbm>>
        tpu.wait_indirect_dma semaphore(%arg22 : memref<!tpu.dma_semaphore, #tpu.memory_space<semaphore_mem>>) src(%dma_wait3A_148 : memref<10240x128xbf16, #tpu.memory_space<hbm>>) dst(%arg15 : memref<125x128xbf16, #tpu.memory_space<vmem>>)
        %dma_start3A_149 = arith.constant 0 : i32
        %dma_start3A_150 = tpu.memref_slice %arg11[%add3A_141, %dma_start3A_149] : memref<160x125xi32, #tpu.memory_space<vmem>> -> memref<1x125xi32, #tpu.memory_space<vmem>>
        %dma_start3A_151 = tpu.memref_squeeze %dma_start3A_150 : memref<1x125xi32, #tpu.memory_space<vmem>> -> memref<125xi32, #tpu.memory_space<vmem>>
        %dma_start3A_152 = arith.constant 0 : i32
        %dma_start3A_153 = arith.constant 0 : i32
        %dma_start3A_154 = tpu.memref_slice %arg17[%dma_start3A_152, %dma_start3A_153] : memref<10240x128xbf16, #tpu.memory_space<vmem_shared>> -> memref<10240x128xbf16, #tpu.memory_space<vmem_shared>>
        tpu.enqueue_indirect_dma source(%arg15 : memref<125x128xbf16, #tpu.memory_space<vmem>>) target(%dma_start3A_154 : memref<10240x128xbf16, #tpu.memory_space<vmem_shared>>) offsets(%dma_start3A_151 : memref<125xi32, #tpu.memory_space<vmem>>) semaphore(%arg26 : memref<!tpu.dma_semaphore, #tpu.memory_space<semaphore_mem>>) {add = true}
        %add3A_155 = arith.constant 4 : i32
        %add3A_156 = arith.addi %add3A_141, %add3A_155 : i32
        %sub3A_157 = arith.constant 1 : i32
        %sub3A_158 = arith.subi %add3A_156, %sub3A_157 : i32
        %lt3A_159 = arith.constant 160 : i32
        %lt3A_160 = arith.cmpi slt, %sub3A_158, %lt3A_159 : i32
        %convert_element_type3A_161 = arith.extui %lt3A_160 : i1 to i32
        %cond3A_162 = arith.constant 0 : i32
        %cond3A_163 = arith.cmpi ne, %convert_element_type3A_161, %cond3A_162 : i32
        scf.if %cond3A_163 {
          %gt3A = arith.constant 0 : i32
          %gt3A_164 = arith.cmpi sgt, %add3A_141, %gt3A : i32
          %convert_element_type3A_165 = arith.extui %gt3A_164 : i1 to i32
          %cond3A_166 = arith.constant 0 : i32
          %cond3A_167 = arith.cmpi ne, %convert_element_type3A_165, %cond3A_166 : i32
          scf.if %cond3A_167 {
            %dma_wait3A_178 = arith.constant 0 : i32
            %dma_wait3A_179 = arith.constant 0 : i32
            %dma_wait3A_180 = tpu.memref_slice %arg11[%dma_wait3A_178, %dma_wait3A_179] : memref<160x125xi32, #tpu.memory_space<vmem>> -> memref<1x125xi32, #tpu.memory_space<vmem>>
            %dma_wait3A_181 = tpu.memref_squeeze %dma_wait3A_180 : memref<1x125xi32, #tpu.memory_space<vmem>> -> memref<125xi32, #tpu.memory_space<vmem>>
            %dma_wait3A_182 = arith.constant 0 : i32
            %dma_wait3A_183 = arith.constant 0 : i32
            %dma_wait3A_184 = tpu.memref_slice %arg17[%dma_wait3A_182, %dma_wait3A_183] : memref<10240x128xbf16, #tpu.memory_space<vmem_shared>> -> memref<10240x128xbf16, #tpu.memory_space<vmem_shared>>
            tpu.wait_indirect_dma semaphore(%arg25 : memref<!tpu.dma_semaphore, #tpu.memory_space<semaphore_mem>>) src(%arg14 : memref<125x128xbf16, #tpu.memory_space<vmem>>) dst(%dma_wait3A_184 : memref<10240x128xbf16, #tpu.memory_space<vmem_shared>>)
          } else {
          }
          %add3A_168 = arith.constant 4 : i32
          %add3A_169 = arith.addi %add3A_141, %add3A_168 : i32
          %sub3A_170 = arith.constant 1 : i32
          %sub3A_171 = arith.subi %add3A_169, %sub3A_170 : i32
          %dma_start3A_172 = arith.constant 0 : i32
          %dma_start3A_173 = tpu.memref_slice %arg10[%sub3A_171, %dma_start3A_172] : memref<160x125xi32, #tpu.memory_space<vmem>> -> memref<1x125xi32, #tpu.memory_space<vmem>>
          %dma_start3A_174 = tpu.memref_squeeze %dma_start3A_173 : memref<1x125xi32, #tpu.memory_space<vmem>> -> memref<125xi32, #tpu.memory_space<vmem>>
          %dma_start3A_175 = arith.constant 0 : i32
          %dma_start3A_176 = arith.constant 0 : i32
          %dma_start3A_177 = tpu.memref_slice %arg2[%dma_start3A_175, %dma_start3A_176] : memref<10240x128xbf16, #tpu.memory_space<hbm>> -> memref<10240x128xbf16, #tpu.memory_space<hbm>>
          tpu.enqueue_indirect_dma source(%dma_start3A_177 : memref<10240x128xbf16, #tpu.memory_space<hbm>>) target(%arg14 : memref<125x128xbf16, #tpu.memory_space<vmem>>) offsets(%dma_start3A_174 : memref<125xi32, #tpu.memory_space<vmem>>) semaphore(%arg21 : memref<!tpu.dma_semaphore, #tpu.memory_space<semaphore_mem>>)
        } else {
        }
      }
      %scan3A_33 = arith.constant 40 : i32
      %dma_wait3A = arith.constant 0 : i32
      %dma_wait3A_34 = arith.constant 0 : i32
      %dma_wait3A_35 = tpu.memref_slice %arg11[%dma_wait3A, %dma_wait3A_34] : memref<160x125xi32, #tpu.memory_space<vmem>> -> memref<1x125xi32, #tpu.memory_space<vmem>>
      %dma_wait3A_36 = tpu.memref_squeeze %dma_wait3A_35 : memref<1x125xi32, #tpu.memory_space<vmem>> -> memref<125xi32, #tpu.memory_space<vmem>>
      %dma_wait3A_37 = arith.constant 0 : i32
      %dma_wait3A_38 = arith.constant 0 : i32
      %dma_wait3A_39 = tpu.memref_slice %arg17[%dma_wait3A_37, %dma_wait3A_38] : memref<10240x128xbf16, #tpu.memory_space<vmem_shared>> -> memref<10240x128xbf16, #tpu.memory_space<vmem_shared>>
      tpu.wait_indirect_dma semaphore(%arg23 : memref<!tpu.dma_semaphore, #tpu.memory_space<semaphore_mem>>) src(%arg12 : memref<125x128xbf16, #tpu.memory_space<vmem>>) dst(%dma_wait3A_39 : memref<10240x128xbf16, #tpu.memory_space<vmem_shared>>)
      %dma_wait3A_40 = arith.constant 0 : i32
      %dma_wait3A_41 = arith.constant 0 : i32
      %dma_wait3A_42 = tpu.memref_slice %arg11[%dma_wait3A_40, %dma_wait3A_41] : memref<160x125xi32, #tpu.memory_space<vmem>> -> memref<1x125xi32, #tpu.memory_space<vmem>>
      %dma_wait3A_43 = tpu.memref_squeeze %dma_wait3A_42 : memref<1x125xi32, #tpu.memory_space<vmem>> -> memref<125xi32, #tpu.memory_space<vmem>>
      %dma_wait3A_44 = arith.constant 0 : i32
      %dma_wait3A_45 = arith.constant 0 : i32
      %dma_wait3A_46 = tpu.memref_slice %arg17[%dma_wait3A_44, %dma_wait3A_45] : memref<10240x128xbf16, #tpu.memory_space<vmem_shared>> -> memref<10240x128xbf16, #tpu.memory_space<vmem_shared>>
      tpu.wait_indirect_dma semaphore(%arg24 : memref<!tpu.dma_semaphore, #tpu.memory_space<semaphore_mem>>) src(%arg13 : memref<125x128xbf16, #tpu.memory_space<vmem>>) dst(%dma_wait3A_46 : memref<10240x128xbf16, #tpu.memory_space<vmem_shared>>)
      %dma_wait3A_47 = arith.constant 0 : i32
      %dma_wait3A_48 = arith.constant 0 : i32
      %dma_wait3A_49 = tpu.memref_slice %arg11[%dma_wait3A_47, %dma_wait3A_48] : memref<160x125xi32, #tpu.memory_space<vmem>> -> memref<1x125xi32, #tpu.memory_space<vmem>>
      %dma_wait3A_50 = tpu.memref_squeeze %dma_wait3A_49 : memref<1x125xi32, #tpu.memory_space<vmem>> -> memref<125xi32, #tpu.memory_space<vmem>>
      %dma_wait3A_51 = arith.constant 0 : i32
      %dma_wait3A_52 = arith.constant 0 : i32
      %dma_wait3A_53 = tpu.memref_slice %arg17[%dma_wait3A_51, %dma_wait3A_52] : memref<10240x128xbf16, #tpu.memory_space<vmem_shared>> -> memref<10240x128xbf16, #tpu.memory_space<vmem_shared>>
      tpu.wait_indirect_dma semaphore(%arg25 : memref<!tpu.dma_semaphore, #tpu.memory_space<semaphore_mem>>) src(%arg14 : memref<125x128xbf16, #tpu.memory_space<vmem>>) dst(%dma_wait3A_53 : memref<10240x128xbf16, #tpu.memory_space<vmem_shared>>)
      %dma_wait3A_54 = arith.constant 0 : i32
      %dma_wait3A_55 = arith.constant 0 : i32
      %dma_wait3A_56 = tpu.memref_slice %arg11[%dma_wait3A_54, %dma_wait3A_55] : memref<160x125xi32, #tpu.memory_space<vmem>> -> memref<1x125xi32, #tpu.memory_space<vmem>>
      %dma_wait3A_57 = tpu.memref_squeeze %dma_wait3A_56 : memref<1x125xi32, #tpu.memory_space<vmem>> -> memref<125xi32, #tpu.memory_space<vmem>>
      %dma_wait3A_58 = arith.constant 0 : i32
      %dma_wait3A_59 = arith.constant 0 : i32
      %dma_wait3A_60 = tpu.memref_slice %arg17[%dma_wait3A_58, %dma_wait3A_59] : memref<10240x128xbf16, #tpu.memory_space<vmem_shared>> -> memref<10240x128xbf16, #tpu.memory_space<vmem_shared>>
      tpu.wait_indirect_dma semaphore(%arg26 : memref<!tpu.dma_semaphore, #tpu.memory_space<semaphore_mem>>) src(%arg15 : memref<125x128xbf16, #tpu.memory_space<vmem>>) dst(%dma_wait3A_60 : memref<10240x128xbf16, #tpu.memory_space<vmem_shared>>)
      %barrier3A_61 = arith.constant 0 : index
      tpu.barrier barrier_id(%barrier3A_61)
      "tpu.region"() ({
        %run_scoped3A_62 = tpu.sem_alloc : memref<!tpu.dma_semaphore, #tpu.memory_space<semaphore_mem>>
        %dma_start3A_63 = arith.constant 0 : i32
        %dma_start3A_64 = tpu.memref_slice %arg9[%arg0, %mul3A_8, %dma_start3A_63] : memref<2x10240x128xbf16, #tpu.memory_space<hbm>> -> memref<1x640x128xbf16, #tpu.memory_space<hbm>>
        %dma_start3A_65 = tpu.memref_squeeze %dma_start3A_64 : memref<1x640x128xbf16, #tpu.memory_space<hbm>> -> memref<640x128xbf16, #tpu.memory_space<hbm>>
        %dma_start3A_66 = arith.constant 0 : i32
        %dma_start3A_67 = tpu.memref_slice %arg17[%mul3A_8, %dma_start3A_66] : memref<10240x128xbf16, #tpu.memory_space<vmem_shared>> -> memref<640x128xbf16, #tpu.memory_space<vmem_shared>>
        tpu.enqueue_dma source(%dma_start3A_67 : memref<640x128xbf16, #tpu.memory_space<vmem_shared>>) target(%dma_start3A_65 : memref<640x128xbf16, #tpu.memory_space<hbm>>) target_semaphore(%run_scoped3A_62 : memref<!tpu.dma_semaphore, #tpu.memory_space<semaphore_mem>>)
        %dma_wait3A_68 = arith.constant 0 : i32
        %dma_wait3A_69 = tpu.memref_slice %arg9[%arg0, %mul3A_8, %dma_wait3A_68] : memref<2x10240x128xbf16, #tpu.memory_space<hbm>> -> memref<1x640x128xbf16, #tpu.memory_space<hbm>>
        %dma_wait3A_70 = tpu.memref_squeeze %dma_wait3A_69 : memref<1x640x128xbf16, #tpu.memory_space<hbm>> -> memref<640x128xbf16, #tpu.memory_space<hbm>>
        %dma_wait3A_71 = arith.constant 0 : i32
        %dma_wait3A_72 = tpu.memref_slice %arg17[%mul3A_8, %dma_wait3A_71] : memref<10240x128xbf16, #tpu.memory_space<vmem_shared>> -> memref<640x128xbf16, #tpu.memory_space<vmem_shared>>
        tpu.wait_dma2 semaphore(%run_scoped3A_62 : memref<!tpu.dma_semaphore, #tpu.memory_space<semaphore_mem>>) src(%dma_wait3A_72 : memref<640x128xbf16, #tpu.memory_space<vmem_shared>>) dst(%dma_wait3A_70 : memref<640x128xbf16, #tpu.memory_space<hbm>>)
        tpu.yield
      }) : () -> ()
    } else {
    }
    return
  }
}

module attributes {stable_mosaic.version = 14 : i64} {
  func.func @_sage_tc_body(%arg0: i32, %arg1: memref<131072xbf16, #tpu.memory_space<vmem>>, %arg2: memref<1x1024x8xf32, #tpu.memory_space<vmem>>, %arg3: memref<131072xbf16, #tpu.memory_space<vmem>>, %arg4: memref<128x128xf32, #tpu.memory_space<vmem>>, %arg5: memref<128x128xf32, #tpu.memory_space<vmem>>, %arg6: memref<1x128xf32, #tpu.memory_space<vmem>>, %arg7: memref<1x128xf32, #tpu.memory_space<vmem>>, %arg8: memref<1x128xf32, #tpu.memory_space<vmem>>, %arg9: memref<131072xbf16, #tpu.memory_space<vmem>>) attributes {dimension_semantics = [#tpu.dimension_semantics<arbitrary>], iteration_bounds = array<i64: 10>, scalar_prefetch = 0 : i64, scratch_operands = 0 : i64, tpu.core_type = #tpu.core_type<tc>, window_params = [{transform_indices = @transform_0, window_bounds = array<i64: 131072>}, {transform_indices = @transform_1, window_bounds = array<i64: 1, 1024, 8>}, {transform_indices = @transform_2, window_bounds = array<i64: 131072>}, {pipeline_mode = #tpu.pipeline_mode<synchronous>, transform_indices = @transform_3, window_bounds = array<i64: 128, 128>}, {pipeline_mode = #tpu.pipeline_mode<synchronous>, transform_indices = @transform_4, window_bounds = array<i64: 128, 128>}, {pipeline_mode = #tpu.pipeline_mode<synchronous>, transform_indices = @transform_5, window_bounds = array<i64: 1, 128>}, {pipeline_mode = #tpu.pipeline_mode<synchronous>, transform_indices = @transform_6, window_bounds = array<i64: 1, 128>}, {pipeline_mode = #tpu.pipeline_mode<synchronous>, transform_indices = @transform_7, window_bounds = array<i64: 1, 128>}, {transform_indices = @transform_8, window_bounds = array<i64: 131072>}]} {
    %get3A = arith.constant 0 : index
    %get3A_0 = arith.constant 0 : index
    %get3A_1 = arith.constant 0 : index
    %get3A_2 = vector.load %arg2[%get3A, %get3A_0, %get3A_1] : memref<1x1024x8xf32, #tpu.memory_space<vmem>>, vector<1x1024x8xf32>
    %get3A_3 = vector.shape_cast %get3A_2 : vector<1x1024x8xf32> to vector<1024x8xf32>
    %slice3A = vector.extract_strided_slice %get3A_3 {offsets = [0, 0], sizes = [1024, 1], strides = [1, 1]} : vector<1024x8xf32> to vector<1024x1xf32>
    %max3A = arith.constant 1.000000e+00 : f32
    %max3A_4 = vector.broadcast %max3A : f32 to vector<1024x1xf32>
    %max3A_5 = arith.maximumf %slice3A, %max3A_4 : vector<1024x1xf32>
    %div3A = arith.constant 1.000000e+00 : f32
    %div3A_6 = vector.broadcast %div3A : f32 to vector<1024x1xf32>
    %div3A_7 = arith.divf %div3A_6, %max3A_5 : vector<1024x1xf32>
    %get3A_8 = arith.constant 0 : index
    %get3A_9 = vector.load %arg1[%get3A_8] : memref<131072xbf16, #tpu.memory_space<vmem>>, vector<131072xbf16>
    %reshape3A = vector.shape_cast %get3A_9 : vector<131072xbf16> to vector<1024x128xbf16>
    %convert_element_type3A = arith.extf %reshape3A : vector<1024x128xbf16> to vector<1024x128xf32>
    %mul3A = vector.broadcast %div3A_7 : vector<1024x1xf32> to vector<1024x128xf32>
    %mul3A_10 = arith.mulf %convert_element_type3A, %mul3A : vector<1024x128xf32>
    %get3A_11 = arith.constant 0 : index
    %get3A_12 = vector.load %arg3[%get3A_11] : memref<131072xbf16, #tpu.memory_space<vmem>>, vector<131072xbf16>
    %reshape3A_13 = vector.shape_cast %get3A_12 : vector<131072xbf16> to vector<1024x128xbf16>
    %convert_element_type3A_14 = arith.extf %reshape3A_13 : vector<1024x128xbf16> to vector<1024x128xf32>
    %get3A_15 = arith.constant 0 : index
    %get3A_16 = arith.constant 0 : index
    %get3A_17 = vector.load %arg4[%get3A_15, %get3A_16] : memref<128x128xf32, #tpu.memory_space<vmem>>, vector<128x128xf32>
    %dot_general3A = arith.constant dense<0.000000e+00> : vector<1024x128xf32>
    %dot_general3A_18 = tpu.matmul %mul3A_10, %get3A_17, %dot_general3A {dimension_numbers = #tpu.dot_dimension_numbers<[1], [1], [0], [0], [0, 0, 1, 0], [], []>, transpose_lhs_hint = false} : vector<1024x128xf32>, vector<128x128xf32>, vector<1024x128xf32> -> vector<1024x128xf32>
    %get3A_19 = arith.constant 0 : index
    %get3A_20 = arith.constant 0 : index
    %get3A_21 = vector.load %arg5[%get3A_19, %get3A_20] : memref<128x128xf32, #tpu.memory_space<vmem>>, vector<128x128xf32>
    %dot_general3A_22 = arith.constant dense<0.000000e+00> : vector<1024x128xf32>
    %dot_general3A_23 = tpu.matmul %convert_element_type3A_14, %get3A_21, %dot_general3A_22 {dimension_numbers = #tpu.dot_dimension_numbers<[1], [1], [0], [0], [0, 0, 1, 0], [], []>, transpose_lhs_hint = false} : vector<1024x128xf32>, vector<128x128xf32>, vector<1024x128xf32> -> vector<1024x128xf32>
    %add3A = arith.addf %dot_general3A_18, %dot_general3A_23 : vector<1024x128xf32>
    %get3A_24 = arith.constant 0 : index
    %get3A_25 = arith.constant 0 : index
    %get3A_26 = vector.load %arg6[%get3A_24, %get3A_25] : memref<1x128xf32, #tpu.memory_space<vmem>>, vector<1x128xf32>
    %add3A_27 = vector.broadcast %get3A_26 : vector<1x128xf32> to vector<1024x128xf32>
    %add3A_28 = arith.addf %add3A, %add3A_27 : vector<1024x128xf32>
    %get3A_29 = arith.constant 0 : index
    %get3A_30 = arith.constant 0 : index
    %get3A_31 = vector.load %arg7[%get3A_29, %get3A_30] : memref<1x128xf32, #tpu.memory_space<vmem>>, vector<1x128xf32>
    %mul3A_32 = vector.broadcast %get3A_31 : vector<1x128xf32> to vector<1024x128xf32>
    %mul3A_33 = arith.mulf %add3A_28, %mul3A_32 : vector<1024x128xf32>
    %get3A_34 = arith.constant 0 : index
    %get3A_35 = arith.constant 0 : index
    %get3A_36 = vector.load %arg8[%get3A_34, %get3A_35] : memref<1x128xf32, #tpu.memory_space<vmem>>, vector<1x128xf32>
    %add3A_37 = vector.broadcast %get3A_36 : vector<1x128xf32> to vector<1024x128xf32>
    %add3A_38 = arith.addf %mul3A_33, %add3A_37 : vector<1024x128xf32>
    %ge3A = arith.constant 0.000000e+00 : f32
    %ge3A_39 = vector.broadcast %ge3A : f32 to vector<1024x128xf32>
    %ge3A_40 = arith.cmpf oge, %add3A_38, %ge3A_39 : vector<1024x128xf32>
    %mul3A_41 = arith.constant 0.00999999977 : f32
    %mul3A_42 = vector.broadcast %mul3A_41 : f32 to vector<1024x128xf32>
    %mul3A_43 = arith.mulf %mul3A_42, %add3A_38 : vector<1024x128xf32>
    %select_n3A = arith.select %ge3A_40, %add3A_38, %mul3A_43 : vector<1024x128xi1>, vector<1024x128xf32>
    %convert_element_type3A_44 = arith.truncf %select_n3A : vector<1024x128xf32> to vector<1024x128xbf16>
    %reshape3A_45 = vector.shape_cast %convert_element_type3A_44 : vector<1024x128xbf16> to vector<131072xbf16>
    %swap3A = arith.constant 0 : index
    %swap3A_46 = vector.load %arg9[%swap3A] : memref<131072xbf16, #tpu.memory_space<vmem>>, vector<131072xbf16>
    tpu.vector_store %arg9[%swap3A], %reshape3A_45 {strides = array<i32>} : memref<131072xbf16, #tpu.memory_space<vmem>>, vector<131072xbf16>,
    return
  }
  func.func @transform_0(%arg0: i32) -> i32 {
    %add3A = arith.constant 10 : i32
    %add3A_0 = arith.addi %add3A, %arg0 : i32
    %c0_i32 = arith.constant 0 : i32
    return %add3A_0 : i32
  }
  func.func @transform_1(%arg0: i32) -> (i32, i32, i32) {
    %c1_i32 = arith.constant 1 : i32
    %c0_i32 = arith.constant 0 : i32
    %c0_i32_0 = arith.constant 0 : i32
    return %c1_i32, %arg0, %c0_i32 : i32, i32, i32
  }
  func.func @transform_2(%arg0: i32) -> i32 {
    %c0_i32 = arith.constant 0 : i32
    return %arg0 : i32
  }
  func.func @transform_3(%arg0: i32) -> (i32, i32) {
    %c0_i32 = arith.constant 0 : i32
    %c0_i32_0 = arith.constant 0 : i32
    %c0_i32_1 = arith.constant 0 : i32
    return %c0_i32, %c0_i32_0 : i32, i32
  }
  func.func @transform_4(%arg0: i32) -> (i32, i32) {
    %c0_i32 = arith.constant 0 : i32
    %c0_i32_0 = arith.constant 0 : i32
    %c0_i32_1 = arith.constant 0 : i32
    return %c0_i32, %c0_i32_0 : i32, i32
  }
  func.func @transform_5(%arg0: i32) -> (i32, i32) {
    %c0_i32 = arith.constant 0 : i32
    %c0_i32_0 = arith.constant 0 : i32
    %c0_i32_1 = arith.constant 0 : i32
    return %c0_i32, %c0_i32_0 : i32, i32
  }
  func.func @transform_6(%arg0: i32) -> (i32, i32) {
    %c0_i32 = arith.constant 0 : i32
    %c0_i32_0 = arith.constant 0 : i32
    %c0_i32_1 = arith.constant 0 : i32
    return %c0_i32, %c0_i32_0 : i32, i32
  }
  func.func @transform_7(%arg0: i32) -> (i32, i32) {
    %c0_i32 = arith.constant 0 : i32
    %c0_i32_0 = arith.constant 0 : i32
    %c0_i32_1 = arith.constant 0 : i32
    return %c0_i32, %c0_i32_0 : i32, i32
  }
  func.func @transform_8(%arg0: i32) -> i32 {
    %c0_i32 = arith.constant 0 : i32
    return %arg0 : i32
  }
}

module attributes {stable_mosaic.version = 14 : i64} {
  func.func @_sage_tc_body(%arg0: i32, %arg1: memref<131072xbf16, #tpu.memory_space<vmem>>, %arg2: memref<1x1024x8xf32, #tpu.memory_space<vmem>>, %arg3: memref<131072xbf16, #tpu.memory_space<vmem>>, %arg4: memref<128x128xf32, #tpu.memory_space<vmem>>, %arg5: memref<128x128xf32, #tpu.memory_space<vmem>>, %arg6: memref<1x128xf32, #tpu.memory_space<vmem>>, %arg7: memref<1x128xf32, #tpu.memory_space<vmem>>, %arg8: memref<1x128xf32, #tpu.memory_space<vmem>>, %arg9: memref<131072xbf16, #tpu.memory_space<vmem>>) attributes {dimension_semantics = [#tpu.dimension_semantics<arbitrary>], iteration_bounds = array<i64: 10>, scalar_prefetch = 0 : i64, scratch_operands = 0 : i64, tpu.core_type = #tpu.core_type<tc>, window_params = [{transform_indices = @transform_0, window_bounds = array<i64: 131072>}, {transform_indices = @transform_1, window_bounds = array<i64: 1, 1024, 8>}, {transform_indices = @transform_2, window_bounds = array<i64: 131072>}, {pipeline_mode = #tpu.pipeline_mode<synchronous>, transform_indices = @transform_3, window_bounds = array<i64: 128, 128>}, {pipeline_mode = #tpu.pipeline_mode<synchronous>, transform_indices = @transform_4, window_bounds = array<i64: 128, 128>}, {pipeline_mode = #tpu.pipeline_mode<synchronous>, transform_indices = @transform_5, window_bounds = array<i64: 1, 128>}, {pipeline_mode = #tpu.pipeline_mode<synchronous>, transform_indices = @transform_6, window_bounds = array<i64: 1, 128>}, {pipeline_mode = #tpu.pipeline_mode<synchronous>, transform_indices = @transform_7, window_bounds = array<i64: 1, 128>}, {transform_indices = @transform_8, window_bounds = array<i64: 131072>}]} {
    %get3A = arith.constant 0 : index
    %get3A_0 = arith.constant 0 : index
    %get3A_1 = arith.constant 0 : index
    %get3A_2 = vector.load %arg2[%get3A, %get3A_0, %get3A_1] : memref<1x1024x8xf32, #tpu.memory_space<vmem>>, vector<1x1024x8xf32>
    %get3A_3 = vector.shape_cast %get3A_2 : vector<1x1024x8xf32> to vector<1024x8xf32>
    %slice3A = vector.extract_strided_slice %get3A_3 {offsets = [0, 0], sizes = [1024, 1], strides = [1, 1]} : vector<1024x8xf32> to vector<1024x1xf32>
    %max3A = arith.constant 1.000000e+00 : f32
    %max3A_4 = vector.broadcast %max3A : f32 to vector<1024x1xf32>
    %max3A_5 = arith.maximumf %slice3A, %max3A_4 : vector<1024x1xf32>
    %div3A = arith.constant 1.000000e+00 : f32
    %div3A_6 = vector.broadcast %div3A : f32 to vector<1024x1xf32>
    %div3A_7 = arith.divf %div3A_6, %max3A_5 : vector<1024x1xf32>
    %get3A_8 = arith.constant 0 : index
    %get3A_9 = vector.load %arg1[%get3A_8] : memref<131072xbf16, #tpu.memory_space<vmem>>, vector<131072xbf16>
    %reshape3A = vector.shape_cast %get3A_9 : vector<131072xbf16> to vector<1024x128xbf16>
    %convert_element_type3A = arith.extf %reshape3A : vector<1024x128xbf16> to vector<1024x128xf32>
    %mul3A = vector.broadcast %div3A_7 : vector<1024x1xf32> to vector<1024x128xf32>
    %mul3A_10 = arith.mulf %convert_element_type3A, %mul3A : vector<1024x128xf32>
    %get3A_11 = arith.constant 0 : index
    %get3A_12 = vector.load %arg3[%get3A_11] : memref<131072xbf16, #tpu.memory_space<vmem>>, vector<131072xbf16>
    %reshape3A_13 = vector.shape_cast %get3A_12 : vector<131072xbf16> to vector<1024x128xbf16>
    %convert_element_type3A_14 = arith.extf %reshape3A_13 : vector<1024x128xbf16> to vector<1024x128xf32>
    %get3A_15 = arith.constant 0 : index
    %get3A_16 = arith.constant 0 : index
    %get3A_17 = vector.load %arg4[%get3A_15, %get3A_16] : memref<128x128xf32, #tpu.memory_space<vmem>>, vector<128x128xf32>
    %dot_general3A = arith.constant dense<0.000000e+00> : vector<1024x128xf32>
    %dot_general3A_18 = tpu.matmul %mul3A_10, %get3A_17, %dot_general3A {dimension_numbers = #tpu.dot_dimension_numbers<[1], [1], [0], [0], [0, 0, 1, 0], [], []>, transpose_lhs_hint = false} : vector<1024x128xf32>, vector<128x128xf32>, vector<1024x128xf32> -> vector<1024x128xf32>
    %get3A_19 = arith.constant 0 : index
    %get3A_20 = arith.constant 0 : index
    %get3A_21 = vector.load %arg5[%get3A_19, %get3A_20] : memref<128x128xf32, #tpu.memory_space<vmem>>, vector<128x128xf32>
    %dot_general3A_22 = arith.constant dense<0.000000e+00> : vector<1024x128xf32>
    %dot_general3A_23 = tpu.matmul %convert_element_type3A_14, %get3A_21, %dot_general3A_22 {dimension_numbers = #tpu.dot_dimension_numbers<[1], [1], [0], [0], [0, 0, 1, 0], [], []>, transpose_lhs_hint = false} : vector<1024x128xf32>, vector<128x128xf32>, vector<1024x128xf32> -> vector<1024x128xf32>
    %add3A = arith.addf %dot_general3A_18, %dot_general3A_23 : vector<1024x128xf32>
    %get3A_24 = arith.constant 0 : index
    %get3A_25 = arith.constant 0 : index
    %get3A_26 = vector.load %arg6[%get3A_24, %get3A_25] : memref<1x128xf32, #tpu.memory_space<vmem>>, vector<1x128xf32>
    %add3A_27 = vector.broadcast %get3A_26 : vector<1x128xf32> to vector<1024x128xf32>
    %add3A_28 = arith.addf %add3A, %add3A_27 : vector<1024x128xf32>
    %get3A_29 = arith.constant 0 : index
    %get3A_30 = arith.constant 0 : index
    %get3A_31 = vector.load %arg7[%get3A_29, %get3A_30] : memref<1x128xf32, #tpu.memory_space<vmem>>, vector<1x128xf32>
    %mul3A_32 = vector.broadcast %get3A_31 : vector<1x128xf32> to vector<1024x128xf32>
    %mul3A_33 = arith.mulf %add3A_28, %mul3A_32 : vector<1024x128xf32>
    %get3A_34 = arith.constant 0 : index
    %get3A_35 = arith.constant 0 : index
    %get3A_36 = vector.load %arg8[%get3A_34, %get3A_35] : memref<1x128xf32, #tpu.memory_space<vmem>>, vector<1x128xf32>
    %add3A_37 = vector.broadcast %get3A_36 : vector<1x128xf32> to vector<1024x128xf32>
    %add3A_38 = arith.addf %mul3A_33, %add3A_37 : vector<1024x128xf32>
    %ge3A = arith.constant 0.000000e+00 : f32
    %ge3A_39 = vector.broadcast %ge3A : f32 to vector<1024x128xf32>
    %ge3A_40 = arith.cmpf oge, %add3A_38, %ge3A_39 : vector<1024x128xf32>
    %mul3A_41 = arith.constant 0.00999999977 : f32
    %mul3A_42 = vector.broadcast %mul3A_41 : f32 to vector<1024x128xf32>
    %mul3A_43 = arith.mulf %mul3A_42, %add3A_38 : vector<1024x128xf32>
    %select_n3A = arith.select %ge3A_40, %add3A_38, %mul3A_43 : vector<1024x128xi1>, vector<1024x128xf32>
    %convert_element_type3A_44 = arith.truncf %select_n3A : vector<1024x128xf32> to vector<1024x128xbf16>
    %reshape3A_45 = vector.shape_cast %convert_element_type3A_44 : vector<1024x128xbf16> to vector<131072xbf16>
    %swap3A = arith.constant 0 : index
    %swap3A_46 = vector.load %arg9[%swap3A] : memref<131072xbf16, #tpu.memory_space<vmem>>, vector<131072xbf16>
    tpu.vector_store %arg9[%swap3A], %reshape3A_45 {strides = array<i32>} : memref<131072xbf16, #tpu.memory_space<vmem>>, vector<131072xbf16>,
    return
  }
  func.func @transform_0(%arg0: i32) -> i32 {
    %add3A = arith.constant 0 : i32
    %add3A_0 = arith.addi %add3A, %arg0 : i32
    %c0_i32 = arith.constant 0 : i32
    return %add3A_0 : i32
  }
  func.func @transform_1(%arg0: i32) -> (i32, i32, i32) {
    %c0_i32 = arith.constant 0 : i32
    %c0_i32_0 = arith.constant 0 : i32
    %c0_i32_1 = arith.constant 0 : i32
    return %c0_i32, %arg0, %c0_i32_0 : i32, i32, i32
  }
  func.func @transform_2(%arg0: i32) -> i32 {
    %c0_i32 = arith.constant 0 : i32
    return %arg0 : i32
  }
  func.func @transform_3(%arg0: i32) -> (i32, i32) {
    %c0_i32 = arith.constant 0 : i32
    %c0_i32_0 = arith.constant 0 : i32
    %c0_i32_1 = arith.constant 0 : i32
    return %c0_i32, %c0_i32_0 : i32, i32
  }
  func.func @transform_4(%arg0: i32) -> (i32, i32) {
    %c0_i32 = arith.constant 0 : i32
    %c0_i32_0 = arith.constant 0 : i32
    %c0_i32_1 = arith.constant 0 : i32
    return %c0_i32, %c0_i32_0 : i32, i32
  }
  func.func @transform_5(%arg0: i32) -> (i32, i32) {
    %c0_i32 = arith.constant 0 : i32
    %c0_i32_0 = arith.constant 0 : i32
    %c0_i32_1 = arith.constant 0 : i32
    return %c0_i32, %c0_i32_0 : i32, i32
  }
  func.func @transform_6(%arg0: i32) -> (i32, i32) {
    %c0_i32 = arith.constant 0 : i32
    %c0_i32_0 = arith.constant 0 : i32
    %c0_i32_1 = arith.constant 0 : i32
    return %c0_i32, %c0_i32_0 : i32, i32
  }
  func.func @transform_7(%arg0: i32) -> (i32, i32) {
    %c0_i32 = arith.constant 0 : i32
    %c0_i32_0 = arith.constant 0 : i32
    %c0_i32_1 = arith.constant 0 : i32
    return %c0_i32, %c0_i32_0 : i32, i32
  }
  func.func @transform_8(%arg0: i32) -> i32 {
    %c0_i32 = arith.constant 0 : i32
    return %arg0 : i32
  }
}

module attributes {stable_mosaic.version = 14 : i64} {
  func.func @_sage_tc_body(%arg0: i32, %arg1: memref<131072xbf16, #tpu.memory_space<vmem>>, %arg2: memref<1x1024x8xf32, #tpu.memory_space<vmem>>, %arg3: memref<131072xbf16, #tpu.memory_space<vmem>>, %arg4: memref<128x128xf32, #tpu.memory_space<vmem>>, %arg5: memref<128x128xf32, #tpu.memory_space<vmem>>, %arg6: memref<1x128xf32, #tpu.memory_space<vmem>>, %arg7: memref<1x128xf32, #tpu.memory_space<vmem>>, %arg8: memref<1x128xf32, #tpu.memory_space<vmem>>, %arg9: memref<1024x128xf32, #tpu.memory_space<vmem>>) attributes {dimension_semantics = [#tpu.dimension_semantics<arbitrary>], iteration_bounds = array<i64: 10>, scalar_prefetch = 0 : i64, scratch_operands = 0 : i64, tpu.core_type = #tpu.core_type<tc>, window_params = [{transform_indices = @transform_0, window_bounds = array<i64: 131072>}, {transform_indices = @transform_1, window_bounds = array<i64: 1, 1024, 8>}, {transform_indices = @transform_2, window_bounds = array<i64: 131072>}, {pipeline_mode = #tpu.pipeline_mode<synchronous>, transform_indices = @transform_3, window_bounds = array<i64: 128, 128>}, {pipeline_mode = #tpu.pipeline_mode<synchronous>, transform_indices = @transform_4, window_bounds = array<i64: 128, 128>}, {pipeline_mode = #tpu.pipeline_mode<synchronous>, transform_indices = @transform_5, window_bounds = array<i64: 1, 128>}, {pipeline_mode = #tpu.pipeline_mode<synchronous>, transform_indices = @transform_6, window_bounds = array<i64: 1, 128>}, {pipeline_mode = #tpu.pipeline_mode<synchronous>, transform_indices = @transform_7, window_bounds = array<i64: 1, 128>}, {transform_indices = @transform_8, window_bounds = array<i64: 1024, 128>}]} {
    %get3A = arith.constant 0 : index
    %get3A_0 = arith.constant 0 : index
    %get3A_1 = arith.constant 0 : index
    %get3A_2 = vector.load %arg2[%get3A, %get3A_0, %get3A_1] : memref<1x1024x8xf32, #tpu.memory_space<vmem>>, vector<1x1024x8xf32>
    %get3A_3 = vector.shape_cast %get3A_2 : vector<1x1024x8xf32> to vector<1024x8xf32>
    %slice3A = vector.extract_strided_slice %get3A_3 {offsets = [0, 0], sizes = [1024, 1], strides = [1, 1]} : vector<1024x8xf32> to vector<1024x1xf32>
    %max3A = arith.constant 1.000000e+00 : f32
    %max3A_4 = vector.broadcast %max3A : f32 to vector<1024x1xf32>
    %max3A_5 = arith.maximumf %slice3A, %max3A_4 : vector<1024x1xf32>
    %div3A = arith.constant 1.000000e+00 : f32
    %div3A_6 = vector.broadcast %div3A : f32 to vector<1024x1xf32>
    %div3A_7 = arith.divf %div3A_6, %max3A_5 : vector<1024x1xf32>
    %get3A_8 = arith.constant 0 : index
    %get3A_9 = vector.load %arg1[%get3A_8] : memref<131072xbf16, #tpu.memory_space<vmem>>, vector<131072xbf16>
    %reshape3A = vector.shape_cast %get3A_9 : vector<131072xbf16> to vector<1024x128xbf16>
    %convert_element_type3A = arith.extf %reshape3A : vector<1024x128xbf16> to vector<1024x128xf32>
    %mul3A = vector.broadcast %div3A_7 : vector<1024x1xf32> to vector<1024x128xf32>
    %mul3A_10 = arith.mulf %convert_element_type3A, %mul3A : vector<1024x128xf32>
    %get3A_11 = arith.constant 0 : index
    %get3A_12 = vector.load %arg3[%get3A_11] : memref<131072xbf16, #tpu.memory_space<vmem>>, vector<131072xbf16>
    %reshape3A_13 = vector.shape_cast %get3A_12 : vector<131072xbf16> to vector<1024x128xbf16>
    %convert_element_type3A_14 = arith.extf %reshape3A_13 : vector<1024x128xbf16> to vector<1024x128xf32>
    %get3A_15 = arith.constant 0 : index
    %get3A_16 = arith.constant 0 : index
    %get3A_17 = vector.load %arg4[%get3A_15, %get3A_16] : memref<128x128xf32, #tpu.memory_space<vmem>>, vector<128x128xf32>
    %dot_general3A = arith.constant dense<0.000000e+00> : vector<1024x128xf32>
    %dot_general3A_18 = tpu.matmul %mul3A_10, %get3A_17, %dot_general3A {dimension_numbers = #tpu.dot_dimension_numbers<[1], [1], [0], [0], [0, 0, 1, 0], [], []>, transpose_lhs_hint = false} : vector<1024x128xf32>, vector<128x128xf32>, vector<1024x128xf32> -> vector<1024x128xf32>
    %get3A_19 = arith.constant 0 : index
    %get3A_20 = arith.constant 0 : index
    %get3A_21 = vector.load %arg5[%get3A_19, %get3A_20] : memref<128x128xf32, #tpu.memory_space<vmem>>, vector<128x128xf32>
    %dot_general3A_22 = arith.constant dense<0.000000e+00> : vector<1024x128xf32>
    %dot_general3A_23 = tpu.matmul %convert_element_type3A_14, %get3A_21, %dot_general3A_22 {dimension_numbers = #tpu.dot_dimension_numbers<[1], [1], [0], [0], [0, 0, 1, 0], [], []>, transpose_lhs_hint = false} : vector<1024x128xf32>, vector<128x128xf32>, vector<1024x128xf32> -> vector<1024x128xf32>
    %add3A = arith.addf %dot_general3A_18, %dot_general3A_23 : vector<1024x128xf32>
    %get3A_24 = arith.constant 0 : index
    %get3A_25 = arith.constant 0 : index
    %get3A_26 = vector.load %arg6[%get3A_24, %get3A_25] : memref<1x128xf32, #tpu.memory_space<vmem>>, vector<1x128xf32>
    %add3A_27 = vector.broadcast %get3A_26 : vector<1x128xf32> to vector<1024x128xf32>
    %add3A_28 = arith.addf %add3A, %add3A_27 : vector<1024x128xf32>
    %get3A_29 = arith.constant 0 : index
    %get3A_30 = arith.constant 0 : index
    %get3A_31 = vector.load %arg7[%get3A_29, %get3A_30] : memref<1x128xf32, #tpu.memory_space<vmem>>, vector<1x128xf32>
    %mul3A_32 = vector.broadcast %get3A_31 : vector<1x128xf32> to vector<1024x128xf32>
    %mul3A_33 = arith.mulf %add3A_28, %mul3A_32 : vector<1024x128xf32>
    %get3A_34 = arith.constant 0 : index
    %get3A_35 = arith.constant 0 : index
    %get3A_36 = vector.load %arg8[%get3A_34, %get3A_35] : memref<1x128xf32, #tpu.memory_space<vmem>>, vector<1x128xf32>
    %add3A_37 = vector.broadcast %get3A_36 : vector<1x128xf32> to vector<1024x128xf32>
    %add3A_38 = arith.addf %mul3A_33, %add3A_37 : vector<1024x128xf32>
    %swap3A = arith.constant 0 : index
    %swap3A_39 = arith.constant 0 : index
    %swap3A_40 = vector.load %arg9[%swap3A, %swap3A_39] : memref<1024x128xf32, #tpu.memory_space<vmem>>, vector<1024x128xf32>
    tpu.vector_store %arg9[%swap3A, %swap3A_39], %add3A_38 {strides = array<i32>} : memref<1024x128xf32, #tpu.memory_space<vmem>>, vector<1024x128xf32>,
    return
  }
  func.func @transform_0(%arg0: i32) -> i32 {
    %add3A = arith.constant 10 : i32
    %add3A_0 = arith.addi %add3A, %arg0 : i32
    %c0_i32 = arith.constant 0 : i32
    return %add3A_0 : i32
  }
  func.func @transform_1(%arg0: i32) -> (i32, i32, i32) {
    %c1_i32 = arith.constant 1 : i32
    %c0_i32 = arith.constant 0 : i32
    %c0_i32_0 = arith.constant 0 : i32
    return %c1_i32, %arg0, %c0_i32 : i32, i32, i32
  }
  func.func @transform_2(%arg0: i32) -> i32 {
    %c0_i32 = arith.constant 0 : i32
    return %arg0 : i32
  }
  func.func @transform_3(%arg0: i32) -> (i32, i32) {
    %c0_i32 = arith.constant 0 : i32
    %c0_i32_0 = arith.constant 0 : i32
    %c0_i32_1 = arith.constant 0 : i32
    return %c0_i32, %c0_i32_0 : i32, i32
  }
  func.func @transform_4(%arg0: i32) -> (i32, i32) {
    %c0_i32 = arith.constant 0 : i32
    %c0_i32_0 = arith.constant 0 : i32
    %c0_i32_1 = arith.constant 0 : i32
    return %c0_i32, %c0_i32_0 : i32, i32
  }
  func.func @transform_5(%arg0: i32) -> (i32, i32) {
    %c0_i32 = arith.constant 0 : i32
    %c0_i32_0 = arith.constant 0 : i32
    %c0_i32_1 = arith.constant 0 : i32
    return %c0_i32, %c0_i32_0 : i32, i32
  }
  func.func @transform_6(%arg0: i32) -> (i32, i32) {
    %c0_i32 = arith.constant 0 : i32
    %c0_i32_0 = arith.constant 0 : i32
    %c0_i32_1 = arith.constant 0 : i32
    return %c0_i32, %c0_i32_0 : i32, i32
  }
  func.func @transform_7(%arg0: i32) -> (i32, i32) {
    %c0_i32 = arith.constant 0 : i32
    %c0_i32_0 = arith.constant 0 : i32
    %c0_i32_1 = arith.constant 0 : i32
    return %c0_i32, %c0_i32_0 : i32, i32
  }
  func.func @transform_8(%arg0: i32) -> (i32, i32) {
    %c0_i32 = arith.constant 0 : i32
    %c0_i32_0 = arith.constant 0 : i32
    return %arg0, %c0_i32 : i32, i32
  }
}

module attributes {stable_mosaic.version = 14 : i64} {
  func.func @_sage_tc_body(%arg0: i32, %arg1: memref<131072xbf16, #tpu.memory_space<vmem>>, %arg2: memref<1x1024x8xf32, #tpu.memory_space<vmem>>, %arg3: memref<131072xbf16, #tpu.memory_space<vmem>>, %arg4: memref<128x128xf32, #tpu.memory_space<vmem>>, %arg5: memref<128x128xf32, #tpu.memory_space<vmem>>, %arg6: memref<1x128xf32, #tpu.memory_space<vmem>>, %arg7: memref<1x128xf32, #tpu.memory_space<vmem>>, %arg8: memref<1x128xf32, #tpu.memory_space<vmem>>, %arg9: memref<1024x128xf32, #tpu.memory_space<vmem>>) attributes {dimension_semantics = [#tpu.dimension_semantics<arbitrary>], iteration_bounds = array<i64: 10>, scalar_prefetch = 0 : i64, scratch_operands = 0 : i64, tpu.core_type = #tpu.core_type<tc>, window_params = [{transform_indices = @transform_0, window_bounds = array<i64: 131072>}, {transform_indices = @transform_1, window_bounds = array<i64: 1, 1024, 8>}, {transform_indices = @transform_2, window_bounds = array<i64: 131072>}, {pipeline_mode = #tpu.pipeline_mode<synchronous>, transform_indices = @transform_3, window_bounds = array<i64: 128, 128>}, {pipeline_mode = #tpu.pipeline_mode<synchronous>, transform_indices = @transform_4, window_bounds = array<i64: 128, 128>}, {pipeline_mode = #tpu.pipeline_mode<synchronous>, transform_indices = @transform_5, window_bounds = array<i64: 1, 128>}, {pipeline_mode = #tpu.pipeline_mode<synchronous>, transform_indices = @transform_6, window_bounds = array<i64: 1, 128>}, {pipeline_mode = #tpu.pipeline_mode<synchronous>, transform_indices = @transform_7, window_bounds = array<i64: 1, 128>}, {transform_indices = @transform_8, window_bounds = array<i64: 1024, 128>}]} {
    %get3A = arith.constant 0 : index
    %get3A_0 = arith.constant 0 : index
    %get3A_1 = arith.constant 0 : index
    %get3A_2 = vector.load %arg2[%get3A, %get3A_0, %get3A_1] : memref<1x1024x8xf32, #tpu.memory_space<vmem>>, vector<1x1024x8xf32>
    %get3A_3 = vector.shape_cast %get3A_2 : vector<1x1024x8xf32> to vector<1024x8xf32>
    %slice3A = vector.extract_strided_slice %get3A_3 {offsets = [0, 0], sizes = [1024, 1], strides = [1, 1]} : vector<1024x8xf32> to vector<1024x1xf32>
    %max3A = arith.constant 1.000000e+00 : f32
    %max3A_4 = vector.broadcast %max3A : f32 to vector<1024x1xf32>
    %max3A_5 = arith.maximumf %slice3A, %max3A_4 : vector<1024x1xf32>
    %div3A = arith.constant 1.000000e+00 : f32
    %div3A_6 = vector.broadcast %div3A : f32 to vector<1024x1xf32>
    %div3A_7 = arith.divf %div3A_6, %max3A_5 : vector<1024x1xf32>
    %get3A_8 = arith.constant 0 : index
    %get3A_9 = vector.load %arg1[%get3A_8] : memref<131072xbf16, #tpu.memory_space<vmem>>, vector<131072xbf16>
    %reshape3A = vector.shape_cast %get3A_9 : vector<131072xbf16> to vector<1024x128xbf16>
    %convert_element_type3A = arith.extf %reshape3A : vector<1024x128xbf16> to vector<1024x128xf32>
    %mul3A = vector.broadcast %div3A_7 : vector<1024x1xf32> to vector<1024x128xf32>
    %mul3A_10 = arith.mulf %convert_element_type3A, %mul3A : vector<1024x128xf32>
    %get3A_11 = arith.constant 0 : index
    %get3A_12 = vector.load %arg3[%get3A_11] : memref<131072xbf16, #tpu.memory_space<vmem>>, vector<131072xbf16>
    %reshape3A_13 = vector.shape_cast %get3A_12 : vector<131072xbf16> to vector<1024x128xbf16>
    %convert_element_type3A_14 = arith.extf %reshape3A_13 : vector<1024x128xbf16> to vector<1024x128xf32>
    %get3A_15 = arith.constant 0 : index
    %get3A_16 = arith.constant 0 : index
    %get3A_17 = vector.load %arg4[%get3A_15, %get3A_16] : memref<128x128xf32, #tpu.memory_space<vmem>>, vector<128x128xf32>
    %dot_general3A = arith.constant dense<0.000000e+00> : vector<1024x128xf32>
    %dot_general3A_18 = tpu.matmul %mul3A_10, %get3A_17, %dot_general3A {dimension_numbers = #tpu.dot_dimension_numbers<[1], [1], [0], [0], [0, 0, 1, 0], [], []>, transpose_lhs_hint = false} : vector<1024x128xf32>, vector<128x128xf32>, vector<1024x128xf32> -> vector<1024x128xf32>
    %get3A_19 = arith.constant 0 : index
    %get3A_20 = arith.constant 0 : index
    %get3A_21 = vector.load %arg5[%get3A_19, %get3A_20] : memref<128x128xf32, #tpu.memory_space<vmem>>, vector<128x128xf32>
    %dot_general3A_22 = arith.constant dense<0.000000e+00> : vector<1024x128xf32>
    %dot_general3A_23 = tpu.matmul %convert_element_type3A_14, %get3A_21, %dot_general3A_22 {dimension_numbers = #tpu.dot_dimension_numbers<[1], [1], [0], [0], [0, 0, 1, 0], [], []>, transpose_lhs_hint = false} : vector<1024x128xf32>, vector<128x128xf32>, vector<1024x128xf32> -> vector<1024x128xf32>
    %add3A = arith.addf %dot_general3A_18, %dot_general3A_23 : vector<1024x128xf32>
    %get3A_24 = arith.constant 0 : index
    %get3A_25 = arith.constant 0 : index
    %get3A_26 = vector.load %arg6[%get3A_24, %get3A_25] : memref<1x128xf32, #tpu.memory_space<vmem>>, vector<1x128xf32>
    %add3A_27 = vector.broadcast %get3A_26 : vector<1x128xf32> to vector<1024x128xf32>
    %add3A_28 = arith.addf %add3A, %add3A_27 : vector<1024x128xf32>
    %get3A_29 = arith.constant 0 : index
    %get3A_30 = arith.constant 0 : index
    %get3A_31 = vector.load %arg7[%get3A_29, %get3A_30] : memref<1x128xf32, #tpu.memory_space<vmem>>, vector<1x128xf32>
    %mul3A_32 = vector.broadcast %get3A_31 : vector<1x128xf32> to vector<1024x128xf32>
    %mul3A_33 = arith.mulf %add3A_28, %mul3A_32 : vector<1024x128xf32>
    %get3A_34 = arith.constant 0 : index
    %get3A_35 = arith.constant 0 : index
    %get3A_36 = vector.load %arg8[%get3A_34, %get3A_35] : memref<1x128xf32, #tpu.memory_space<vmem>>, vector<1x128xf32>
    %add3A_37 = vector.broadcast %get3A_36 : vector<1x128xf32> to vector<1024x128xf32>
    %add3A_38 = arith.addf %mul3A_33, %add3A_37 : vector<1024x128xf32>
    %swap3A = arith.constant 0 : index
    %swap3A_39 = arith.constant 0 : index
    %swap3A_40 = vector.load %arg9[%swap3A, %swap3A_39] : memref<1024x128xf32, #tpu.memory_space<vmem>>, vector<1024x128xf32>
    tpu.vector_store %arg9[%swap3A, %swap3A_39], %add3A_38 {strides = array<i32>} : memref<1024x128xf32, #tpu.memory_space<vmem>>, vector<1024x128xf32>,
    return
  }
  func.func @transform_0(%arg0: i32) -> i32 {
    %add3A = arith.constant 0 : i32
    %add3A_0 = arith.addi %add3A, %arg0 : i32
    %c0_i32 = arith.constant 0 : i32
    return %add3A_0 : i32
  }
  func.func @transform_1(%arg0: i32) -> (i32, i32, i32) {
    %c0_i32 = arith.constant 0 : i32
    %c0_i32_0 = arith.constant 0 : i32
    %c0_i32_1 = arith.constant 0 : i32
    return %c0_i32, %arg0, %c0_i32_0 : i32, i32, i32
  }
  func.func @transform_2(%arg0: i32) -> i32 {
    %c0_i32 = arith.constant 0 : i32
    return %arg0 : i32
  }
  func.func @transform_3(%arg0: i32) -> (i32, i32) {
    %c0_i32 = arith.constant 0 : i32
    %c0_i32_0 = arith.constant 0 : i32
    %c0_i32_1 = arith.constant 0 : i32
    return %c0_i32, %c0_i32_0 : i32, i32
  }
  func.func @transform_4(%arg0: i32) -> (i32, i32) {
    %c0_i32 = arith.constant 0 : i32
    %c0_i32_0 = arith.constant 0 : i32
    %c0_i32_1 = arith.constant 0 : i32
    return %c0_i32, %c0_i32_0 : i32, i32
  }
  func.func @transform_5(%arg0: i32) -> (i32, i32) {
    %c0_i32 = arith.constant 0 : i32
    %c0_i32_0 = arith.constant 0 : i32
    %c0_i32_1 = arith.constant 0 : i32
    return %c0_i32, %c0_i32_0 : i32, i32
  }
  func.func @transform_6(%arg0: i32) -> (i32, i32) {
    %c0_i32 = arith.constant 0 : i32
    %c0_i32_0 = arith.constant 0 : i32
    %c0_i32_1 = arith.constant 0 : i32
    return %c0_i32, %c0_i32_0 : i32, i32
  }
  func.func @transform_7(%arg0: i32) -> (i32, i32) {
    %c0_i32 = arith.constant 0 : i32
    %c0_i32_0 = arith.constant 0 : i32
    %c0_i32_1 = arith.constant 0 : i32
    return %c0_i32, %c0_i32_0 : i32, i32
  }
  func.func @transform_8(%arg0: i32) -> (i32, i32) {
    %c0_i32 = arith.constant 0 : i32
    %c0_i32_0 = arith.constant 0 : i32
    return %arg0, %c0_i32 : i32, i32
  }
}

</mosaic_0001>

<sc_bundles>
// kernel: kernel.11.cloned.1.call-start
scs
__scs_entry_jumppad:
0x0: {  	(pc) =	sbr.rel $0x88, $3  }
0x1: {  	(tag) =	ssettag $0x0;
	lr =	simm.s32 $0x1  }
0x2: {  	[smem:$0x3F8D] =	sst lr;
	_ =	strace $0xD0000000  }
0x3: {  	_ = 	snop  }
0x4: {  	_ = 	snop  }
0x5: {  	_ = 	snop  }
0x6: {  	_ = 	snop  }
0x7: {  	_ = 	snop  }
__scs_overlays_trampoline_lowered:
0x8: {  	[smem:$0x3F9C] =	sst s0  }
0x9: {  	[smem:$0x3F9D] =	sst s1  }
0xa: {  	[smem:$0x3F9E] =	sst s2  }
0xb: {  	[smem:$0x3F9F] =	sst s3  }
0xc: {  	[smem:$0x3FA0] =	sst s4  }
0xd: {  	[smem:$0x3FA1] =	sst s5  }
0xe: {  	[smem:$0x3FA2] =	sst s6  }
0xf: {  	[smem:$0x3FA3] =	sst s7  }
0x10: {  	[smem:$0x3FA4] =	sst s8  }
0x11: {  	[smem:$0x3FA5] =	sst s9;
	s0 =	simm.s32 @!p0 $0x0  }
0x12: {  	s1 =	sld [smem:$0x3F8B];
	s0 =	simm.s32 @p0 $0x1  }
0x13: {  	[smem:$0x3FA6] =	sst s0;
	s0 =	simm.s32 @!p1 $0x0  }
0x14: {  	s2 =	sld [smem:$0x3F8A];
	s0 =	simm.s32 @p1 $0x1  }
0x15: {  	[smem:$0x3FA7] =	sst s0;
	s0 =	simm.s32 @!p2 $0x0  }
0x16: {  	s3 =	sld [smem:$0x3FDB];
	s0 =	simm.s32 @p2 $0x1  }
0x17: {  	s4 =	simm.s32 $0x1BF5;
	[smem:$0x3FA9] =	sst s0  }
0x18: {  	s0 =	sld [smem:$0x3F8C];
	_ =	swait.ge [sflag:s4], $0x0  }
0x19: {  	s7 =	sld [smem:$0x3F8D]  }
0x1a: {  	s8 =	sadd.s32 $0xFFFFE003, lr  }
0x1b: {  	s9 =	sadd.s32 $0xFFFFFEF7, lr;
	s5 =	simm.s32 $0xFFFFFFFF;
	p2 =	slt.u32 s8, $0xFFFFF086  }
0x1c: {  	p1 =	slt.u32 s9, $0xF7A;
	s5 =	simm.s32 @!p2 $0x0  }
0x1d: {  	s5 =	simm.s32 @p1 $0x1;
	p0 =	seq.s32 s7, s2  }
0x1e: {  	s7 =	smul.u32 @!p0 $0xF7A, s2;
	p2 =	seq.s32 @!p0 s5, $0x0  }
0x1f: {  	s9 =	smul.u32 $0xF7A, s1;
	s8 =	simm.s32 @!p0 $0x1BF5;
	p2 =	por !p2, p0  }
0x20: {  	[sflag:s8] =	ssyncset.s32 @!p0 $0xFFFFF086;
	s6 =	sadd.s32 @!p0 s3, s7;
	s7 =	simm.s32 @!p0 $0x108  }
0x21: {  	s3 =	sadd.s32 s3, s9;
	s6 =	sadd.s32 @!p0 $0x88, s6;
	s7 =	simm.s32 @p2 $0x1082  }
0x22: {  	[simem:s7], [sflag:s8] =	dma.local @!p0 [hbm:s6], $0xF7A  }
0x23: {  	s9 =	sor.u32 $0xD0000000, s2;
	s6 =	simm.s32 $0x108;
	_ =	swait.ge @!p0 [sflag:s8], $0x0  }
0x24: {  	s3 =	sadd.s32 $0x88, s3;
	s6 =	simm.s32 @!p1 $0x1082;
	[sflag:s4] =	ssyncset.s32 $0xFFFFF086  }
0x25: {  	[simem:s6], [sflag:s4] =	dma.local [hbm:s3], $0xF7A  }
0x26: {  	[smem:$0x3F8D] =	sst s1;
	(tag) =	ssettag s2;
	_ =	strace s9  }
0x27: {  	s1 =	sld [smem:$0x3F9D]  }
0x28: {  	s2 =	sld [smem:$0x3F9E]  }
0x29: {  	s4 =	sld [smem:$0x3FA0]  }
0x2a: {  	p0 =	seq.s32 s5, $0x0;
	s5 =	sld [smem:$0x3FA1]  }
0x2b: {  	s6 =	sld [smem:$0x3FA2]  }
0x2c: {  	s7 =	sld [smem:$0x3FA3]  }
0x2d: {  	s3 =	simm.s32 $0x108;
	s8 =	sld [smem:$0x3FA4]  }
0x2e: {  	s3 =	simm.s32 @!p0 $0x1082;
	s9 =	sld [smem:$0x3FA5]  }
0x2f: {  	lr =	sadd.s32 s0, s3;
	s0 =	sld [smem:$0x3F9C]  }
0x30: {  	s3 =	sld [smem:$0x3F9F]  }
0x31: {  	[smem:$0x3FA8] =	sst s10  }
0x32: {  	s10 =	sld [smem:$0x3FA6];
	_ =	sdelay $0x3  }
0x33: {  	p0 =	seq.s32 s10, $0x1;
	s10 =	sld [smem:$0x3FA8];
	_ =	sdelay $0x3  }
0x34: {  	[smem:$0x3FA8] =	sst s10  }
0x35: {  	s10 =	sld [smem:$0x3FA7];
	_ =	sdelay $0x3  }
0x36: {  	p1 =	seq.s32 s10, $0x1;
	s10 =	sld [smem:$0x3FA8];
	_ =	sdelay $0x3  }
0x37: {  	[smem:$0x3FA8] =	sst s10  }
0x38: {  	s10 =	sld [smem:$0x3FA9]  }
0x39: {  	_ = 	snop;
	(pc) =	sbr.ind lr, $3  }
0x3a: {  	_ = 	snop  }
0x3b: {  	_ = 	snop  }
0x3c: {  	p2 =	seq.s32 s10, $0x1;
	s10 =	sld [smem:$0x3FA8]  }
0x3d: {  	_ =	shalt  }
0x3e: {  	_ =	shalt  }
0x3f: {  	_ =	shalt  }
0x40: {  	_ =	shalt  }
0x41: {  	_ =	shalt  }
0x42: {  	_ =	shalt  }
0x43: {  	_ =	shalt  }
0x44: {  	_ =	shalt  }
0x45: {  	_ =	shalt  }
0x46: {  	_ =	shalt  }
0x47: {  	_ =	shalt  }
0x48: {  	_ =	shalt  }
0x49: {  	_ =	shalt  }
0x4a: {  	_ =	shalt  }
0x4b: {  	_ =	shalt  }
0x4c: {  	_ =	shalt  }
0x4d: {  	_ =	shalt  }
0x4e: {  	_ =	shalt  }
0x4f: {  	_ =	shalt  }
0x50: {  	_ =	shalt  }
0x51: {  	_ =	shalt  }
0x52: {  	_ =	shalt  }
0x53: {  	_ =	shalt  }
0x54: {  	_ =	shalt  }
0x55: {  	_ =	shalt  }
0x56: {  	_ =	shalt  }
0x57: {  	_ =	shalt  }
0x58: {  	_ =	shalt  }
0x59: {  	_ =	shalt  }
0x5a: {  	_ =	shalt  }
0x5b: {  	_ =	shalt  }
0x5c: {  	_ =	shalt  }
0x5d: {  	_ =	shalt  }
0x5e: {  	_ =	shalt  }
0x5f: {  	_ =	shalt  }
0x60: {  	_ =	shalt  }
0x61: {  	_ =	shalt  }
0x62: {  	_ =	shalt  }
0x63: {  	_ =	shalt  }
0x64: {  	_ =	shalt  }
0x65: {  	_ =	shalt  }
0x66: {  	_ =	shalt  }
0x67: {  	_ =	shalt  }
0x68: {  	_ =	shalt  }
0x69: {  	_ =	shalt  }
0x6a: {  	_ =	shalt  }
0x6b: {  	_ =	shalt  }
0x6c: {  	_ =	shalt  }
0x6d: {  	_ =	shalt  }
0x6e: {  	_ =	shalt  }
0x6f: {  	_ =	shalt  }
0x70: {  	_ =	shalt  }
0x71: {  	_ =	shalt  }
0x72: {  	_ =	shalt  }
0x73: {  	_ =	shalt  }
0x74: {  	_ =	shalt  }
0x75: {  	_ =	shalt  }
0x76: {  	_ =	shalt  }
0x77: {  	_ =	shalt  }
0x78: {  	_ =	shalt  }
0x79: {  	_ =	shalt  }
0x7a: {  	_ =	shalt  }
0x7b: {  	_ =	shalt  }
0x7c: {  	_ =	shalt  }
0x7d: {  	_ =	shalt  }
0x7e: {  	_ =	shalt  }
0x7f: {  	_ =	shalt  }
0x80: {  	_ =	shalt  }
0x81: {  	_ =	shalt  }
0x82: {  	_ =	shalt  }
0x83: {  	_ =	shalt  }
0x84: {  	_ =	shalt  }
0x85: {  	_ =	shalt  }
0x86: {  	_ =	shalt  }
0x87: {  	_ =	shalt  }
.Lfunc_end0:
.L_simem_size_0:
called_computation.1_lowered:
.L_overlay_start_0:
0x88: {  	s2 =	sld [smem:$0x3FD9]  }
0x89: {  	s3 =	sld [smem:$0x3FFE];
	_ =	sdelay $0x1  }
0x8a: {  	s1 =	srdreg.scid  }
0x8b: {  	s0 =	sand.u32 $0x1, s1  }
0x8c: {  	s14 =	sshll.u32 s0, $0xA;
	s2 =	sadd.s32 s3, s2  }
0x8d: {  	s2 =	sadd.s32 s2, s14  }
0x8e: {  	[smem:$0x3FB4] =	sst s2  }
0x8f: {  	_ = 	snop  }
0x90: {  	s2 =	sld [smem:$0x3FD0];
	_ =	sdelay $0x2  }
0x91: {  	s15 =	simm.s32 $0xA;
	s4 =	simm.s32 $0x10  }
0x92: {  	[smem:s4], [sflag:s15] =	dma.local [hbm:s2], $0x1  }
0x93: {  	_ =	swait.eq [sflag:s15], $0x1  }
0x94: {  	[sflag:s15] =	ssyncset.done $0x0  }
0x95: {  	s16 =	sld [smem:$0x10];
	[sflag:s15] =	ssyncadd.s32 $0xFFFFFFFF  }
0x96: {  	s17 =	sld [smem:$0x11];
	(tm) =	ssettm $0x1  }
0x97: {  	s18 =	sld [smem:$0x3FFB];
	_ =	sdelay $0x3  }
0x98: {  	_ =	strace s18  }
0x99: {  	s4 =	sld [smem:$0x3FFC];
	_ =	sdelay $0x3  }
0x9a: {  	_ =	strace s4  }
0x9b: {  	s4 =	sld [smem:$0x3FFD];
	_ =	sdelay $0x3  }
0x9c: {  	_ =	strace s4  }
0x9d: {  	_ =	strace $0x8FFFFFFF  }
0x9e: {  	s19 =	sld [smem:$0x3FDB];
	_ =	sdelay $0x1  }
0x9f: {  	s5 =	simm.s32 $_scs_section_size  }
0xa0: {  	s6 =	simm.s32 $_size__tile_overlayer_lowered;
	s7 =	simm.s32 $_tile_overlayer_lowered  }
0xa1: {  	s22 =	simm.s32 $0x1BFF;
	s21 =	sshll.u32 s7, $0x1;
	s4 =	sadd.s32 s5, s19  }
0xa2: {  	s8 =	simm.s32 $0x0;
	s20 =	sshll.u32 s6, $0x1;
	s6 =	sadd.s32 s21, s4  }
0xa3: {  	[timem:s8], [sflag:s22] =	dma.local [hbm:s6], s20  }
0xa4: {  	_ =	swait.ge [sflag:s22], s20  }
0xa5: {  	s5 =	ssub.s32 $0x0, s20;
	[sflag:s22] =	ssyncset.done $0x0  }
0xa6: {  	[sflag:s22] =	ssyncadd.s32 s5;
	_ =	sdelay $0x1  }
0xa7: {  	s23 =	simm.s32 $0x1B8B  }
0xa8: {  	_ =	swait.ge [sflag:s23], $0x1  }
0xa9: {  	[sflag:s23] =	ssyncset.done $0x0  }
0xaa: {  	s25 =	simm.s32 $0x1B8E;
	s24 =	sld [smem:$0x3FFE];
	[sflag:s23] =	ssyncadd.s32 $0xFFFFFFFF  }
0xab: {  	s26 =	simm.s32 $execute0_lowered;
	[smem:$0x3FD2] =	sst s25  }
0xac: {  	s6 =	sshll.u32 s26, $0x1;
	_ =	strace $0x80000049;
	[dreg:$0x1] =	wrdreg $0xFFFFFFFF  }
0xad: {  	s28 =	simm.s32 $_size_execute0_lowered;
	s4 =	sadd.s32 s4, s6;
	[dreg:$0x0] =	wrdreg $0x0  }
0xae: {  	s6 =	sshll.u32 s28, $0x1;
	[dreg:$0x2] =	wrdreg s4  }
0xaf: {  	[dreg:$0x3] =	wrdreg s6  }
0xb0: {  	[dreg:$0x4] =	wrdreg $0xC0  }
0xb1: {  	_ =	task [dreg:s8], $0x5FFFF  }
0xb2: {  	[dreg:$0x1] =	wrdreg $0xFFFFFFFF  }
0xb3: {  	[dreg:$0x0] =	wrdreg $0x60  }
0xb4: {  	[dreg:$0x2] =	wrdreg s17  }
0xb5: {  	[dreg:$0x3] =	wrdreg s16  }
0xb6: {  	[dreg:$0x4] =	wrdreg s24  }
0xb7: {  	[dreg:$0x5] =	wrdreg $0x11D000  }
0xb8: {  	[dreg:$0x6] =	wrdreg $0x9  }
0xb9: {  	_ =	task.clear_ibuf [dreg:s8], $0x7FFFF;
	_ =	strace $0x90000049  }
0xba: {  	s29 =	simm.s32 $0x9;
	_ =	strace $0x8000004B  }
0xbb: {  	_ =	swait.ge [sflag:s29], $0x1  }
0xbc: {  	[sflag:s29] =	ssyncadd.s32 $0xFFFFFFFF  }
0xbd: {  	_ =	strace $0x9000004B  }
0xbe: {  	_ =	sfence  }
0xbf: {  	s30 =	sld [smem:$0x0];
	_ =	sdelay $0x2  }
0xc0: {  	s31 =	sshll.u32 s1, $0xD;
	s1 =	sshrl.u32 s1, $0x2  }
0xc1: {  	s3 =	sand.u32 $0x4000, s31;
	s1 =	sadd.s32 s1, s30  }
0xc2: {  	s0 =	sor.u32 s3, s0;
	s1 =	sshll.u32 s1, $0x11  }
0xc3: {  	s0 =	sor.u32 s1, s0  }
0xc4: {  	s0 =	sadd.s32 $0x8F2B, s0  }
0xc5: {  	[sflag:s0] =	ssyncadd.remote.s32 $0x1  }
0xc6: {  	_ =	sfence.sel $0xFFFF  }
0xc7: {  	[dreg:$0x0] =	wrdreg $0xFFFFFFFF;
	(pc) =	sbr.abs _section_cstart, $3  }
0xc8: {  	[dreg:$0x1] =	wrdreg $0xFFFFFFFF  }
0xc9: {  	_ =	task.clear_ibuf [dreg:s8], $0x2FFFF;
	_ =	strace $0x9FFFFFFF  }
0xca: {  	(tm) =	ssettm $0x7FFFFFFF  }
0xcb: {  	_ =	shalt  }
tec
execute0_lowered:
.L_overlay_start_1:
0x0: {  	(tag) =	ssettag $0x1  }
0x1: {  	s1 =	rddreg [dreg:$0x0]  }
0x2: {  	s2 =	rddreg [dreg:$0x1]  }
0x3: {  	s0 =	rddreg [dreg:$0x2]  }
0x4: {  	s4 =	rddreg [dreg:$0x3];
	s5 =	simm.s32 $0x0  }
0x5: {  	s6 =	stileid.u32;
	s7 =	srdreg.scid;
	s16 =	simm.s32 $0x5000  }
0x6: {  	s28 =	simm.s32 $0x80;
	s29 =	simm.s32 $0xFDC0;
	s30 =	simm.s32 $0x2  }
0x7: {  	s31 =	simm.s32 $0x8;
	[smem:$0x7FF] =	sst s5;
	s3 =	smul.u32 $0x14000, s6  }
0x8: {  	s8 =	sadd.s32 $0x2C000, s0;
	s9 =	sand.u32 $0x1, s7;
	s10 =	smul.u32 $0x5000, s6  }
0x9: {  	s11 =	sadd.s32 $0x18000, s0;
	s7 =	sadd.s32 $0xBFA00, s0;
	s26 =	sshll.u32 s6, $0x6  }
0xa: {  	_ =	strace $0x8000004A;
	s13 =	ssub.s32 $0x2, s9;
	p0 =	seq.s32 s9, $0x1  }
0xb: {  	[dreg:$0xb] =	wrdreg s26;
	s15 =	sshrl.u32 s3, $0x4;
	s20 =	sshrl.u32 s13, $0x1  }
0xc: {  	s14 =	sshrl.u32 s10, $0x3;
	s3 =	sshrl.u32 s3, $0x1;
	s12 =	sadd.s32 s15, s0  }
0xd: {  	s0 =	ssub.s32 s13, s20;
	s21 =	sadd.s32 $0xA000, s14;
	s10 =	sadd.s32 s8, s14  }
0xe: {  	s22 =	sadd.s32 s3, s4;
	s23 =	sadd.s32 s11, s14;
	[dreg:$0x5] =	wrdreg s15  }
0xf: {  	s25 =	sadd.s32 $0x14000, s15;
	s15 =	simm.s32 $0x9;
	s3 =	sor.u32 $0x1C09, s26  }
0x10: {  	s20 =	simm.s32 $0x7D;
	s26 =	simm.s32 $0x1;
	s13 =	simm.s32 $0x7  }
0x11: {  	[dreg:$0x6] =	wrdreg s10;
	s8 =	sadd.s32 s8, s21;
	s10 =	sadd.s32 $0x4000, s12  }
.Ltmp0:
0x12: {  	[dreg:$0x8] =	wrdreg s23;
	s24 =	sadd.s32 s11, s21;
	(pc) =	sbr.rel .LBB2_1-.Ltmp0, $4  }
0x13: {  	[dreg:$0xa] =	wrdreg s25;
	s14 =	smax.u32 s0, $0x1;
	s19 =	sshrl.u32 s22, $0x3  }
0x14: {  	s21 =	simm.s32 $0xA000;
	s23 =	simm.s32 $0xBF40;
	s25 =	simm.s32 $0xDE80  }
0x15: {  	s0 =	simm.s32 $0x5;
	s11 =	simm.s32 $0x6;
	[dreg:$0x7] =	wrdreg s8  }
0x16: {  	s22 =	simm.s32 $0x4;
	[dreg:$0x9] =	wrdreg s24;
	s8 =	simm.s32 $0x3  }
.LBB2_8:
0x17: {  	s9 =	rddreg [dreg:$0xa];
	s18 =	smov.u32 s3  }
.LBB2_9:
0x18: {  	_ =	swait.ge [sflag:s0], $0x1F40  }
0x19: {  	[sflag:s0] =	ssyncset.done $0x0  }
0x1a: {  	[sflag:s0] =	ssyncadd.s32 $0xFFFFE0C0  }
0x1b: {  	_ =	swait.ge [sflag:s11], $0x1F40  }
0x1c: {  	[sflag:s11] =	ssyncset.done $0x0  }
0x1d: {  	[sflag:s11] =	ssyncadd.s32 $0xFFFFE0C0  }
0x1e: {  	_ =	swait.ge [sflag:s13], $0x1F40  }
0x1f: {  	[sflag:s13] =	ssyncset.done $0x0  }
0x20: {  	[sflag:s13] =	ssyncadd.s32 $0xFFFFE0C0  }
0x21: {  	_ =	swait.ge [sflag:s31], $0x1F40  }
0x22: {  	s5 =	sadd.s32 $0x1, s5;
	[sflag:s31] =	ssyncset.done $0x0  }
0x23: {  	p1 =	sne.s32 s5, s14;
	[sflag:s31] =	ssyncadd.s32 $0xFFFFE0C0  }
.Ltmp1:
0x24: {  	s6 =	sadd.s32 s7, s9;
	[bflag:$0x0] =	sbarrier.arrive $0xFFFF;
	(pc) =	sbr.rel @!p1 .LBB2_10-.Ltmp1, $4  }
0x25: {  	[hbm:s6], [sflag:s18] =	dma.local [spmem:s19], $0x1400  }
0x26: {  	_ =	swait.ge [sflag:s15], $0x1400  }
0x27: {  	[sflag:s15] =	ssyncset.done $0x0  }
0x28: {  	[sflag:s15] =	ssyncadd.s32 $0xFFFFEC00  }
.LBB2_1:
.Ltmp2:
0x29: {  	(pc) =	sbr.rel @!p0 .LBB2_2-.Ltmp2, $2  }
0x2a: {  	_ =	sdelay $0x2  }
0x2b: {  	s9 =	simm.s32 $0x0  }
0x2c: {  	s6 =	rddreg [dreg:$0x8]  }
0x2d: {  	[tilespmem:s9], [sflag:$0x9] =	stream.linear.gather [hbm4b:s6+s9], $0x5000, $0x38;
	[tilespmem:$0x1BD00] =	vst v63  }
0x2e: {  	_ =	swait.ge [sflag:s15], $0x5000  }
0x2f: {  	[sflag:s15] =	ssyncset.done $0x0  }
0x30: {  	s24 =	rddreg [dreg:$0x9];
	[sflag:s15] =	ssyncadd.s32 $0xFFFFB000  }
0x31: {  	[tilespmem:s16], [sflag:$0x9] =	stream.linear.gather [hbm4b:s24+s9], $0x5000, $0x38;
	[tilespmem:$0x1BD00] =	vst v63  }
0x32: {  	_ =	swait.ge [sflag:s15], $0x5000  }
0x33: {  	[sflag:s15] =	ssyncset.done $0x0  }
0x34: {  	[sflag:s15] =	ssyncadd.s32 $0xFFFFB000  }
0x35: {  	[spmem:s19], [sflag:s3] =	dma.local [hbm:s10], $0x1400  }
0x36: {  	_ =	swait.ge [sflag:s15], $0x1400  }
0x37: {  	[sflag:s15] =	ssyncset.done $0x0  }
0x38: {  	[sflag:s15] =	ssyncadd.s32 $0xFFFFEC00  }
0x39: {  	[bflag:$0x0] =	sbarrier.arrive $0xFFFF  }
0x3a: {  	[tilespmem:s21], [sflag:$0x1] =	stream.indirect.gather [hbm4b:s1+s20], $0x40, s9, s20, $0xb8;
	[tilespmem:$0x1BD00] =	vst v63  }
0x3b: {  	_ = 	snop  }
0x3c: {  	[tilespmem:s23], [sflag:$0x2] =	stream.indirect.gather [hbm4b:s1+s20], $0x40, s28, s20, $0xb8;
	[tilespmem:$0x1BD00] =	vst v63  }
0x3d: {  	s12 =	simm.s32 $0x100  }
0x3e: {  	[tilespmem:s25], [sflag:$0x3] =	stream.indirect.gather [hbm4b:s1+s20], $0x40, s12, s20, $0xb8;
	[tilespmem:$0x1BD00] =	vst v63  }
0x3f: {  	_ =	swait.ge [sflag:s26], $0x1F40  }
0x40: {  	[sflag:s26] =	ssyncset.done $0x0  }
0x41: {  	[sflag:s26] =	ssyncadd.s32 $0xFFFFE0C0  }
0x42: {  	[spmem:s4] =	stream.indirect.scatter.add.bf16 [tilespmem:s21], [sflag:$0x5], $0x40, s16, s20, $0xb8;
	[tilespmem:$0x1BD00] =	vst v63  }
0x43: {  	s17 =	simm.s32 $0x180  }
0x44: {  	[tilespmem:s29], [sflag:$0x4] =	stream.indirect.gather [hbm4b:s1+s20], $0x40, s17, s20, $0xb8;
	[tilespmem:$0x1BD00] =	vst v63  }
0x45: {  	_ =	swait.ge [sflag:s30], $0x1F40  }
0x46: {  	[sflag:s30] =	ssyncset.done $0x0  }
0x47: {  	s18 =	simm.s32 $0x5080;
	[sflag:s30] =	ssyncadd.s32 $0xFFFFE0C0  }
0x48: {  	[spmem:s4] =	stream.indirect.scatter.add.bf16 [tilespmem:s23], [sflag:$0x6], $0x40, s18, s20, $0xb8;
	[tilespmem:$0x1BD00] =	vst v63  }
0x49: {  	_ =	swait.ge [sflag:s0], $0x1F40  }
0x4a: {  	[sflag:s0] =	ssyncset.done $0x0  }
0x4b: {  	s24 =	simm.s32 $0x200;
	[sflag:s0] =	ssyncadd.s32 $0xFFFFE0C0  }
0x4c: {  	[tilespmem:s21], [sflag:$0x1] =	stream.indirect.gather [hbm4b:s1+s20], $0x40, s24, s20, $0xb8;
	[tilespmem:$0x1BD00] =	vst v63  }
0x4d: {  	_ =	swait.ge [sflag:s8], $0x1F40  }
0x4e: {  	[sflag:s8] =	ssyncset.done $0x0  }
0x4f: {  	s12 =	simm.s32 $0x5100;
	[sflag:s8] =	ssyncadd.s32 $0xFFFFE0C0  }
0x50: {  	[spmem:s4] =	stream.indirect.scatter.add.bf16 [tilespmem:s25], [sflag:$0x7], $0x40, s12, s20, $0xb8;
	[tilespmem:$0x1BD00] =	vst v63  }
0x51: {  	_ =	swait.ge [sflag:s11], $0x1F40  }
0x52: {  	[sflag:s11] =	ssyncset.done $0x0  }
0x53: {  	s17 =	simm.s32 $0x280;
	[sflag:s11] =	ssyncadd.s32 $0xFFFFE0C0  }
0x54: {  	[tilespmem:s23], [sflag:$0x2] =	stream.indirect.gather [hbm4b:s1+s20], $0x40, s17, s20, $0xb8;
	[tilespmem:$0x1BD00] =	vst v63  }
0x55: {  	_ =	swait.ge [sflag:s22], $0x1F40  }
0x56: {  	[sflag:s22] =	ssyncset.done $0x0  }
0x57: {  	s18 =	simm.s32 $0x5180;
	[sflag:s22] =	ssyncadd.s32 $0xFFFFE0C0  }
0x58: {  	[spmem:s4] =	stream.indirect.scatter.add.bf16 [tilespmem:s29], [sflag:$0x8], $0x40, s18, s20, $0xb8;
	[tilespmem:$0x1BD00] =	vst v63  }
0x59: {  	_ =	swait.ge [sflag:s13], $0x1F40  }
0x5a: {  	[sflag:s13] =	ssyncset.done $0x0  }
0x5b: {  	s24 =	simm.s32 $0x300;
	[sflag:s13] =	ssyncadd.s32 $0xFFFFE0C0  }
0x5c: {  	[tilespmem:s25], [sflag:$0x3] =	stream.indirect.gather [hbm4b:s1+s20], $0x40, s24, s20, $0xb8;
	[tilespmem:$0x1BD00] =	vst v63  }
.LBB2_7:
0x5d: {  	_ =	swait.ge [sflag:s26], $0x1F40  }
0x5e: {  	s12 =	sshra.s32 s9, $0x2;
	[sflag:s26] =	ssyncset.done $0x0  }
0x5f: {  	s6 =	sadd.s32 $0x5200, s12;
	[sflag:s26] =	ssyncadd.s32 $0xFFFFE0C0  }
0x60: {  	[spmem:s4] =	stream.indirect.scatter.add.bf16 [tilespmem:s21], [sflag:$0x5], $0x40, s6, s20, $0xb8;
	[tilespmem:$0x1BD00] =	vst v63  }
0x61: {  	_ =	swait.ge [sflag:s31], $0x1F40  }
0x62: {  	[sflag:s31] =	ssyncset.done $0x0  }
0x63: {  	s17 =	sadd.s32 $0x380, s12;
	[sflag:s31] =	ssyncadd.s32 $0xFFFFE0C0  }
0x64: {  	[tilespmem:s29], [sflag:$0x4] =	stream.indirect.gather [hbm4b:s1+s20], $0x40, s17, s20, $0xb8;
	[tilespmem:$0x1BD00] =	vst v63  }
0x65: {  	_ =	swait.ge [sflag:s30], $0x1F40  }
0x66: {  	p1 =	seq.s32 s9, $0x13000;
	[sflag:s30] =	ssyncset.done $0x0  }
0x67: {  	s18 =	sadd.s32 $0x5280, s12;
	s6 =	simm.s32 @p1 $0x3;
	[sflag:s30] =	ssyncadd.s32 $0xFFFFE0C0  }
0x68: {  	[spmem:s4] =	stream.indirect.scatter.add.bf16 [tilespmem:s23], [sflag:$0x6], $0x40, s18, s20, $0xb8;
	[tilespmem:$0x1BD00] =	vst v63  }
0x69: {  	_ =	swait.ge @p1 [sflag:s6], $0x1F40  }
0x6a: {  	[sflag:s6] =	ssyncset.done @p1 $0x0  }
0x6b: {  	[sflag:s6] =	ssyncadd.s32 @p1 $0xFFFFE0C0;
	s6 =	sshra.s32 @p1 s9, $0x2  }
0x6c: {  	s17 =	simm.s32 @p1 $0x7D;
	s18 =	simm.s32 @p1 $0xDE80;
	s6 =	sadd.s32 @p1 $0x5300, s6  }
0x6d: {  	[spmem:s4] =	stream.indirect.scatter.add.bf16 @p1 [tilespmem:s18], [sflag:$0x7], $0x40, s6, s17, $0xb8;
	[tilespmem:$0x1BD00] =	vst v63  }
0x6e: {  	s6 =	simm.s32 @!p1 $0x5  }
0x6f: {  	_ =	swait.ge @!p1 [sflag:s6], $0x1F40  }
0x70: {  	[sflag:s6] =	ssyncset.done @!p1 $0x0  }
0x71: {  	[sflag:s6] =	ssyncadd.s32 @!p1 $0xFFFFE0C0;
	s6 =	sshra.s32 @!p1 s9, $0x2  }
0x72: {  	s24 =	simm.s32 @!p1 $0xA000;
	s18 =	simm.s32 @!p1 $0x7D;
	s17 =	sadd.s32 @!p1 $0x400, s6  }
0x73: {  	[tilespmem:s24], [sflag:$0x1] =	stream.indirect.gather @!p1 [hbm4b:s1+s18], $0x40, s17, s18, $0xb8;
	[tilespmem:$0x1BD00] =	vst v63  }
0x74: {  	s17 =	simm.s32 @!p1 $0x3  }
0x75: {  	_ =	swait.ge @!p1 [sflag:s17], $0x1F40  }
0x76: {  	[sflag:s17] =	ssyncset.done @!p1 $0x0  }
0x77: {  	s24 =	simm.s32 @!p1 $0xDE80;
	[sflag:s17] =	ssyncadd.s32 @!p1 $0xFFFFE0C0;
	s17 =	sadd.s32 @!p1 $0x5300, s6  }
0x78: {  	[spmem:s4] =	stream.indirect.scatter.add.bf16 @!p1 [tilespmem:s24], [sflag:$0x7], $0x40, s17, s18, $0xb8;
	[tilespmem:$0x1BD00] =	vst v63  }
0x79: {  	s17 =	simm.s32 @!p1 $0x6  }
0x7a: {  	_ =	swait.ge @!p1 [sflag:s17], $0x1F40  }
0x7b: {  	[sflag:s17] =	ssyncset.done @!p1 $0x0  }
0x7c: {  	s6 =	sadd.s32 @!p1 $0x480, s6;
	[sflag:s17] =	ssyncadd.s32 @!p1 $0xFFFFE0C0;
	s17 =	simm.s32 @!p1 $0xBF40  }
0x7d: {  	[tilespmem:s17], [sflag:$0x2] =	stream.indirect.gather @!p1 [hbm4b:s1+s18], $0x40, s6, s18, $0xb8;
	[tilespmem:$0x1BD00] =	vst v63  }
.Ltmp3:
0x7e: {  	_ = 	snop;
	(pc) =	sbr.rel @p1 .LBB2_8-.Ltmp3, $4  }
0x7f: {  	_ =	swait.ge [sflag:s22], $0x1F40  }
0x80: {  	[sflag:s22] =	ssyncset.done $0x0  }
0x81: {  	s24 =	sadd.s32 $0x5380, s12;
	[sflag:s22] =	ssyncadd.s32 $0xFFFFE0C0  }
0x82: {  	[spmem:s4] =	stream.indirect.scatter.add.bf16 [tilespmem:s29], [sflag:$0x8], $0x40, s24, s20, $0xb8;
	[tilespmem:$0x1BD00] =	vst v63  }
.Ltmp4:
0x83: {  	(pc) =	sbr.rel .LBB2_7-.Ltmp4, $4  }
0x84: {  	_ =	swait.ge [sflag:s13], $0x1F40  }
0x85: {  	[sflag:s13] =	ssyncset.done $0x0  }
0x86: {  	s6 =	sadd.s32 $0x500, s12;
	s9 =	sadd.s32 $0x800, s9;
	[sflag:s13] =	ssyncadd.s32 $0xFFFFE0C0  }
0x87: {  	[tilespmem:s25], [sflag:$0x3] =	stream.indirect.gather [hbm4b:s1+s20], $0x40, s6, s20, $0xb8;
	[tilespmem:$0x1BD00] =	vst v63  }
.LBB2_2:
0x88: {  	s6 =	rddreg [dreg:$0x6]  }
0x89: {  	[tilespmem:s9], [sflag:$0x9] =	stream.linear.gather [hbm4b:s6+s9], $0x5000, $0x38;
	[tilespmem:$0x1BD00] =	vst v63  }
0x8a: {  	_ =	swait.ge [sflag:s15], $0x5000  }
0x8b: {  	[sflag:s15] =	ssyncset.done $0x0  }
0x8c: {  	s18 =	rddreg [dreg:$0x7];
	[sflag:s15] =	ssyncadd.s32 $0xFFFFB000  }
0x8d: {  	[tilespmem:s16], [sflag:$0x9] =	stream.linear.gather [hbm4b:s18+s9], $0x5000, $0x38;
	[tilespmem:$0x1BD00] =	vst v63  }
0x8e: {  	_ =	swait.ge [sflag:s15], $0x5000  }
0x8f: {  	[sflag:s15] =	ssyncset.done $0x0;
	s24 =	rddreg [dreg:$0xb]  }
0x90: {  	[sflag:s15] =	ssyncadd.s32 $0xFFFFB000;
	s18 =	sor.u32 $0x1C09, s24  }
0x91: {  	[spmem:s19], [sflag:s18] =	dma.local [hbm:s10], $0x1400  }
0x92: {  	_ =	swait.ge [sflag:s15], $0x1400  }
0x93: {  	[sflag:s15] =	ssyncset.done $0x0  }
0x94: {  	[sflag:s15] =	ssyncadd.s32 $0xFFFFEC00  }
0x95: {  	[bflag:$0x0] =	sbarrier.arrive $0xFFFF  }
0x96: {  	[tilespmem:s21], [sflag:$0x1] =	stream.indirect.gather [hbm4b:s2+s20], $0x40, s9, s20, $0xb8;
	[tilespmem:$0x1BD00] =	vst v63  }
0x97: {  	_ = 	snop  }
0x98: {  	[tilespmem:s23], [sflag:$0x2] =	stream.indirect.gather [hbm4b:s2+s20], $0x40, s28, s20, $0xb8;
	[tilespmem:$0x1BD00] =	vst v63  }
0x99: {  	s12 =	simm.s32 $0x100  }
0x9a: {  	[tilespmem:s25], [sflag:$0x3] =	stream.indirect.gather [hbm4b:s2+s20], $0x40, s12, s20, $0xb8;
	[tilespmem:$0x1BD00] =	vst v63  }
0x9b: {  	_ =	swait.ge [sflag:s26], $0x1F40  }
0x9c: {  	[sflag:s26] =	ssyncset.done $0x0  }
0x9d: {  	[sflag:s26] =	ssyncadd.s32 $0xFFFFE0C0  }
0x9e: {  	[spmem:s4] =	stream.indirect.scatter.add.bf16 [tilespmem:s21], [sflag:$0x5], $0x40, s16, s20, $0xb8;
	[tilespmem:$0x1BD00] =	vst v63  }
0x9f: {  	s17 =	simm.s32 $0x180  }
0xa0: {  	[tilespmem:s29], [sflag:$0x4] =	stream.indirect.gather [hbm4b:s2+s20], $0x40, s17, s20, $0xb8;
	[tilespmem:$0x1BD00] =	vst v63  }
0xa1: {  	_ =	swait.ge [sflag:s30], $0x1F40  }
0xa2: {  	[sflag:s30] =	ssyncset.done $0x0  }
0xa3: {  	s24 =	simm.s32 $0x5080;
	[sflag:s30] =	ssyncadd.s32 $0xFFFFE0C0  }
0xa4: {  	[spmem:s4] =	stream.indirect.scatter.add.bf16 [tilespmem:s23], [sflag:$0x6], $0x40, s24, s20, $0xb8;
	[tilespmem:$0x1BD00] =	vst v63  }
0xa5: {  	_ =	swait.ge [sflag:s0], $0x1F40  }
0xa6: {  	[sflag:s0] =	ssyncset.done $0x0  }
0xa7: {  	s28 =	simm.s32 $0x200;
	[sflag:s0] =	ssyncadd.s32 $0xFFFFE0C0  }
0xa8: {  	[tilespmem:s21], [sflag:$0x1] =	stream.indirect.gather [hbm4b:s2+s20], $0x40, s28, s20, $0xb8;
	[tilespmem:$0x1BD00] =	vst v63  }
0xa9: {  	_ =	swait.ge [sflag:s8], $0x1F40  }
0xaa: {  	[sflag:s8] =	ssyncset.done $0x0  }
0xab: {  	s12 =	simm.s32 $0x5100;
	[sflag:s8] =	ssyncadd.s32 $0xFFFFE0C0  }
0xac: {  	[spmem:s4] =	stream.indirect.scatter.add.bf16 [tilespmem:s25], [sflag:$0x7], $0x40, s12, s20, $0xb8;
	[tilespmem:$0x1BD00] =	vst v63  }
0xad: {  	_ =	swait.ge [sflag:s11], $0x1F40  }
0xae: {  	[sflag:s11] =	ssyncset.done $0x0  }
0xaf: {  	s17 =	simm.s32 $0x280;
	[sflag:s11] =	ssyncadd.s32 $0xFFFFE0C0  }
0xb0: {  	[tilespmem:s23], [sflag:$0x2] =	stream.indirect.gather [hbm4b:s2+s20], $0x40, s17, s20, $0xb8;
	[tilespmem:$0x1BD00] =	vst v63  }
0xb1: {  	_ =	swait.ge [sflag:s22], $0x1F40  }
0xb2: {  	[sflag:s22] =	ssyncset.done $0x0  }
0xb3: {  	s24 =	simm.s32 $0x5180;
	[sflag:s22] =	ssyncadd.s32 $0xFFFFE0C0  }
0xb4: {  	[spmem:s4] =	stream.indirect.scatter.add.bf16 [tilespmem:s29], [sflag:$0x8], $0x40, s24, s20, $0xb8;
	[tilespmem:$0x1BD00] =	vst v63  }
0xb5: {  	_ =	swait.ge [sflag:s13], $0x1F40  }
0xb6: {  	[sflag:s13] =	ssyncset.done $0x0  }
0xb7: {  	s28 =	simm.s32 $0x300;
	[sflag:s13] =	ssyncadd.s32 $0xFFFFE0C0  }
0xb8: {  	[tilespmem:s25], [sflag:$0x3] =	stream.indirect.gather [hbm4b:s2+s20], $0x40, s28, s20, $0xb8;
	[tilespmem:$0x1BD00] =	vst v63  }
.LBB2_3:
0xb9: {  	_ =	swait.ge [sflag:s26], $0x1F40  }
0xba: {  	s12 =	sshra.s32 s9, $0x2;
	[sflag:s26] =	ssyncset.done $0x0  }
0xbb: {  	s24 =	sadd.s32 $0x5200, s12;
	[sflag:s26] =	ssyncadd.s32 $0xFFFFE0C0  }
0xbc: {  	[spmem:s4] =	stream.indirect.scatter.add.bf16 [tilespmem:s21], [sflag:$0x5], $0x40, s24, s20, $0xb8;
	[tilespmem:$0x1BD00] =	vst v63  }
0xbd: {  	_ =	swait.ge [sflag:s31], $0x1F40  }
0xbe: {  	[sflag:s31] =	ssyncset.done $0x0  }
0xbf: {  	s6 =	sadd.s32 $0x380, s12;
	[sflag:s31] =	ssyncadd.s32 $0xFFFFE0C0  }
0xc0: {  	[tilespmem:s29], [sflag:$0x4] =	stream.indirect.gather [hbm4b:s2+s20], $0x40, s6, s20, $0xb8;
	[tilespmem:$0x1BD00] =	vst v63  }
0xc1: {  	_ =	swait.ge [sflag:s30], $0x1F40  }
0xc2: {  	p1 =	seq.s32 s9, $0x13000;
	[sflag:s30] =	ssyncset.done $0x0  }
0xc3: {  	s17 =	sadd.s32 $0x5280, s12;
	s24 =	simm.s32 @p1 $0x3;
	[sflag:s30] =	ssyncadd.s32 $0xFFFFE0C0  }
0xc4: {  	[spmem:s4] =	stream.indirect.scatter.add.bf16 [tilespmem:s23], [sflag:$0x6], $0x40, s17, s20, $0xb8;
	[tilespmem:$0x1BD00] =	vst v63  }
0xc5: {  	_ =	swait.ge @p1 [sflag:s24], $0x1F40  }
0xc6: {  	[sflag:s24] =	ssyncset.done @p1 $0x0  }
0xc7: {  	[sflag:s24] =	ssyncadd.s32 @p1 $0xFFFFE0C0;
	s24 =	sshra.s32 @p1 s9, $0x2  }
0xc8: {  	s28 =	simm.s32 @p1 $0x7D;
	s6 =	simm.s32 @p1 $0xDE80;
	s24 =	sadd.s32 @p1 $0x5300, s24  }
0xc9: {  	[spmem:s4] =	stream.indirect.scatter.add.bf16 @p1 [tilespmem:s6], [sflag:$0x7], $0x40, s24, s28, $0xb8;
	[tilespmem:$0x1BD00] =	vst v63  }
0xca: {  	s6 =	simm.s32 @!p1 $0x5  }
0xcb: {  	_ =	swait.ge @!p1 [sflag:s6], $0x1F40  }
0xcc: {  	[sflag:s6] =	ssyncset.done @!p1 $0x0  }
0xcd: {  	[sflag:s6] =	ssyncadd.s32 @!p1 $0xFFFFE0C0;
	s6 =	sshra.s32 @!p1 s9, $0x2  }
0xce: {  	s17 =	simm.s32 @!p1 $0xA000;
	s28 =	simm.s32 @!p1 $0x7D;
	s24 =	sadd.s32 @!p1 $0x400, s6  }
0xcf: {  	[tilespmem:s17], [sflag:$0x1] =	stream.indirect.gather @!p1 [hbm4b:s2+s28], $0x40, s24, s28, $0xb8;
	[tilespmem:$0x1BD00] =	vst v63  }
0xd0: {  	s17 =	simm.s32 @!p1 $0x3  }
0xd1: {  	_ =	swait.ge @!p1 [sflag:s17], $0x1F40  }
0xd2: {  	[sflag:s17] =	ssyncset.done @!p1 $0x0  }
0xd3: {  	s24 =	simm.s32 @!p1 $0xDE80;
	[sflag:s17] =	ssyncadd.s32 @!p1 $0xFFFFE0C0;
	s17 =	sadd.s32 @!p1 $0x5300, s6  }
0xd4: {  	[spmem:s4] =	stream.indirect.scatter.add.bf16 @!p1 [tilespmem:s24], [sflag:$0x7], $0x40, s17, s28, $0xb8;
	[tilespmem:$0x1BD00] =	vst v63  }
0xd5: {  	s17 =	simm.s32 @!p1 $0x6  }
0xd6: {  	_ =	swait.ge @!p1 [sflag:s17], $0x1F40  }
0xd7: {  	[sflag:s17] =	ssyncset.done @!p1 $0x0  }
0xd8: {  	s6 =	sadd.s32 @!p1 $0x480, s6;
	[sflag:s17] =	ssyncadd.s32 @!p1 $0xFFFFE0C0;
	s17 =	simm.s32 @!p1 $0xBF40  }
0xd9: {  	[tilespmem:s17], [sflag:$0x2] =	stream.indirect.gather @!p1 [hbm4b:s2+s28], $0x40, s6, s28, $0xb8;
	[tilespmem:$0x1BD00] =	vst v63  }
.Ltmp5:
0xda: {  	_ = 	snop;
	(pc) =	sbr.rel @p1 .LBB2_4-.Ltmp5, $4  }
0xdb: {  	_ =	swait.ge [sflag:s22], $0x1F40  }
0xdc: {  	[sflag:s22] =	ssyncset.done $0x0  }
0xdd: {  	s28 =	sadd.s32 $0x5380, s12;
	[sflag:s22] =	ssyncadd.s32 $0xFFFFE0C0  }
0xde: {  	[spmem:s4] =	stream.indirect.scatter.add.bf16 [tilespmem:s29], [sflag:$0x8], $0x40, s28, s20, $0xb8;
	[tilespmem:$0x1BD00] =	vst v63  }
.Ltmp6:
0xdf: {  	(pc) =	sbr.rel .LBB2_3-.Ltmp6, $4  }
0xe0: {  	_ =	swait.ge [sflag:s13], $0x1F40  }
0xe1: {  	[sflag:s13] =	ssyncset.done $0x0  }
0xe2: {  	s6 =	sadd.s32 $0x500, s12;
	s9 =	sadd.s32 $0x800, s9;
	[sflag:s13] =	ssyncadd.s32 $0xFFFFE0C0  }
0xe3: {  	[tilespmem:s25], [sflag:$0x3] =	stream.indirect.gather [hbm4b:s2+s20], $0x40, s6, s20, $0xb8;
	[tilespmem:$0x1BD00] =	vst v63  }
.LBB2_4:
.Ltmp7:
0xe4: {  	(pc) =	sbr.rel .LBB2_9-.Ltmp7, $2  }
0xe5: {  	_ =	sdelay $0x2  }
0xe6: {  	s9 =	rddreg [dreg:$0x5];
	s28 =	simm.s32 $0x80  }
.LBB2_10:
0xe7: {  	_ =	sfence.sel $0x180000  }
0xe8: {  	[bflag:$0x0] =	sbarrier.arrive $0xFFFF  }
0xe9: {  	_ =	strace $0x9000004A  }
0xea: {  	s0 =	stileid.u32;
	[bflag:$0x2] =	sbarrier.arrive $0xFFFF  }
0xeb: {  	p0 =	sne.s32 s0, $0x0;
	s0 =	rddreg [dreg:$0x4]  }
0xec: {  	s0 =	sadd.s32 @!p0 $0x100000, s0  }
0xed: {  	[sflag:s0] =	ssyncadd.tile.s32 @!p0 $0x1;
	_ =	shalt  }
.Lfunc_end2:
_tile_overlayer_lowered:
.L_overlay_start_2:
0xee: {  	(tag) =	ssettag $0x2  }
0xef: {  	s0 =	rddreg [dreg:$0x0];
	s2 =	stileid.u32  }
0xf0: {  	s1 =	rddreg [dreg:$0x1];
	p0 =	sne.s32 s2, $0x0  }
0xf1: {  	s3 =	rddreg [dreg:$0x2];
	[bflag:$0x3] =	sbarrier.arrive $0xFFFF;
	s2 =	simm.s32 @!p0 $0x1C09  }
0xf2: {  	[timem:s3], [sflag:s2] =	dma.local @!p0 [hbm:s0], s1  }
0xf3: {  	s0 =	simm.s32 @!p0 $0x9  }
0xf4: {  	_ =	swait.ge @!p0 [sflag:s0], s1  }
0xf5: {  	s1 =	ssub.s32 @!p0 $0x0, s1;
	[sflag:s0] =	ssyncset.done @!p0 $0x0  }
0xf6: {  	[sflag:s0] =	ssyncadd.s32 @!p0 s1  }
0xf7: {  	[bflag:$0x3] =	sbarrier.arrive $0xFFFF  }
0xf8: {  	_ =	shalt  }

// kernel: kernel.8.cloned.1.call-start
scs
__scs_entry_jumppad:
0x0: {  	(pc) =	sbr.rel $0x88, $3  }
0x1: {  	(tag) =	ssettag $0x0;
	lr =	simm.s32 $0x1  }
0x2: {  	[smem:$0x3F8D] =	sst lr;
	_ =	strace $0xD0000000  }
0x3: {  	_ = 	snop  }
0x4: {  	_ = 	snop  }
0x5: {  	_ = 	snop  }
0x6: {  	_ = 	snop  }
0x7: {  	_ = 	snop  }
__scs_overlays_trampoline_lowered:
0x8: {  	[smem:$0x3F9C] =	sst s0  }
0x9: {  	[smem:$0x3F9D] =	sst s1  }
0xa: {  	[smem:$0x3F9E] =	sst s2  }
0xb: {  	[smem:$0x3F9F] =	sst s3  }
0xc: {  	[smem:$0x3FA0] =	sst s4  }
0xd: {  	[smem:$0x3FA1] =	sst s5  }
0xe: {  	[smem:$0x3FA2] =	sst s6  }
0xf: {  	[smem:$0x3FA3] =	sst s7  }
0x10: {  	[smem:$0x3FA4] =	sst s8  }
0x11: {  	[smem:$0x3FA5] =	sst s9;
	s0 =	simm.s32 @!p0 $0x0  }
0x12: {  	s1 =	sld [smem:$0x3F8B];
	s0 =	simm.s32 @p0 $0x1  }
0x13: {  	[smem:$0x3FA6] =	sst s0;
	s0 =	simm.s32 @!p1 $0x0  }
0x14: {  	s2 =	sld [smem:$0x3F8A];
	s0 =	simm.s32 @p1 $0x1  }
0x15: {  	[smem:$0x3FA7] =	sst s0;
	s0 =	simm.s32 @!p2 $0x0  }
0x16: {  	s3 =	sld [smem:$0x3FDB];
	s0 =	simm.s32 @p2 $0x1  }
0x17: {  	s4 =	simm.s32 $0x1BF5;
	[smem:$0x3FA9] =	sst s0  }
0x18: {  	s0 =	sld [smem:$0x3F8C];
	_ =	swait.ge [sflag:s4], $0x0  }
0x19: {  	s7 =	sld [smem:$0x3F8D]  }
0x1a: {  	s8 =	sadd.s32 $0xFFFFE003, lr  }
0x1b: {  	s9 =	sadd.s32 $0xFFFFFEF7, lr;
	s5 =	simm.s32 $0xFFFFFFFF;
	p2 =	slt.u32 s8, $0xFFFFF086  }
0x1c: {  	p1 =	slt.u32 s9, $0xF7A;
	s5 =	simm.s32 @!p2 $0x0  }
0x1d: {  	s5 =	simm.s32 @p1 $0x1;
	p0 =	seq.s32 s7, s2  }
0x1e: {  	s7 =	smul.u32 @!p0 $0xF7A, s2;
	p2 =	seq.s32 @!p0 s5, $0x0  }
0x1f: {  	s9 =	smul.u32 $0xF7A, s1;
	s8 =	simm.s32 @!p0 $0x1BF5;
	p2 =	por !p2, p0  }
0x20: {  	[sflag:s8] =	ssyncset.s32 @!p0 $0xFFFFF086;
	s6 =	sadd.s32 @!p0 s3, s7;
	s7 =	simm.s32 @!p0 $0x108  }
0x21: {  	s3 =	sadd.s32 s3, s9;
	s6 =	sadd.s32 @!p0 $0x88, s6;
	s7 =	simm.s32 @p2 $0x1082  }
0x22: {  	[simem:s7], [sflag:s8] =	dma.local @!p0 [hbm:s6], $0xF7A  }
0x23: {  	s9 =	sor.u32 $0xD0000000, s2;
	s6 =	simm.s32 $0x108;
	_ =	swait.ge @!p0 [sflag:s8], $0x0  }
0x24: {  	s3 =	sadd.s32 $0x88, s3;
	s6 =	simm.s32 @!p1 $0x1082;
	[sflag:s4] =	ssyncset.s32 $0xFFFFF086  }
0x25: {  	[simem:s6], [sflag:s4] =	dma.local [hbm:s3], $0xF7A  }
0x26: {  	[smem:$0x3F8D] =	sst s1;
	(tag) =	ssettag s2;
	_ =	strace s9  }
0x27: {  	s1 =	sld [smem:$0x3F9D]  }
0x28: {  	s2 =	sld [smem:$0x3F9E]  }
0x29: {  	s4 =	sld [smem:$0x3FA0]  }
0x2a: {  	p0 =	seq.s32 s5, $0x0;
	s5 =	sld [smem:$0x3FA1]  }
0x2b: {  	s6 =	sld [smem:$0x3FA2]  }
0x2c: {  	s7 =	sld [smem:$0x3FA3]  }
0x2d: {  	s3 =	simm.s32 $0x108;
	s8 =	sld [smem:$0x3FA4]  }
0x2e: {  	s3 =	simm.s32 @!p0 $0x1082;
	s9 =	sld [smem:$0x3FA5]  }
0x2f: {  	lr =	sadd.s32 s0, s3;
	s0 =	sld [smem:$0x3F9C]  }
0x30: {  	s3 =	sld [smem:$0x3F9F]  }
0x31: {  	[smem:$0x3FA8] =	sst s10  }
0x32: {  	s10 =	sld [smem:$0x3FA6];
	_ =	sdelay $0x3  }
0x33: {  	p0 =	seq.s32 s10, $0x1;
	s10 =	sld [smem:$0x3FA8];
	_ =	sdelay $0x3  }
0x34: {  	[smem:$0x3FA8] =	sst s10  }
0x35: {  	s10 =	sld [smem:$0x3FA7];
	_ =	sdelay $0x3  }
0x36: {  	p1 =	seq.s32 s10, $0x1;
	s10 =	sld [smem:$0x3FA8];
	_ =	sdelay $0x3  }
0x37: {  	[smem:$0x3FA8] =	sst s10  }
0x38: {  	s10 =	sld [smem:$0x3FA9]  }
0x39: {  	_ = 	snop;
	(pc) =	sbr.ind lr, $3  }
0x3a: {  	_ = 	snop  }
0x3b: {  	_ = 	snop  }
0x3c: {  	p2 =	seq.s32 s10, $0x1;
	s10 =	sld [smem:$0x3FA8]  }
0x3d: {  	_ =	shalt  }
0x3e: {  	_ =	shalt  }
0x3f: {  	_ =	shalt  }
0x40: {  	_ =	shalt  }
0x41: {  	_ =	shalt  }
0x42: {  	_ =	shalt  }
0x43: {  	_ =	shalt  }
0x44: {  	_ =	shalt  }
0x45: {  	_ =	shalt  }
0x46: {  	_ =	shalt  }
0x47: {  	_ =	shalt  }
0x48: {  	_ =	shalt  }
0x49: {  	_ =	shalt  }
0x4a: {  	_ =	shalt  }
0x4b: {  	_ =	shalt  }
0x4c: {  	_ =	shalt  }
0x4d: {  	_ =	shalt  }
0x4e: {  	_ =	shalt  }
0x4f: {  	_ =	shalt  }
0x50: {  	_ =	shalt  }
0x51: {  	_ =	shalt  }
0x52: {  	_ =	shalt  }
0x53: {  	_ =	shalt  }
0x54: {  	_ =	shalt  }
0x55: {  	_ =	shalt  }
0x56: {  	_ =	shalt  }
0x57: {  	_ =	shalt  }
0x58: {  	_ =	shalt  }
0x59: {  	_ =	shalt  }
0x5a: {  	_ =	shalt  }
0x5b: {  	_ =	shalt  }
0x5c: {  	_ =	shalt  }
0x5d: {  	_ =	shalt  }
0x5e: {  	_ =	shalt  }
0x5f: {  	_ =	shalt  }
0x60: {  	_ =	shalt  }
0x61: {  	_ =	shalt  }
0x62: {  	_ =	shalt  }
0x63: {  	_ =	shalt  }
0x64: {  	_ =	shalt  }
0x65: {  	_ =	shalt  }
0x66: {  	_ =	shalt  }
0x67: {  	_ =	shalt  }
0x68: {  	_ =	shalt  }
0x69: {  	_ =	shalt  }
0x6a: {  	_ =	shalt  }
0x6b: {  	_ =	shalt  }
0x6c: {  	_ =	shalt  }
0x6d: {  	_ =	shalt  }
0x6e: {  	_ =	shalt  }
0x6f: {  	_ =	shalt  }
0x70: {  	_ =	shalt  }
0x71: {  	_ =	shalt  }
0x72: {  	_ =	shalt  }
0x73: {  	_ =	shalt  }
0x74: {  	_ =	shalt  }
0x75: {  	_ =	shalt  }
0x76: {  	_ =	shalt  }
0x77: {  	_ =	shalt  }
0x78: {  	_ =	shalt  }
0x79: {  	_ =	shalt  }
0x7a: {  	_ =	shalt  }
0x7b: {  	_ =	shalt  }
0x7c: {  	_ =	shalt  }
0x7d: {  	_ =	shalt  }
0x7e: {  	_ =	shalt  }
0x7f: {  	_ =	shalt  }
0x80: {  	_ =	shalt  }
0x81: {  	_ =	shalt  }
0x82: {  	_ =	shalt  }
0x83: {  	_ =	shalt  }
0x84: {  	_ =	shalt  }
0x85: {  	_ =	shalt  }
0x86: {  	_ =	shalt  }
0x87: {  	_ =	shalt  }
.Lfunc_end0:
.L_simem_size_0:
called_computation_lowered:
.L_overlay_start_0:
0x88: {  	s2 =	sld [smem:$0x3FD9]  }
0x89: {  	s3 =	sld [smem:$0x3FFE];
	_ =	sdelay $0x1  }
0x8a: {  	s1 =	srdreg.scid  }
0x8b: {  	s0 =	sand.u32 $0x1, s1  }
0x8c: {  	s14 =	sshll.u32 s0, $0xA;
	s2 =	sadd.s32 s3, s2  }
0x8d: {  	s2 =	sadd.s32 s2, s14  }
0x8e: {  	[smem:$0x3FB4] =	sst s2  }
0x8f: {  	_ = 	snop  }
0x90: {  	s2 =	sld [smem:$0x3FD0];
	_ =	sdelay $0x2  }
0x91: {  	s15 =	simm.s32 $0xA;
	s4 =	simm.s32 $0x10  }
0x92: {  	[smem:s4], [sflag:s15] =	dma.local [hbm:s2], $0x1  }
0x93: {  	_ =	swait.eq [sflag:s15], $0x1  }
0x94: {  	[sflag:s15] =	ssyncset.done $0x0  }
0x95: {  	s16 =	sld [smem:$0x10];
	[sflag:s15] =	ssyncadd.s32 $0xFFFFFFFF  }
0x96: {  	s17 =	sld [smem:$0x11];
	(tm) =	ssettm $0x1  }
0x97: {  	s18 =	sld [smem:$0x3FFB];
	_ =	sdelay $0x3  }
0x98: {  	_ =	strace s18  }
0x99: {  	s4 =	sld [smem:$0x3FFC];
	_ =	sdelay $0x3  }
0x9a: {  	_ =	strace s4  }
0x9b: {  	s4 =	sld [smem:$0x3FFD];
	_ =	sdelay $0x3  }
0x9c: {  	_ =	strace s4  }
0x9d: {  	_ =	strace $0x8FFFFFFF  }
0x9e: {  	s19 =	sld [smem:$0x3FDB];
	_ =	sdelay $0x1  }
0x9f: {  	s5 =	simm.s32 $_scs_section_size  }
0xa0: {  	s6 =	simm.s32 $_size__tile_overlayer_lowered;
	s7 =	simm.s32 $_tile_overlayer_lowered  }
0xa1: {  	s22 =	simm.s32 $0x1BFF;
	s21 =	sshll.u32 s7, $0x1;
	s4 =	sadd.s32 s5, s19  }
0xa2: {  	s8 =	simm.s32 $0x0;
	s20 =	sshll.u32 s6, $0x1;
	s6 =	sadd.s32 s21, s4  }
0xa3: {  	[timem:s8], [sflag:s22] =	dma.local [hbm:s6], s20  }
0xa4: {  	_ =	swait.ge [sflag:s22], s20  }
0xa5: {  	s5 =	ssub.s32 $0x0, s20;
	[sflag:s22] =	ssyncset.done $0x0  }
0xa6: {  	[sflag:s22] =	ssyncadd.s32 s5;
	_ =	sdelay $0x1  }
0xa7: {  	s23 =	simm.s32 $0x1B8B  }
0xa8: {  	_ =	swait.ge [sflag:s23], $0x1  }
0xa9: {  	[sflag:s23] =	ssyncset.done $0x0  }
0xaa: {  	s25 =	simm.s32 $0x1B8E;
	s24 =	sld [smem:$0x3FFE];
	[sflag:s23] =	ssyncadd.s32 $0xFFFFFFFF  }
0xab: {  	s26 =	simm.s32 $execute0_lowered;
	[smem:$0x3FD2] =	sst s25  }
0xac: {  	s6 =	sshll.u32 s26, $0x1;
	_ =	strace $0x80000046;
	[dreg:$0x1] =	wrdreg $0xFFFFFFFF  }
0xad: {  	s28 =	simm.s32 $_size_execute0_lowered;
	s4 =	sadd.s32 s4, s6;
	[dreg:$0x0] =	wrdreg $0x0  }
0xae: {  	s6 =	sshll.u32 s28, $0x1;
	[dreg:$0x2] =	wrdreg s4  }
0xaf: {  	[dreg:$0x3] =	wrdreg s6  }
0xb0: {  	[dreg:$0x4] =	wrdreg $0xC0  }
0xb1: {  	_ =	task [dreg:s8], $0x5FFFF  }
0xb2: {  	[dreg:$0x1] =	wrdreg $0xFFFFFFFF  }
0xb3: {  	[dreg:$0x0] =	wrdreg $0x60  }
0xb4: {  	[dreg:$0x2] =	wrdreg s17  }
0xb5: {  	[dreg:$0x3] =	wrdreg s16  }
0xb6: {  	[dreg:$0x4] =	wrdreg s24  }
0xb7: {  	[dreg:$0x5] =	wrdreg $0x120E80  }
0xb8: {  	[dreg:$0x6] =	wrdreg $0x1C0E80  }
0xb9: {  	[dreg:$0x7] =	wrdreg $0x9  }
0xba: {  	_ =	task.clear_ibuf [dreg:s8], $0x8FFFF;
	_ =	strace $0x90000046  }
0xbb: {  	s29 =	simm.s32 $0x9;
	_ =	strace $0x80000048  }
0xbc: {  	_ =	swait.ge [sflag:s29], $0x1  }
0xbd: {  	[sflag:s29] =	ssyncadd.s32 $0xFFFFFFFF  }
0xbe: {  	_ =	strace $0x90000048  }
0xbf: {  	_ =	sfence  }
0xc0: {  	s30 =	sld [smem:$0x0];
	_ =	sdelay $0x2  }
0xc1: {  	s31 =	sshll.u32 s1, $0xD;
	s1 =	sshrl.u32 s1, $0x2  }
0xc2: {  	s3 =	sand.u32 $0x4000, s31;
	s1 =	sadd.s32 s1, s30  }
0xc3: {  	s0 =	sor.u32 s3, s0;
	s1 =	sshll.u32 s1, $0x11  }
0xc4: {  	s0 =	sor.u32 s1, s0  }
0xc5: {  	s0 =	sadd.s32 $0x8F2B, s0  }
0xc6: {  	[sflag:s0] =	ssyncadd.remote.s32 $0x1  }
0xc7: {  	_ =	sfence.sel $0xFFFF  }
0xc8: {  	[dreg:$0x0] =	wrdreg $0xFFFFFFFF;
	(pc) =	sbr.abs _section_cstart, $3  }
0xc9: {  	[dreg:$0x1] =	wrdreg $0xFFFFFFFF  }
0xca: {  	_ =	task.clear_ibuf [dreg:s8], $0x2FFFF;
	_ =	strace $0x9FFFFFFF  }
0xcb: {  	(tm) =	ssettm $0x7FFFFFFF  }
tec
execute0_lowered:
.L_overlay_start_1:
0x0: {  	(tag) =	ssettag $0x1  }
0x1: {  	s1 =	rddreg [dreg:$0x0]  }
0x2: {  	s3 =	rddreg [dreg:$0x1]  }
0x3: {  	s0 =	rddreg [dreg:$0x2]  }
0x4: {  	s4 =	rddreg [dreg:$0x3]  }
0x5: {  	s5 =	rddreg [dreg:$0x4];
	s14 =	stileid.u32;
	s6 =	simm.s32 $0x0  }
0x6: {  	s10 =	srdreg.scid;
	s28 =	simm.s32 $0xA000;
	s30 =	simm.s32 $0xBF40  }
0x7: {  	s29 =	simm.s32 $0xFDC0;
	s31 =	simm.s32 $0x2;
	s2 =	smul.u32 $0x14000, s14  }
0x8: {  	[smem:$0x7FF] =	sst s6;
	s7 =	smul.u32 $0x1400, s14;
	s8 =	sadd.s32 $0x2C000, s0  }
0x9: {  	s9 =	sadd.s32 $0x18000, s0;
	s10 =	sand.u32 $0x1, s10;
	s13 =	sadd.s32 $0x42800, s0  }
0xa: {  	s16 =	sadd.s32 $0x47A00, s0;
	_ =	strace $0x80000047;
	[dreg:$0x8] =	wrdreg s13  }
0xb: {  	s14 =	smul.u32 $0x5000, s14;
	s26 =	ssub.s32 $0x2, s10;
	[dreg:$0x9] =	wrdreg s16  }
0xc: {  	p0 =	seq.s32 s10, $0x1;
	s13 =	simm.s32 $0x3;
	s10 =	simm.s32 $0x9  }
0xd: {  	s15 =	sshrl.u32 s2, $0x4;
	s17 =	sshrl.u32 s7, $0x3;
	s16 =	sshrl.u32 s26, $0x1  }
0xe: {  	s18 =	sshrl.u32 s14, $0x3;
	s2 =	sshrl.u32 s2, $0x1;
	s11 =	sadd.s32 s15, s0  }
0xf: {  	s12 =	sadd.s32 s17, s0;
	s0 =	sadd.s32 $0x42A00, s0;
	[dreg:$0x6] =	wrdreg s15  }
0x10: {  	s19 =	sadd.s32 s8, s18;
	s20 =	sadd.s32 $0xA000, s18;
	[dreg:$0x7] =	wrdreg s17  }
0x11: {  	s14 =	sadd.s32 s2, s4;
	s23 =	sadd.s32 s9, s18;
	[dreg:$0xa] =	wrdreg s0  }
0x12: {  	s25 =	sadd.s32 $0x14000, s15;
	s2 =	simm.s32 $0x5;
	[dreg:$0xb] =	wrdreg s19  }
0x13: {  	s0 =	ssub.s32 s26, s16;
	s8 =	sadd.s32 s8, s20;
	[dreg:$0xf] =	wrdreg s23  }
0x14: {  	s21 =	sadd.s32 $0x4000, s11;
	s16 =	sadd.s32 s7, s5;
	[dreg:$0x11] =	wrdreg s25  }
0x15: {  	s22 =	sadd.s32 $0x40000, s12;
	s24 =	sadd.s32 s9, s20;
	[dreg:$0xc] =	wrdreg s8  }
0x16: {  	s26 =	sadd.s32 $0x2800, s17;
	s23 =	simm.s32 $0xA;
	[dreg:$0xd] =	wrdreg s21  }
.Ltmp0:
0x17: {  	s25 =	simm.s32 $0x11D00;
	[dreg:$0xe] =	wrdreg s22;
	(pc) =	sbr.rel .LBB2_1-.Ltmp0, $4  }
0x18: {  	s12 =	simm.s32 $0x1;
	s19 =	simm.s32 $0x4;
	[dreg:$0x10] =	wrdreg s24  }
0x19: {  	s9 =	simm.s32 $0x8;
	[dreg:$0x12] =	wrdreg s26;
	s0 =	smax.u32 s0, $0x1  }
0x1a: {  	s24 =	simm.s32 $0x5000;
	s26 =	simm.s32 $0x7D;
	s21 =	simm.s32 $0x6  }
0x1b: {  	s8 =	simm.s32 $0x7;
	[dreg:$0x13] =	wrdreg s0;
	s0 =	simm.s32 $0xDE80  }
.LBB2_13:
0x1c: {  	s17 =	rddreg [dreg:$0x11]  }
0x1d: {  	[sflag:s10] =	ssyncadd.s32 $0xFFFFFC18;
	s15 =	rddreg [dreg:$0x12]  }
.LBB2_14:
0x1e: {  	s7 =	rddreg [dreg:$0x9]  }
0x1f: {  	[bflag:$0x0] =	sbarrier.arrive $0xFFFF;
	s22 =	sshrl.u32 s14, $0x3;
	s7 =	sadd.s32 s7, s17  }
0x20: {  	[hbm:s7], [sflag:s11] =	dma.local [spmem:s22], $0x1400  }
0x21: {  	_ =	swait.ge [sflag:s23], $0x1400  }
0x22: {  	[sflag:s23] =	ssyncset.done $0x0;
	s18 =	rddreg [dreg:$0xa]  }
0x23: {  	s20 =	sshrl.u32 s16, $0x3;
	s7 =	sadd.s32 s18, s15;
	[sflag:s23] =	ssyncadd.s32 $0xFFFFEC00  }
0x24: {  	[hbm:s7], [sflag:s11] =	dma.local [spmem:s20], $0x280  }
0x25: {  	_ =	swait.ge [sflag:s23], $0x280  }
0x26: {  	s6 =	sadd.s32 $0x1, s6;
	s22 =	rddreg [dreg:$0x13]  }
0x27: {  	p1 =	sne.s32 s6, s22  }
.Ltmp1:
0x28: {  	_ = 	snop;
	(pc) =	sbr.rel @!p1 .LBB2_15-.Ltmp1, $3  }
0x29: {  	_ =	sdelay $0x1  }
0x2a: {  	[sflag:s23] =	ssyncset.done $0x0  }
0x2b: {  	[sflag:s23] =	ssyncadd.s32 $0xFFFFFD80  }
.LBB2_1:
.Ltmp2:
0x2c: {  	(pc) =	sbr.rel @!p0 .LBB2_2-.Ltmp2, $2  }
0x2d: {  	_ =	sdelay $0x2  }
0x2e: {  	s15 =	simm.s32 $0x0  }
0x2f: {  	s7 =	rddreg [dreg:$0xf]  }
0x30: {  	[tilespmem:s15], [sflag:$0xA] =	stream.linear.gather [hbm4b:s7+s15], $0x5000, $0x38;
	[tilespmem:$0x1D4E8] =	vst v63  }
0x31: {  	_ =	swait.ge [sflag:s23], $0x5000  }
0x32: {  	[sflag:s23] =	ssyncset.done $0x0  }
0x33: {  	s18 =	rddreg [dreg:$0x10];
	[sflag:s23] =	ssyncadd.s32 $0xFFFFB000  }
0x34: {  	[tilespmem:s24], [sflag:$0xA] =	stream.linear.gather [hbm4b:s18+s15], $0x5000, $0x38;
	[tilespmem:$0x1D4E8] =	vst v63  }
0x35: {  	s20 =	stileid.u32;
	_ =	swait.ge [sflag:s23], $0x5000  }
0x36: {  	s22 =	sshrl.u32 s14, $0x3;
	s7 =	sshll.u32 s20, $0x6;
	[sflag:s23] =	ssyncset.done $0x0  }
0x37: {  	s11 =	sor.u32 $0x1C0A, s7;
	s17 =	rddreg [dreg:$0xd];
	[sflag:s23] =	ssyncadd.s32 $0xFFFFB000  }
0x38: {  	[spmem:s22], [sflag:s11] =	dma.local [hbm:s17], $0x1400  }
0x39: {  	_ =	swait.ge [sflag:s23], $0x1400  }
0x3a: {  	[sflag:s23] =	ssyncset.done $0x0  }
0x3b: {  	s17 =	sshrl.u32 s16, $0x3;
	s18 =	rddreg [dreg:$0xe];
	[sflag:s23] =	ssyncadd.s32 $0xFFFFEC00  }
0x3c: {  	[spmem:s17], [sflag:s11] =	dma.local [hbm:s18], $0x280  }
0x3d: {  	_ =	swait.ge [sflag:s23], $0x280  }
0x3e: {  	[sflag:s23] =	ssyncset.done $0x0  }
0x3f: {  	s20 =	rddreg [dreg:$0x8];
	[sflag:s23] =	ssyncadd.s32 $0xFFFFFD80  }
0x40: {  	[tilespmem:s25], [sflag:$0xA] =	stream.linear.gather [hbm4b:s20+s15], $0x3E8, $0x38;
	[tilespmem:$0x1D4E8] =	vst v63  }
0x41: {  	_ =	swait.ge [sflag:s23], $0x3E8  }
0x42: {  	[sflag:s23] =	ssyncset.done $0x0  }
0x43: {  	[sflag:s23] =	ssyncadd.s32 $0xFFFFFC18  }
0x44: {  	[bflag:$0x0] =	sbarrier.arrive $0xFFFF  }
0x45: {  	[tilespmem:s28], [sflag:$0x1] =	stream.indirect.gather [hbm4b:s1+s26], $0x40, s15, s26, $0xb8;
	[tilespmem:$0x1D4E8] =	vst v63  }
0x46: {  	s22 =	simm.s32 $0x80  }
0x47: {  	[tilespmem:s30], [sflag:$0x2] =	stream.indirect.gather [hbm4b:s1+s26], $0x40, s22, s26, $0xb8;
	[tilespmem:$0x1D4E8] =	vst v63  }
0x48: {  	s17 =	simm.s32 $0x100  }
0x49: {  	[tilespmem:s0], [sflag:$0x3] =	stream.indirect.gather [hbm4b:s1+s26], $0x40, s17, s26, $0xb8;
	[tilespmem:$0x1D4E8] =	vst v63  }
0x4a: {  	_ =	swait.ge [sflag:s12], $0x1F40  }
0x4b: {  	[sflag:s12] =	ssyncset.done $0x0  }
0x4c: {  	[sflag:s12] =	ssyncadd.s32 $0xFFFFE0C0  }
0x4d: {  	[spmem:s4] =	stream.indirect.scatter.add.bf16 [tilespmem:s28], [sflag:$0x5], $0x40, s24, s26, $0xb8;
	[tilespmem:$0x1D4E8] =	vst v63  }
0x4e: {  	_ = 	snop  }
0x4f: {  	[spmem:s5] =	stream.indirect.scatter.add.f32 [tilespmem:s25], [sflag:$0x9], $0x8, s24, s26, $0xb8;
	[tilespmem:$0x1D4E8] =	vst v63  }
0x50: {  	s18 =	simm.s32 $0x180  }
0x51: {  	[tilespmem:s29], [sflag:$0x4] =	stream.indirect.gather [hbm4b:s1+s26], $0x40, s18, s26, $0xb8;
	[tilespmem:$0x1D4E8] =	vst v63  }
0x52: {  	_ =	swait.ge [sflag:s31], $0x1F40  }
0x53: {  	[sflag:s31] =	ssyncset.done $0x0  }
0x54: {  	s20 =	simm.s32 $0x5080;
	[sflag:s31] =	ssyncadd.s32 $0xFFFFE0C0  }
0x55: {  	[spmem:s4] =	stream.indirect.scatter.add.bf16 [tilespmem:s30], [sflag:$0x6], $0x40, s20, s26, $0xb8;
	[tilespmem:$0x1D4E8] =	vst v63  }
0x56: {  	_ = 	snop  }
0x57: {  	[spmem:s5] =	stream.indirect.scatter.add.f32 [tilespmem:s25], [sflag:$0x9], $0x8, s20, s26, $0xb8;
	[tilespmem:$0x1D4E8] =	vst v63  }
0x58: {  	_ =	swait.ge [sflag:s2], $0x1F40  }
0x59: {  	[sflag:s2] =	ssyncset.done $0x0  }
0x5a: {  	s22 =	simm.s32 $0x200;
	[sflag:s2] =	ssyncadd.s32 $0xFFFFE0C0  }
0x5b: {  	[tilespmem:s28], [sflag:$0x1] =	stream.indirect.gather [hbm4b:s1+s26], $0x40, s22, s26, $0xb8;
	[tilespmem:$0x1D4E8] =	vst v63  }
0x5c: {  	_ =	swait.ge [sflag:s13], $0x1F40  }
0x5d: {  	[sflag:s13] =	ssyncset.done $0x0  }
0x5e: {  	s17 =	simm.s32 $0x5100;
	[sflag:s13] =	ssyncadd.s32 $0xFFFFE0C0  }
0x5f: {  	[spmem:s4] =	stream.indirect.scatter.add.bf16 [tilespmem:s0], [sflag:$0x7], $0x40, s17, s26, $0xb8;
	[tilespmem:$0x1D4E8] =	vst v63  }
0x60: {  	_ = 	snop  }
0x61: {  	[spmem:s5] =	stream.indirect.scatter.add.f32 [tilespmem:s25], [sflag:$0x9], $0x8, s17, s26, $0xb8;
	[tilespmem:$0x1D4E8] =	vst v63  }
0x62: {  	_ =	swait.ge [sflag:s21], $0x1F40  }
0x63: {  	[sflag:s21] =	ssyncset.done $0x0  }
0x64: {  	s18 =	simm.s32 $0x280;
	[sflag:s21] =	ssyncadd.s32 $0xFFFFE0C0  }
0x65: {  	[tilespmem:s30], [sflag:$0x2] =	stream.indirect.gather [hbm4b:s1+s26], $0x40, s18, s26, $0xb8;
	[tilespmem:$0x1D4E8] =	vst v63  }
0x66: {  	_ =	swait.ge [sflag:s19], $0x1F40  }
0x67: {  	[sflag:s19] =	ssyncset.done $0x0  }
0x68: {  	s20 =	simm.s32 $0x5180;
	[sflag:s19] =	ssyncadd.s32 $0xFFFFE0C0  }
0x69: {  	[spmem:s4] =	stream.indirect.scatter.add.bf16 [tilespmem:s29], [sflag:$0x8], $0x40, s20, s26, $0xb8;
	[tilespmem:$0x1D4E8] =	vst v63  }
0x6a: {  	_ = 	snop  }
0x6b: {  	[spmem:s5] =	stream.indirect.scatter.add.f32 [tilespmem:s25], [sflag:$0x9], $0x8, s20, s26, $0xb8;
	[tilespmem:$0x1D4E8] =	vst v63  }
0x6c: {  	_ =	swait.ge [sflag:s8], $0x1F40  }
0x6d: {  	[sflag:s8] =	ssyncset.done $0x0  }
0x6e: {  	s22 =	simm.s32 $0x300;
	[sflag:s8] =	ssyncadd.s32 $0xFFFFE0C0  }
0x6f: {  	[tilespmem:s0], [sflag:$0x3] =	stream.indirect.gather [hbm4b:s1+s26], $0x40, s22, s26, $0xb8;
	[tilespmem:$0x1D4E8] =	vst v63  }
.LBB2_9:
0x70: {  	_ =	swait.ge [sflag:s12], $0x1F40  }
0x71: {  	s17 =	sshra.s32 s15, $0x2;
	[sflag:s12] =	ssyncset.done $0x0  }
0x72: {  	s7 =	sadd.s32 $0x5200, s17;
	[sflag:s12] =	ssyncadd.s32 $0xFFFFE0C0  }
0x73: {  	[spmem:s4] =	stream.indirect.scatter.add.bf16 [tilespmem:s28], [sflag:$0x5], $0x40, s7, s26, $0xb8;
	[tilespmem:$0x1D4E8] =	vst v63  }
0x74: {  	_ = 	snop  }
0x75: {  	[spmem:s5] =	stream.indirect.scatter.add.f32 [tilespmem:s25], [sflag:$0x9], $0x8, s7, s26, $0xb8;
	[tilespmem:$0x1D4E8] =	vst v63  }
0x76: {  	_ =	swait.ge [sflag:s9], $0x1F40  }
0x77: {  	[sflag:s9] =	ssyncset.done $0x0  }
0x78: {  	s18 =	sadd.s32 $0x380, s17;
	[sflag:s9] =	ssyncadd.s32 $0xFFFFE0C0  }
0x79: {  	[tilespmem:s29], [sflag:$0x4] =	stream.indirect.gather [hbm4b:s1+s26], $0x40, s18, s26, $0xb8;
	[tilespmem:$0x1D4E8] =	vst v63  }
0x7a: {  	_ =	swait.ge [sflag:s31], $0x1F40  }
0x7b: {  	[sflag:s31] =	ssyncset.done $0x0  }
0x7c: {  	p1 =	seq.s32 s15, $0x13000;
	s20 =	sadd.s32 $0x5280, s17;
	[sflag:s31] =	ssyncadd.s32 $0xFFFFE0C0  }
0x7d: {  	[spmem:s4] =	stream.indirect.scatter.add.bf16 [tilespmem:s30], [sflag:$0x6], $0x40, s20, s26, $0xb8;
	[tilespmem:$0x1D4E8] =	vst v63  }
0x7e: {  	s7 =	simm.s32 @p1 $0x3  }
0x7f: {  	[spmem:s5] =	stream.indirect.scatter.add.f32 [tilespmem:s25], [sflag:$0x9], $0x8, s20, s26, $0xb8;
	[tilespmem:$0x1D4E8] =	vst v63  }
0x80: {  	_ =	swait.ge @p1 [sflag:s7], $0x1F40  }
0x81: {  	[sflag:s7] =	ssyncset.done @p1 $0x0  }
0x82: {  	[sflag:s7] =	ssyncadd.s32 @p1 $0xFFFFE0C0;
	s7 =	sshra.s32 @p1 s15, $0x2  }
0x83: {  	s18 =	simm.s32 @p1 $0x7D;
	s20 =	simm.s32 @p1 $0xDE80;
	s7 =	sadd.s32 @p1 $0x5300, s7  }
0x84: {  	[spmem:s4] =	stream.indirect.scatter.add.bf16 @p1 [tilespmem:s20], [sflag:$0x7], $0x40, s7, s18, $0xb8;
	[tilespmem:$0x1D4E8] =	vst v63  }
0x85: {  	s20 =	simm.s32 @p1 $0x11D00  }
0x86: {  	[spmem:s5] =	stream.indirect.scatter.add.f32 @p1 [tilespmem:s20], [sflag:$0x9], $0x8, s7, s18, $0xb8;
	[tilespmem:$0x1D4E8] =	vst v63  }
0x87: {  	s7 =	simm.s32 @!p1 $0x5  }
0x88: {  	_ =	swait.ge @!p1 [sflag:s7], $0x1F40  }
0x89: {  	[sflag:s7] =	ssyncset.done @!p1 $0x0  }
0x8a: {  	[sflag:s7] =	ssyncadd.s32 @!p1 $0xFFFFE0C0;
	s7 =	sshra.s32 @!p1 s15, $0x2  }
0x8b: {  	s22 =	simm.s32 @!p1 $0xA000;
	s20 =	simm.s32 @!p1 $0x7D;
	s18 =	sadd.s32 @!p1 $0x400, s7  }
0x8c: {  	[tilespmem:s22], [sflag:$0x1] =	stream.indirect.gather @!p1 [hbm4b:s1+s20], $0x40, s18, s20, $0xb8;
	[tilespmem:$0x1D4E8] =	vst v63  }
0x8d: {  	s18 =	simm.s32 @!p1 $0x3  }
0x8e: {  	_ =	swait.ge @!p1 [sflag:s18], $0x1F40  }
0x8f: {  	[sflag:s18] =	ssyncset.done @!p1 $0x0  }
0x90: {  	s22 =	simm.s32 @!p1 $0xDE80;
	[sflag:s18] =	ssyncadd.s32 @!p1 $0xFFFFE0C0;
	s18 =	sadd.s32 @!p1 $0x5300, s7  }
0x91: {  	[spmem:s4] =	stream.indirect.scatter.add.bf16 @!p1 [tilespmem:s22], [sflag:$0x7], $0x40, s18, s20, $0xb8;
	[tilespmem:$0x1D4E8] =	vst v63  }
0x92: {  	s22 =	simm.s32 @!p1 $0x11D00  }
0x93: {  	[spmem:s5] =	stream.indirect.scatter.add.f32 @!p1 [tilespmem:s22], [sflag:$0x9], $0x8, s18, s20, $0xb8;
	[tilespmem:$0x1D4E8] =	vst v63  }
0x94: {  	s18 =	simm.s32 @!p1 $0x6  }
0x95: {  	_ =	swait.ge @!p1 [sflag:s18], $0x1F40  }
0x96: {  	[sflag:s18] =	ssyncset.done @!p1 $0x0  }
0x97: {  	s7 =	sadd.s32 @!p1 $0x480, s7;
	[sflag:s18] =	ssyncadd.s32 @!p1 $0xFFFFE0C0;
	s18 =	simm.s32 @!p1 $0xBF40  }
0x98: {  	[tilespmem:s18], [sflag:$0x2] =	stream.indirect.gather @!p1 [hbm4b:s1+s20], $0x40, s7, s20, $0xb8;
	[tilespmem:$0x1D4E8] =	vst v63  }
0x99: {  	_ =	swait.ge [sflag:s19], $0x1F40  }
.Ltmp3:
0x9a: {  	[sflag:s19] =	ssyncset.done $0x0;
	(pc) =	sbr.rel @p1 .LBB2_11-.Ltmp3, $4  }
0x9b: {  	s22 =	sadd.s32 $0x5380, s17;
	[sflag:s19] =	ssyncadd.s32 $0xFFFFE0C0  }
0x9c: {  	[spmem:s4] =	stream.indirect.scatter.add.bf16 [tilespmem:s29], [sflag:$0x8], $0x40, s22, s26, $0xb8;
	[tilespmem:$0x1D4E8] =	vst v63  }
0x9d: {  	_ = 	snop  }
0x9e: {  	[spmem:s5] =	stream.indirect.scatter.add.f32 [tilespmem:s25], [sflag:$0x9], $0x8, s22, s26, $0xb8;
	[tilespmem:$0x1D4E8] =	vst v63  }
.Ltmp4:
0x9f: {  	(pc) =	sbr.rel .LBB2_9-.Ltmp4, $4  }
0xa0: {  	_ =	swait.ge [sflag:s8], $0x1F40  }
0xa1: {  	[sflag:s8] =	ssyncset.done $0x0  }
0xa2: {  	s7 =	sadd.s32 $0x500, s17;
	s15 =	sadd.s32 $0x800, s15;
	[sflag:s8] =	ssyncadd.s32 $0xFFFFE0C0  }
0xa3: {  	[tilespmem:s0], [sflag:$0x3] =	stream.indirect.gather [hbm4b:s1+s26], $0x40, s7, s26, $0xb8;
	[tilespmem:$0x1D4E8] =	vst v63  }
.LBB2_2:
0xa4: {  	s7 =	rddreg [dreg:$0xb]  }
0xa5: {  	[tilespmem:s15], [sflag:$0xA] =	stream.linear.gather [hbm4b:s7+s15], $0x5000, $0x38;
	[tilespmem:$0x1D4E8] =	vst v63  }
0xa6: {  	_ =	swait.ge [sflag:s23], $0x5000  }
0xa7: {  	[sflag:s23] =	ssyncset.done $0x0  }
0xa8: {  	s18 =	rddreg [dreg:$0xc];
	[sflag:s23] =	ssyncadd.s32 $0xFFFFB000  }
0xa9: {  	[tilespmem:s24], [sflag:$0xA] =	stream.linear.gather [hbm4b:s18+s15], $0x5000, $0x38;
	[tilespmem:$0x1D4E8] =	vst v63  }
0xaa: {  	s20 =	stileid.u32;
	_ =	swait.ge [sflag:s23], $0x5000  }
0xab: {  	s17 =	sshrl.u32 s14, $0x3;
	s11 =	sshll.u32 s20, $0x6;
	[sflag:s23] =	ssyncset.done $0x0  }
0xac: {  	s11 =	sor.u32 $0x1C0A, s11;
	s22 =	rddreg [dreg:$0xd];
	[sflag:s23] =	ssyncadd.s32 $0xFFFFB000  }
0xad: {  	[spmem:s17], [sflag:s11] =	dma.local [hbm:s22], $0x1400  }
0xae: {  	_ =	swait.ge [sflag:s23], $0x1400  }
0xaf: {  	[sflag:s23] =	ssyncset.done $0x0  }
0xb0: {  	s7 =	sshrl.u32 s16, $0x3;
	s18 =	rddreg [dreg:$0xe];
	[sflag:s23] =	ssyncadd.s32 $0xFFFFEC00  }
0xb1: {  	[spmem:s7], [sflag:s11] =	dma.local [hbm:s18], $0x280  }
0xb2: {  	_ =	swait.ge [sflag:s23], $0x280  }
0xb3: {  	[sflag:s23] =	ssyncset.done $0x0  }
0xb4: {  	s20 =	rddreg [dreg:$0x8];
	[sflag:s23] =	ssyncadd.s32 $0xFFFFFD80  }
0xb5: {  	[tilespmem:s25], [sflag:$0xA] =	stream.linear.gather [hbm4b:s20+s15], $0x3E8, $0x38;
	[tilespmem:$0x1D4E8] =	vst v63  }
0xb6: {  	_ =	swait.ge [sflag:s23], $0x3E8  }
0xb7: {  	[sflag:s23] =	ssyncset.done $0x0  }
0xb8: {  	[sflag:s23] =	ssyncadd.s32 $0xFFFFFC18  }
0xb9: {  	[bflag:$0x0] =	sbarrier.arrive $0xFFFF  }
0xba: {  	[tilespmem:s28], [sflag:$0x1] =	stream.indirect.gather [hbm4b:s3+s26], $0x40, s15, s26, $0xb8;
	[tilespmem:$0x1D4E8] =	vst v63  }
0xbb: {  	s22 =	simm.s32 $0x80  }
0xbc: {  	[tilespmem:s30], [sflag:$0x2] =	stream.indirect.gather [hbm4b:s3+s26], $0x40, s22, s26, $0xb8;
	[tilespmem:$0x1D4E8] =	vst v63  }
0xbd: {  	s17 =	simm.s32 $0x100  }
0xbe: {  	[tilespmem:s0], [sflag:$0x3] =	stream.indirect.gather [hbm4b:s3+s26], $0x40, s17, s26, $0xb8;
	[tilespmem:$0x1D4E8] =	vst v63  }
0xbf: {  	_ =	swait.ge [sflag:s12], $0x1F40  }
0xc0: {  	[sflag:s12] =	ssyncset.done $0x0  }
0xc1: {  	[sflag:s12] =	ssyncadd.s32 $0xFFFFE0C0  }
0xc2: {  	[spmem:s4] =	stream.indirect.scatter.add.bf16 [tilespmem:s28], [sflag:$0x5], $0x40, s24, s26, $0xb8;
	[tilespmem:$0x1D4E8] =	vst v63  }
0xc3: {  	_ = 	snop  }
0xc4: {  	[spmem:s5] =	stream.indirect.scatter.add.f32 [tilespmem:s25], [sflag:$0x9], $0x8, s24, s26, $0xb8;
	[tilespmem:$0x1D4E8] =	vst v63  }
0xc5: {  	s18 =	simm.s32 $0x180  }
0xc6: {  	[tilespmem:s29], [sflag:$0x4] =	stream.indirect.gather [hbm4b:s3+s26], $0x40, s18, s26, $0xb8;
	[tilespmem:$0x1D4E8] =	vst v63  }
0xc7: {  	_ =	swait.ge [sflag:s31], $0x1F40  }
0xc8: {  	[sflag:s31] =	ssyncset.done $0x0  }
0xc9: {  	s20 =	simm.s32 $0x5080;
	[sflag:s31] =	ssyncadd.s32 $0xFFFFE0C0  }
0xca: {  	[spmem:s4] =	stream.indirect.scatter.add.bf16 [tilespmem:s30], [sflag:$0x6], $0x40, s20, s26, $0xb8;
	[tilespmem:$0x1D4E8] =	vst v63  }
0xcb: {  	_ = 	snop  }
0xcc: {  	[spmem:s5] =	stream.indirect.scatter.add.f32 [tilespmem:s25], [sflag:$0x9], $0x8, s20, s26, $0xb8;
	[tilespmem:$0x1D4E8] =	vst v63  }
0xcd: {  	_ =	swait.ge [sflag:s2], $0x1F40  }
0xce: {  	[sflag:s2] =	ssyncset.done $0x0  }
0xcf: {  	s22 =	simm.s32 $0x200;
	[sflag:s2] =	ssyncadd.s32 $0xFFFFE0C0  }
0xd0: {  	[tilespmem:s28], [sflag:$0x1] =	stream.indirect.gather [hbm4b:s3+s26], $0x40, s22, s26, $0xb8;
	[tilespmem:$0x1D4E8] =	vst v63  }
0xd1: {  	_ =	swait.ge [sflag:s13], $0x1F40  }
0xd2: {  	[sflag:s13] =	ssyncset.done $0x0  }
0xd3: {  	s17 =	simm.s32 $0x5100;
	[sflag:s13] =	ssyncadd.s32 $0xFFFFE0C0  }
0xd4: {  	[spmem:s4] =	stream.indirect.scatter.add.bf16 [tilespmem:s0], [sflag:$0x7], $0x40, s17, s26, $0xb8;
	[tilespmem:$0x1D4E8] =	vst v63  }
0xd5: {  	_ = 	snop  }
0xd6: {  	[spmem:s5] =	stream.indirect.scatter.add.f32 [tilespmem:s25], [sflag:$0x9], $0x8, s17, s26, $0xb8;
	[tilespmem:$0x1D4E8] =	vst v63  }
0xd7: {  	_ =	swait.ge [sflag:s21], $0x1F40  }
0xd8: {  	[sflag:s21] =	ssyncset.done $0x0  }
0xd9: {  	s18 =	simm.s32 $0x280;
	[sflag:s21] =	ssyncadd.s32 $0xFFFFE0C0  }
0xda: {  	[tilespmem:s30], [sflag:$0x2] =	stream.indirect.gather [hbm4b:s3+s26], $0x40, s18, s26, $0xb8;
	[tilespmem:$0x1D4E8] =	vst v63  }
0xdb: {  	_ =	swait.ge [sflag:s19], $0x1F40  }
0xdc: {  	[sflag:s19] =	ssyncset.done $0x0  }
0xdd: {  	s20 =	simm.s32 $0x5180;
	[sflag:s19] =	ssyncadd.s32 $0xFFFFE0C0  }
0xde: {  	[spmem:s4] =	stream.indirect.scatter.add.bf16 [tilespmem:s29], [sflag:$0x8], $0x40, s20, s26, $0xb8;
	[tilespmem:$0x1D4E8] =	vst v63  }
0xdf: {  	_ = 	snop  }
0xe0: {  	[spmem:s5] =	stream.indirect.scatter.add.f32 [tilespmem:s25], [sflag:$0x9], $0x8, s20, s26, $0xb8;
	[tilespmem:$0x1D4E8] =	vst v63  }
0xe1: {  	_ =	swait.ge [sflag:s8], $0x1F40  }
0xe2: {  	[sflag:s8] =	ssyncset.done $0x0  }
0xe3: {  	s22 =	simm.s32 $0x300;
	[sflag:s8] =	ssyncadd.s32 $0xFFFFE0C0  }
0xe4: {  	[tilespmem:s0], [sflag:$0x3] =	stream.indirect.gather [hbm4b:s3+s26], $0x40, s22, s26, $0xb8;
	[tilespmem:$0x1D4E8] =	vst v63  }
.LBB2_3:
0xe5: {  	_ =	swait.ge [sflag:s12], $0x1F40  }
0xe6: {  	s17 =	sshra.s32 s15, $0x2;
	[sflag:s12] =	ssyncset.done $0x0  }
0xe7: {  	s22 =	sadd.s32 $0x5200, s17;
	[sflag:s12] =	ssyncadd.s32 $0xFFFFE0C0  }
0xe8: {  	[spmem:s4] =	stream.indirect.scatter.add.bf16 [tilespmem:s28], [sflag:$0x5], $0x40, s22, s26, $0xb8;
	[tilespmem:$0x1D4E8] =	vst v63  }
0xe9: {  	_ = 	snop  }
0xea: {  	[spmem:s5] =	stream.indirect.scatter.add.f32 [tilespmem:s25], [sflag:$0x9], $0x8, s22, s26, $0xb8;
	[tilespmem:$0x1D4E8] =	vst v63  }
0xeb: {  	_ =	swait.ge [sflag:s9], $0x1F40  }
0xec: {  	[sflag:s9] =	ssyncset.done $0x0  }
0xed: {  	s18 =	sadd.s32 $0x380, s17;
	[sflag:s9] =	ssyncadd.s32 $0xFFFFE0C0  }
0xee: {  	[tilespmem:s29], [sflag:$0x4] =	stream.indirect.gather [hbm4b:s3+s26], $0x40, s18, s26, $0xb8;
	[tilespmem:$0x1D4E8] =	vst v63  }
0xef: {  	_ =	swait.ge [sflag:s31], $0x1F40  }
0xf0: {  	[sflag:s31] =	ssyncset.done $0x0  }
0xf1: {  	p1 =	seq.s32 s15, $0x13000;
	s20 =	sadd.s32 $0x5280, s17;
	[sflag:s31] =	ssyncadd.s32 $0xFFFFE0C0  }
0xf2: {  	[spmem:s4] =	stream.indirect.scatter.add.bf16 [tilespmem:s30], [sflag:$0x6], $0x40, s20, s26, $0xb8;
	[tilespmem:$0x1D4E8] =	vst v63  }
0xf3: {  	s22 =	simm.s32 @p1 $0x3  }
0xf4: {  	[spmem:s5] =	stream.indirect.scatter.add.f32 [tilespmem:s25], [sflag:$0x9], $0x8, s20, s26, $0xb8;
	[tilespmem:$0x1D4E8] =	vst v63  }
0xf5: {  	_ =	swait.ge @p1 [sflag:s22], $0x1F40  }
0xf6: {  	[sflag:s22] =	ssyncset.done @p1 $0x0  }
0xf7: {  	[sflag:s22] =	ssyncadd.s32 @p1 $0xFFFFE0C0;
	s22 =	sshra.s32 @p1 s15, $0x2  }
0xf8: {  	s18 =	simm.s32 @p1 $0x7D;
	s20 =	simm.s32 @p1 $0xDE80;
	s22 =	sadd.s32 @p1 $0x5300, s22  }
0xf9: {  	[spmem:s4] =	stream.indirect.scatter.add.bf16 @p1 [tilespmem:s20], [sflag:$0x7], $0x40, s22, s18, $0xb8;
	[tilespmem:$0x1D4E8] =	vst v63  }
0xfa: {  	s20 =	simm.s32 @p1 $0x11D00  }
0xfb: {  	[spmem:s5] =	stream.indirect.scatter.add.f32 @p1 [tilespmem:s20], [sflag:$0x9], $0x8, s22, s18, $0xb8;
	[tilespmem:$0x1D4E8] =	vst v63  }
0xfc: {  	s18 =	simm.s32 @!p1 $0x5  }
0xfd: {  	_ =	swait.ge @!p1 [sflag:s18], $0x1F40  }
0xfe: {  	[sflag:s18] =	ssyncset.done @!p1 $0x0  }
0xff: {  	[sflag:s18] =	ssyncadd.s32 @!p1 $0xFFFFE0C0;
	s18 =	sshra.s32 @!p1 s15, $0x2  }
0x100: {  	s7 =	simm.s32 @!p1 $0xA000;
	s22 =	simm.s32 @!p1 $0x7D;
	s20 =	sadd.s32 @!p1 $0x400, s18  }
0x101: {  	[tilespmem:s7], [sflag:$0x1] =	stream.indirect.gather @!p1 [hbm4b:s3+s22], $0x40, s20, s22, $0xb8;
	[tilespmem:$0x1D4E8] =	vst v63  }
0x102: {  	s7 =	simm.s32 @!p1 $0x3  }
0x103: {  	_ =	swait.ge @!p1 [sflag:s7], $0x1F40  }
0x104: {  	[sflag:s7] =	ssyncset.done @!p1 $0x0  }
0x105: {  	s20 =	simm.s32 @!p1 $0xDE80;
	[sflag:s7] =	ssyncadd.s32 @!p1 $0xFFFFE0C0;
	s7 =	sadd.s32 @!p1 $0x5300, s18  }
0x106: {  	[spmem:s4] =	stream.indirect.scatter.add.bf16 @!p1 [tilespmem:s20], [sflag:$0x7], $0x40, s7, s22, $0xb8;
	[tilespmem:$0x1D4E8] =	vst v63  }
0x107: {  	s20 =	simm.s32 @!p1 $0x11D00  }
0x108: {  	[spmem:s5] =	stream.indirect.scatter.add.f32 @!p1 [tilespmem:s20], [sflag:$0x9], $0x8, s7, s22, $0xb8;
	[tilespmem:$0x1D4E8] =	vst v63  }
0x109: {  	s7 =	simm.s32 @!p1 $0x6  }
0x10a: {  	_ =	swait.ge @!p1 [sflag:s7], $0x1F40  }
0x10b: {  	[sflag:s7] =	ssyncset.done @!p1 $0x0  }
0x10c: {  	[sflag:s7] =	ssyncadd.s32 @!p1 $0xFFFFE0C0;
	s7 =	sadd.s32 @!p1 $0x480, s18;
	s18 =	simm.s32 @!p1 $0xBF40  }
0x10d: {  	[tilespmem:s18], [sflag:$0x2] =	stream.indirect.gather @!p1 [hbm4b:s3+s22], $0x40, s7, s22, $0xb8;
	[tilespmem:$0x1D4E8] =	vst v63  }
0x10e: {  	_ =	swait.ge [sflag:s19], $0x1F40  }
.Ltmp5:
0x10f: {  	[sflag:s19] =	ssyncset.done $0x0;
	(pc) =	sbr.rel @p1 .LBB2_5-.Ltmp5, $4  }
0x110: {  	s22 =	sadd.s32 $0x5380, s17;
	[sflag:s19] =	ssyncadd.s32 $0xFFFFE0C0  }
0x111: {  	[spmem:s4] =	stream.indirect.scatter.add.bf16 [tilespmem:s29], [sflag:$0x8], $0x40, s22, s26, $0xb8;
	[tilespmem:$0x1D4E8] =	vst v63  }
0x112: {  	_ = 	snop  }
0x113: {  	[spmem:s5] =	stream.indirect.scatter.add.f32 [tilespmem:s25], [sflag:$0x9], $0x8, s22, s26, $0xb8;
	[tilespmem:$0x1D4E8] =	vst v63  }
.Ltmp6:
0x114: {  	(pc) =	sbr.rel .LBB2_3-.Ltmp6, $4  }
0x115: {  	_ =	swait.ge [sflag:s8], $0x1F40  }
0x116: {  	[sflag:s8] =	ssyncset.done $0x0  }
0x117: {  	s7 =	sadd.s32 $0x500, s17;
	s15 =	sadd.s32 $0x800, s15;
	[sflag:s8] =	ssyncadd.s32 $0xFFFFE0C0  }
0x118: {  	[tilespmem:s0], [sflag:$0x3] =	stream.indirect.gather [hbm4b:s3+s26], $0x40, s7, s26, $0xb8;
	[tilespmem:$0x1D4E8] =	vst v63  }
.LBB2_11:
0x119: {  	_ =	swait.ge [sflag:s2], $0x1F40  }
0x11a: {  	[sflag:s2] =	ssyncset.done $0x0  }
0x11b: {  	[sflag:s2] =	ssyncadd.s32 $0xFFFFE0C0  }
0x11c: {  	_ =	swait.ge [sflag:s21], $0x1F40  }
0x11d: {  	[sflag:s21] =	ssyncset.done $0x0  }
0x11e: {  	[sflag:s21] =	ssyncadd.s32 $0xFFFFE0C0  }
0x11f: {  	_ =	swait.ge [sflag:s8], $0x1F40  }
0x120: {  	[sflag:s8] =	ssyncset.done $0x0  }
0x121: {  	[sflag:s8] =	ssyncadd.s32 $0xFFFFE0C0  }
0x122: {  	_ =	swait.ge [sflag:s9], $0x1F40  }
0x123: {  	[sflag:s9] =	ssyncset.done $0x0  }
0x124: {  	[sflag:s9] =	ssyncadd.s32 $0xFFFFE0C0  }
0x125: {  	_ =	swait.ge [sflag:s10], $0x3E8  }
0x126: {  	s15 =	simm.s32 $0x9F;
	[sflag:s10] =	ssyncset.done $0x0  }
.LBB2_12:
0x127: {  	p1 =	sne.s32 s15, $0x1;
	s15 =	sadd.s32 $0xFFFFFFFF, s15;
	[sflag:s10] =	ssyncadd.s32 $0xFFFFFC18  }
.Ltmp7:
0x128: {  	(pc) =	sbr.rel @p1 .LBB2_12-.Ltmp7, $3  }
0x129: {  	_ =	sdelay $0x1  }
0x12a: {  	_ =	swait.ge [sflag:s10], $0x3E8  }
0x12b: {  	[sflag:s10] =	ssyncset.done $0x0  }
.Ltmp8:
0x12c: {  	_ = 	snop;
	(pc) =	sbr.rel .LBB2_13-.Ltmp8, $1  }
0x12d: {  	_ =	sdelay $0x3  }
.LBB2_5:
0x12e: {  	_ =	swait.ge [sflag:s2], $0x1F40  }
0x12f: {  	[sflag:s2] =	ssyncset.done $0x0  }
0x130: {  	[sflag:s2] =	ssyncadd.s32 $0xFFFFE0C0  }
0x131: {  	_ =	swait.ge [sflag:s21], $0x1F40  }
0x132: {  	[sflag:s21] =	ssyncset.done $0x0  }
0x133: {  	[sflag:s21] =	ssyncadd.s32 $0xFFFFE0C0  }
0x134: {  	_ =	swait.ge [sflag:s8], $0x1F40  }
0x135: {  	[sflag:s8] =	ssyncset.done $0x0  }
0x136: {  	[sflag:s8] =	ssyncadd.s32 $0xFFFFE0C0  }
0x137: {  	_ =	swait.ge [sflag:s9], $0x1F40  }
0x138: {  	[sflag:s9] =	ssyncset.done $0x0  }
0x139: {  	[sflag:s9] =	ssyncadd.s32 $0xFFFFE0C0  }
0x13a: {  	_ =	swait.ge [sflag:s10], $0x3E8  }
0x13b: {  	s15 =	simm.s32 $0x9F;
	[sflag:s10] =	ssyncset.done $0x0  }
.LBB2_6:
0x13c: {  	p1 =	seq.s32 s15, $0x1;
	s15 =	sadd.s32 $0xFFFFFFFF, s15;
	[sflag:s10] =	ssyncadd.s32 $0xFFFFFC18  }
.Ltmp9:
0x13d: {  	(pc) =	sbr.rel @!p1 .LBB2_6-.Ltmp9, $3  }
0x13e: {  	_ =	sdelay $0x1  }
0x13f: {  	_ =	swait.ge [sflag:s10], $0x3E8  }
0x140: {  	[sflag:s10] =	ssyncset.done $0x0  }
.Ltmp10:
0x141: {  	(pc) =	sbr.rel .LBB2_14-.Ltmp10, $3  }
0x142: {  	_ =	sdelay $0x1  }
0x143: {  	s17 =	rddreg [dreg:$0x6]  }
0x144: {  	[sflag:s10] =	ssyncadd.s32 $0xFFFFFC18;
	s15 =	rddreg [dreg:$0x7]  }
.LBB2_15:
0x145: {  	_ =	sfence.sel $0x180000  }
0x146: {  	[bflag:$0x0] =	sbarrier.arrive $0xFFFF  }
0x147: {  	_ =	strace $0x90000047  }
0x148: {  	s0 =	stileid.u32;
	[bflag:$0x2] =	sbarrier.arrive $0xFFFF  }
0x149: {  	p0 =	sne.s32 s0, $0x0;
	s0 =	rddreg [dreg:$0x5]  }
0x14a: {  	s0 =	sadd.s32 @!p0 $0x100000, s0  }
0x14b: {  	[sflag:s0] =	ssyncadd.tile.s32 @!p0 $0x1;
	_ =	shalt  }
.Lfunc_end2:
_tile_overlayer_lowered:
.L_overlay_start_2:
0x14c: {  	(tag) =	ssettag $0x2  }
0x14d: {  	s0 =	rddreg [dreg:$0x0];
	s2 =	stileid.u32  }
0x14e: {  	s1 =	rddreg [dreg:$0x1];
	p0 =	sne.s32 s2, $0x0  }
0x14f: {  	s3 =	rddreg [dreg:$0x2];
	[bflag:$0x3] =	sbarrier.arrive $0xFFFF;
	s2 =	simm.s32 @!p0 $0x1C0A  }
0x150: {  	[timem:s3], [sflag:s2] =	dma.local @!p0 [hbm:s0], s1  }
0x151: {  	s0 =	simm.s32 @!p0 $0xA  }
0x152: {  	_ =	swait.ge @!p0 [sflag:s0], s1  }
0x153: {  	s1 =	ssub.s32 @!p0 $0x0, s1;
	[sflag:s0] =	ssyncset.done @!p0 $0x0  }
0x154: {  	[sflag:s0] =	ssyncadd.s32 @!p0 s1  }
0x155: {  	[bflag:$0x3] =	sbarrier.arrive $0xFFFF  }
0x156: {  	_ =	shalt  }

</sc_bundles>
